<compile_context>
chip_gen: v7x
topology: tpu7x:2x2x1
jax: 0.10.2.dev20260603
libtpu: 0.0.44.dev20260713+nightly
codegen_flags: <defaults>
</compile_context>

<pallas_src>
import functools

import jax
import jax.numpy as jnp
from jax import lax
from jax.experimental import pallas as pl
from jax.experimental.pallas import tpu as pltpu
from jax.experimental.pallas import tpu_sc as plsc

B, F = 16384, 100
N = B * F
V = 1000000
NC, NS, L = 2, 16, 16
NW = NC * NS
PER_W = N // NW
CHUNK = 2048
NCHUNK = PER_W // CHUNK


NBUF = 6
AHEAD_G = 5


def _sc_body(idx_hbm, table_hbm, y_hbm, part_hbm,
             idx_bufs, row_bufs, acc_v, gsem, isem, wsem):
    wid = lax.axis_index("s") * NC + lax.axis_index("c")
    base = wid * PER_W

    def idx_start(ci):
        o = base + ci * CHUNK
        j = o // B
        i0 = o - j * B
        return pltpu.async_copy(
            idx_hbm.at[j, pl.ds(i0, CHUNK)], idx_bufs[ci % NBUF],
            isem[ci % NBUF])

    tb = table_hbm.at[0]

    def gather_start(ci):
        b = ci % NBUF
        return pltpu.async_copy(
            tb.at[idx_bufs[b]], row_bufs[b], gsem[b])

    def wb_start(ci):
        return pltpu.async_copy(
            row_bufs[ci % NBUF],
            y_hbm.at[pl.ds(base + ci * CHUNK, CHUNK)], wsem[ci % NBUF])

    iops, gops, wops = {}, {}, {}

    def start_gather(k):
        iops[k].wait()
        if k - NBUF >= 0:
            wops[k - NBUF].wait()
        gops[k] = gather_start(k)

    for k in range(min(NBUF, NCHUNK)):
        iops[k] = idx_start(k)
    for k in range(min(AHEAD_G, NCHUNK)):
        start_gather(k)

    acc = jnp.zeros((L,), jnp.float32)
    for ci in range(NCHUNK):
        gops[ci].wait()
        if ci + AHEAD_G < NCHUNK:
            start_gather(ci + AHEAD_G)
        if ci + NBUF < NCHUNK:
            iops[ci + NBUF] = idx_start(ci + NBUF)

        def vec_body(i, a, _buf=row_bufs[ci % NBUF]):
            v = _buf[pl.ds(i * L, L)]
            return a + jnp.maximum(v, 0.0)

        acc = lax.fori_loop(0, CHUNK // L, vec_body, acc)
        wops[ci] = wb_start(ci)
    for k in range(max(0, NCHUNK - NBUF), NCHUNK):
        wops[k].wait()
    acc_v[...] = acc
    pltpu.sync_copy(acc_v, part_hbm.at[wid])


_sc_gather = pl.kernel(
    _sc_body,
    out_type=[
        jax.ShapeDtypeStruct((N,), jnp.float32),
        jax.ShapeDtypeStruct((NW, L), jnp.float32),
    ],
    mesh=plsc.VectorSubcoreMesh(core_axis_name="c", subcore_axis_name="s"),
    scratch_types=[
        [pltpu.VMEM((CHUNK,), jnp.int32) for _ in range(NBUF)],
        [pltpu.VMEM((CHUNK,), jnp.float32) for _ in range(NBUF)],
        pltpu.VMEM((L,), jnp.float32),
        [pltpu.SemaphoreType.DMA for _ in range(NBUF)],
        [pltpu.SemaphoreType.DMA for _ in range(NBUF)],
        [pltpu.SemaphoreType.DMA for _ in range(NBUF)],
    ],
)

M, K = N // 128, 128
BM = 3200


def _tc_body(part_ref, y_ref, o_ref):
    inv = 1.0 / jnp.sum(part_ref[...])
    o_ref[...] = jnp.maximum(y_ref[...], 0.0) * inv


_tc_scale = pl.pallas_call(
    _tc_body,
    grid=(M // BM,),
    in_specs=[
        pl.BlockSpec((NW, L), lambda i: (0, 0)),
        pl.BlockSpec((BM, K), lambda i: (i, 0)),
    ],
    out_specs=pl.BlockSpec((BM, K), lambda i: (i, 0)),
    out_shape=jax.ShapeDtypeStruct((M, K), jnp.float32),
)


def kernel(x, weight):
    idx = jnp.transpose(x)
    table = jnp.transpose(weight)
    y, parts = _sc_gather(idx, table)
    out = _tc_scale(parts, y.reshape(M, K))
    return jnp.transpose(out.reshape(F, B, 1), (1, 0, 2))

# --- scband reference (transcript-rebuilt; emitter-appended) ---
"""Pipeline reference for scband-kallisto-a-29343216566646 (READ-ONLY COPY).

The authoritative reference and input builder live on the scoring server;
editing this copy changes nothing except your own understanding.
"""

import jax, jax.numpy as jnp
import numpy as np

VOCAB = 1000000
PAD = VOCAB - 1
EMBED_DIM = 1


def setup_inputs(seed: int = 0) -> dict:
    key = jax.random.key(seed)
    k1, k2 = jax.random.split(key)
    x = jax.random.randint(k1, (16384, 100), 0, VOCAB, dtype=jnp.int32)
    weight = jax.random.normal(k2, (VOCAB, EMBED_DIM), dtype=jnp.float32)
    # padding_idx row is zero-initialized in torch nn.Embedding
    weight = weight.at[PAD].set(0.0)
    return {"x": x, "weight": weight}


def reference(x, weight):
    emb = jnp.take(weight, x, axis=0)          # [B, F, 1] gather
    act = jax.nn.relu(emb)                     # active='ReLU'
    out = act / jnp.sum(act)                   # torch.div(x, torch.sum(x))
    return out

if __name__ == "__main__":
    import jax
    _d = setup_inputs()
    print(jax.jit(kernel)(*tuple(_d.values())))

</pallas_src>

<mosaic_0001>
#map = affine_map<(d0, d1) -> (0, 0)>
#map1 = affine_map<(d0, d1) -> (0)>
module attributes {stable_mosaic.version = 14 : i64} {
  func.func @_sc_body(%arg0: i32, %arg1: i32, %arg2: memref<100x16384xi32, #tpu.memory_space<hbm>>, %arg3: memref<1x1000000xf32, #tpu.memory_space<hbm>>, %arg4: memref<1638400xf32, #tpu.memory_space<hbm>>, %arg5: memref<32x16xf32, #tpu.memory_space<hbm>>, %arg6: memref<2048xi32, #tpu.memory_space<vmem>>, %arg7: memref<2048xi32, #tpu.memory_space<vmem>>, %arg8: memref<2048xi32, #tpu.memory_space<vmem>>, %arg9: memref<2048xi32, #tpu.memory_space<vmem>>, %arg10: memref<2048xi32, #tpu.memory_space<vmem>>, %arg11: memref<2048xi32, #tpu.memory_space<vmem>>, %arg12: memref<2048xf32, #tpu.memory_space<vmem>>, %arg13: memref<2048xf32, #tpu.memory_space<vmem>>, %arg14: memref<2048xf32, #tpu.memory_space<vmem>>, %arg15: memref<2048xf32, #tpu.memory_space<vmem>>, %arg16: memref<2048xf32, #tpu.memory_space<vmem>>, %arg17: memref<2048xf32, #tpu.memory_space<vmem>>, %arg18: memref<16xf32, #tpu.memory_space<vmem>>, %arg19: memref<!tpu.dma_semaphore, #tpu.memory_space<semaphore_mem>>, %arg20: memref<!tpu.dma_semaphore, #tpu.memory_space<semaphore_mem>>, %arg21: memref<!tpu.dma_semaphore, #tpu.memory_space<semaphore_mem>>, %arg22: memref<!tpu.dma_semaphore, #tpu.memory_space<semaphore_mem>>, %arg23: memref<!tpu.dma_semaphore, #tpu.memory_space<semaphore_mem>>, %arg24: memref<!tpu.dma_semaphore, #tpu.memory_space<semaphore_mem>>, %arg25: memref<!tpu.dma_semaphore, #tpu.memory_space<semaphore_mem>>, %arg26: memref<!tpu.dma_semaphore, #tpu.memory_space<semaphore_mem>>, %arg27: memref<!tpu.dma_semaphore, #tpu.memory_space<semaphore_mem>>, %arg28: memref<!tpu.dma_semaphore, #tpu.memory_space<semaphore_mem>>, %arg29: memref<!tpu.dma_semaphore, #tpu.memory_space<semaphore_mem>>, %arg30: memref<!tpu.dma_semaphore, #tpu.memory_space<semaphore_mem>>, %arg31: memref<!tpu.dma_semaphore, #tpu.memory_space<semaphore_mem>>, %arg32: memref<!tpu.dma_semaphore, #tpu.memory_space<semaphore_mem>>, %arg33: memref<!tpu.dma_semaphore, #tpu.memory_space<semaphore_mem>>, %arg34: memref<!tpu.dma_semaphore, #tpu.memory_space<semaphore_mem>>, %arg35: memref<!tpu.dma_semaphore, #tpu.memory_space<semaphore_mem>>, %arg36: memref<!tpu.dma_semaphore, #tpu.memory_space<semaphore_mem>>) attributes {dimension_semantics = [#tpu.dimension_semantics<core_parallel>, #tpu.dimension_semantics<subcore_parallel>], iteration_bounds = array<i64: 2, 16>, scalar_prefetch = 0 : i64, scratch_operands = 31 : i64, tpu.core_type = #tpu.core_type<sc_vector_subcore>, window_params = [{transform_indices = #map}, {transform_indices = #map}, {transform_indices = #map1}, {transform_indices = #map}]} {
    %mul3A = arith.constant 2 : i32
    %mul3A_0 = arith.muli %arg1, %mul3A : i32
    %add3A = arith.addi %mul3A_0, %arg0 : i32
    %mul3A_1 = arith.constant 51200 : i32
    %mul3A_2 = arith.muli %add3A, %mul3A_1 : i32
    %add3A_3 = arith.constant 0 : i32
    %add3A_4 = arith.addi %mul3A_2, %add3A_3 : i32
    %jit3A = arith.constant 16384 : i32
    %div3A = arith.divsi %add3A_4, %jit3A : i32
    %sign3A = arith.constant 0 : i32
    %sign3A_5 = arith.cmpi sgt, %add3A_4, %sign3A : i32
    %sign3A_6 = arith.extui %sign3A_5 : i1 to i32
    %sign3A_7 = arith.constant 0 : i32
    %sign3A_8 = arith.cmpi slt, %add3A_4, %sign3A_7 : i32
    %sign3A_9 = arith.extui %sign3A_8 : i1 to i32
    %sign3A_10 = arith.subi %sign3A_6, %sign3A_9 : i32
    %sign3A_11 = arith.constant 0 : i32
    %sign3A_12 = arith.cmpi sgt, %jit3A, %sign3A_11 : i32
    %sign3A_13 = arith.extui %sign3A_12 : i1 to i32
    %sign3A_14 = arith.constant 0 : i32
    %sign3A_15 = arith.cmpi slt, %jit3A, %sign3A_14 : i32
    %sign3A_16 = arith.extui %sign3A_15 : i1 to i32
    %sign3A_17 = arith.subi %sign3A_13, %sign3A_16 : i32
    %ne3A = arith.cmpi ne, %sign3A_10, %sign3A_17 : i32
    %rem3A = arith.remsi %add3A_4, %jit3A : i32
    %ne3A_18 = arith.constant 0 : i32
    %ne3A_19 = arith.cmpi ne, %rem3A, %ne3A_18 : i32
    %and3A = arith.andi %ne3A, %ne3A_19 : i1
    %sub3A = arith.constant 1 : i32
    %sub3A_20 = arith.subi %div3A, %sub3A : i32
    %select_n3A = arith.select %and3A, %sub3A_20, %div3A : i32
    %mul3A_21 = arith.constant 16384 : i32
    %mul3A_22 = arith.muli %select_n3A, %mul3A_21 : i32
    %sub3A_23 = arith.subi %add3A_4, %mul3A_22 : i32
    %dma_start3A = tpu.memref_slice %arg2[%select_n3A, %sub3A_23] : memref<100x16384xi32, #tpu.memory_space<hbm>> -> memref<1x2048xi32, #tpu.memory_space<hbm>>
    %dma_start3A_24 = tpu.memref_squeeze %dma_start3A : memref<1x2048xi32, #tpu.memory_space<hbm>> -> memref<2048xi32, #tpu.memory_space<hbm>>
    %dma_start3A_25 = tpu.memref_slice %arg2[%select_n3A, %sub3A_23] : memref<100x16384xi32, #tpu.memory_space<hbm>> -> memref<1x2048xi32, #tpu.memory_space<hbm>>
    %dma_start3A_26 = tpu.memref_squeeze %dma_start3A_25 : memref<1x2048xi32, #tpu.memory_space<hbm>> -> memref<2048xi32, #tpu.memory_space<hbm>>
    tpu.enqueue_dma source(%dma_start3A_26 : memref<2048xi32, #tpu.memory_space<hbm>>) target(%arg6 : memref<2048xi32, #tpu.memory_space<vmem>>) target_semaphore(%arg25 : memref<!tpu.dma_semaphore, #tpu.memory_space<semaphore_mem>>)
    %add3A_27 = arith.constant 2048 : i32
    %add3A_28 = arith.addi %mul3A_2, %add3A_27 : i32
    %jit3A_29 = arith.constant 16384 : i32
    %div3A_30 = arith.divsi %add3A_28, %jit3A_29 : i32
    %sign3A_31 = arith.constant 0 : i32
    %sign3A_32 = arith.cmpi sgt, %add3A_28, %sign3A_31 : i32
    %sign3A_33 = arith.extui %sign3A_32 : i1 to i32
    %sign3A_34 = arith.constant 0 : i32
    %sign3A_35 = arith.cmpi slt, %add3A_28, %sign3A_34 : i32
    %sign3A_36 = arith.extui %sign3A_35 : i1 to i32
    %sign3A_37 = arith.subi %sign3A_33, %sign3A_36 : i32
    %sign3A_38 = arith.constant 0 : i32
    %sign3A_39 = arith.cmpi sgt, %jit3A_29, %sign3A_38 : i32
    %sign3A_40 = arith.extui %sign3A_39 : i1 to i32
    %sign3A_41 = arith.constant 0 : i32
    %sign3A_42 = arith.cmpi slt, %jit3A_29, %sign3A_41 : i32
    %sign3A_43 = arith.extui %sign3A_42 : i1 to i32
    %sign3A_44 = arith.subi %sign3A_40, %sign3A_43 : i32
    %ne3A_45 = arith.cmpi ne, %sign3A_37, %sign3A_44 : i32
    %rem3A_46 = arith.remsi %add3A_28, %jit3A_29 : i32
    %ne3A_47 = arith.constant 0 : i32
    %ne3A_48 = arith.cmpi ne, %rem3A_46, %ne3A_47 : i32
    %and3A_49 = arith.andi %ne3A_45, %ne3A_48 : i1
    %sub3A_50 = arith.constant 1 : i32
    %sub3A_51 = arith.subi %div3A_30, %sub3A_50 : i32
    %select_n3A_52 = arith.select %and3A_49, %sub3A_51, %div3A_30 : i32
    %mul3A_53 = arith.constant 16384 : i32
    %mul3A_54 = arith.muli %select_n3A_52, %mul3A_53 : i32
    %sub3A_55 = arith.subi %add3A_28, %mul3A_54 : i32
    %dma_start3A_56 = tpu.memref_slice %arg2[%select_n3A_52, %sub3A_55] : memref<100x16384xi32, #tpu.memory_space<hbm>> -> memref<1x2048xi32, #tpu.memory_space<hbm>>
    %dma_start3A_57 = tpu.memref_squeeze %dma_start3A_56 : memref<1x2048xi32, #tpu.memory_space<hbm>> -> memref<2048xi32, #tpu.memory_space<hbm>>
    %dma_start3A_58 = tpu.memref_slice %arg2[%select_n3A_52, %sub3A_55] : memref<100x16384xi32, #tpu.memory_space<hbm>> -> memref<1x2048xi32, #tpu.memory_space<hbm>>
    %dma_start3A_59 = tpu.memref_squeeze %dma_start3A_58 : memref<1x2048xi32, #tpu.memory_space<hbm>> -> memref<2048xi32, #tpu.memory_space<hbm>>
    tpu.enqueue_dma source(%dma_start3A_59 : memref<2048xi32, #tpu.memory_space<hbm>>) target(%arg7 : memref<2048xi32, #tpu.memory_space<vmem>>) target_semaphore(%arg26 : memref<!tpu.dma_semaphore, #tpu.memory_space<semaphore_mem>>)
    %add3A_60 = arith.constant 4096 : i32
    %add3A_61 = arith.addi %mul3A_2, %add3A_60 : i32
    %jit3A_62 = arith.constant 16384 : i32
    %div3A_63 = arith.divsi %add3A_61, %jit3A_62 : i32
    %sign3A_64 = arith.constant 0 : i32
    %sign3A_65 = arith.cmpi sgt, %add3A_61, %sign3A_64 : i32
    %sign3A_66 = arith.extui %sign3A_65 : i1 to i32
    %sign3A_67 = arith.constant 0 : i32
    %sign3A_68 = arith.cmpi slt, %add3A_61, %sign3A_67 : i32
    %sign3A_69 = arith.extui %sign3A_68 : i1 to i32
    %sign3A_70 = arith.subi %sign3A_66, %sign3A_69 : i32
    %sign3A_71 = arith.constant 0 : i32
    %sign3A_72 = arith.cmpi sgt, %jit3A_62, %sign3A_71 : i32
    %sign3A_73 = arith.extui %sign3A_72 : i1 to i32
    %sign3A_74 = arith.constant 0 : i32
    %sign3A_75 = arith.cmpi slt, %jit3A_62, %sign3A_74 : i32
    %sign3A_76 = arith.extui %sign3A_75 : i1 to i32
    %sign3A_77 = arith.subi %sign3A_73, %sign3A_76 : i32
    %ne3A_78 = arith.cmpi ne, %sign3A_70, %sign3A_77 : i32
    %rem3A_79 = arith.remsi %add3A_61, %jit3A_62 : i32
    %ne3A_80 = arith.constant 0 : i32
    %ne3A_81 = arith.cmpi ne, %rem3A_79, %ne3A_80 : i32
    %and3A_82 = arith.andi %ne3A_78, %ne3A_81 : i1
    %sub3A_83 = arith.constant 1 : i32
    %sub3A_84 = arith.subi %div3A_63, %sub3A_83 : i32
    %select_n3A_85 = arith.select %and3A_82, %sub3A_84, %div3A_63 : i32
    %mul3A_86 = arith.constant 16384 : i32
    %mul3A_87 = arith.muli %select_n3A_85, %mul3A_86 : i32
    %sub3A_88 = arith.subi %add3A_61, %mul3A_87 : i32
    %dma_start3A_89 = tpu.memref_slice %arg2[%select_n3A_85, %sub3A_88] : memref<100x16384xi32, #tpu.memory_space<hbm>> -> memref<1x2048xi32, #tpu.memory_space<hbm>>
    %dma_start3A_90 = tpu.memref_squeeze %dma_start3A_89 : memref<1x2048xi32, #tpu.memory_space<hbm>> -> memref<2048xi32, #tpu.memory_space<hbm>>
    %dma_start3A_91 = tpu.memref_slice %arg2[%select_n3A_85, %sub3A_88] : memref<100x16384xi32, #tpu.memory_space<hbm>> -> memref<1x2048xi32, #tpu.memory_space<hbm>>
    %dma_start3A_92 = tpu.memref_squeeze %dma_start3A_91 : memref<1x2048xi32, #tpu.memory_space<hbm>> -> memref<2048xi32, #tpu.memory_space<hbm>>
    tpu.enqueue_dma source(%dma_start3A_92 : memref<2048xi32, #tpu.memory_space<hbm>>) target(%arg8 : memref<2048xi32, #tpu.memory_space<vmem>>) target_semaphore(%arg27 : memref<!tpu.dma_semaphore, #tpu.memory_space<semaphore_mem>>)
    %add3A_93 = arith.constant 6144 : i32
    %add3A_94 = arith.addi %mul3A_2, %add3A_93 : i32
    %jit3A_95 = arith.constant 16384 : i32
    %div3A_96 = arith.divsi %add3A_94, %jit3A_95 : i32
    %sign3A_97 = arith.constant 0 : i32
    %sign3A_98 = arith.cmpi sgt, %add3A_94, %sign3A_97 : i32
    %sign3A_99 = arith.extui %sign3A_98 : i1 to i32
    %sign3A_100 = arith.constant 0 : i32
    %sign3A_101 = arith.cmpi slt, %add3A_94, %sign3A_100 : i32
    %sign3A_102 = arith.extui %sign3A_101 : i1 to i32
    %sign3A_103 = arith.subi %sign3A_99, %sign3A_102 : i32
    %sign3A_104 = arith.constant 0 : i32
    %sign3A_105 = arith.cmpi sgt, %jit3A_95, %sign3A_104 : i32
    %sign3A_106 = arith.extui %sign3A_105 : i1 to i32
    %sign3A_107 = arith.constant 0 : i32
    %sign3A_108 = arith.cmpi slt, %jit3A_95, %sign3A_107 : i32
    %sign3A_109 = arith.extui %sign3A_108 : i1 to i32
    %sign3A_110 = arith.subi %sign3A_106, %sign3A_109 : i32
    %ne3A_111 = arith.cmpi ne, %sign3A_103, %sign3A_110 : i32
    %rem3A_112 = arith.remsi %add3A_94, %jit3A_95 : i32
    %ne3A_113 = arith.constant 0 : i32
    %ne3A_114 = arith.cmpi ne, %rem3A_112, %ne3A_113 : i32
    %and3A_115 = arith.andi %ne3A_111, %ne3A_114 : i1
    %sub3A_116 = arith.constant 1 : i32
    %sub3A_117 = arith.subi %div3A_96, %sub3A_116 : i32
    %select_n3A_118 = arith.select %and3A_115, %sub3A_117, %div3A_96 : i32
    %mul3A_119 = arith.constant 16384 : i32
    %mul3A_120 = arith.muli %select_n3A_118, %mul3A_119 : i32
    %sub3A_121 = arith.subi %add3A_94, %mul3A_120 : i32
    %dma_start3A_122 = tpu.memref_slice %arg2[%select_n3A_118, %sub3A_121] : memref<100x16384xi32, #tpu.memory_space<hbm>> -> memref<1x2048xi32, #tpu.memory_space<hbm>>
    %dma_start3A_123 = tpu.memref_squeeze %dma_start3A_122 : memref<1x2048xi32, #tpu.memory_space<hbm>> -> memref<2048xi32, #tpu.memory_space<hbm>>
    %dma_start3A_124 = tpu.memref_slice %arg2[%select_n3A_118, %sub3A_121] : memref<100x16384xi32, #tpu.memory_space<hbm>> -> memref<1x2048xi32, #tpu.memory_space<hbm>>
    %dma_start3A_125 = tpu.memref_squeeze %dma_start3A_124 : memref<1x2048xi32, #tpu.memory_space<hbm>> -> memref<2048xi32, #tpu.memory_space<hbm>>
    tpu.enqueue_dma source(%dma_start3A_125 : memref<2048xi32, #tpu.memory_space<hbm>>) target(%arg9 : memref<2048xi32, #tpu.memory_space<vmem>>) target_semaphore(%arg28 : memref<!tpu.dma_semaphore, #tpu.memory_space<semaphore_mem>>)
    %add3A_126 = arith.constant 8192 : i32
    %add3A_127 = arith.addi %mul3A_2, %add3A_126 : i32
    %jit3A_128 = arith.constant 16384 : i32
    %div3A_129 = arith.divsi %add3A_127, %jit3A_128 : i32
    %sign3A_130 = arith.constant 0 : i32
    %sign3A_131 = arith.cmpi sgt, %add3A_127, %sign3A_130 : i32
    %sign3A_132 = arith.extui %sign3A_131 : i1 to i32
    %sign3A_133 = arith.constant 0 : i32
    %sign3A_134 = arith.cmpi slt, %add3A_127, %sign3A_133 : i32
    %sign3A_135 = arith.extui %sign3A_134 : i1 to i32
    %sign3A_136 = arith.subi %sign3A_132, %sign3A_135 : i32
    %sign3A_137 = arith.constant 0 : i32
    %sign3A_138 = arith.cmpi sgt, %jit3A_128, %sign3A_137 : i32
    %sign3A_139 = arith.extui %sign3A_138 : i1 to i32
    %sign3A_140 = arith.constant 0 : i32
    %sign3A_141 = arith.cmpi slt, %jit3A_128, %sign3A_140 : i32
    %sign3A_142 = arith.extui %sign3A_141 : i1 to i32
    %sign3A_143 = arith.subi %sign3A_139, %sign3A_142 : i32
    %ne3A_144 = arith.cmpi ne, %sign3A_136, %sign3A_143 : i32
    %rem3A_145 = arith.remsi %add3A_127, %jit3A_128 : i32
    %ne3A_146 = arith.constant 0 : i32
    %ne3A_147 = arith.cmpi ne, %rem3A_145, %ne3A_146 : i32
    %and3A_148 = arith.andi %ne3A_144, %ne3A_147 : i1
    %sub3A_149 = arith.constant 1 : i32
    %sub3A_150 = arith.subi %div3A_129, %sub3A_149 : i32
    %select_n3A_151 = arith.select %and3A_148, %sub3A_150, %div3A_129 : i32
    %mul3A_152 = arith.constant 16384 : i32
    %mul3A_153 = arith.muli %select_n3A_151, %mul3A_152 : i32
    %sub3A_154 = arith.subi %add3A_127, %mul3A_153 : i32
    %dma_start3A_155 = tpu.memref_slice %arg2[%select_n3A_151, %sub3A_154] : memref<100x16384xi32, #tpu.memory_space<hbm>> -> memref<1x2048xi32, #tpu.memory_space<hbm>>
    %dma_start3A_156 = tpu.memref_squeeze %dma_start3A_155 : memref<1x2048xi32, #tpu.memory_space<hbm>> -> memref<2048xi32, #tpu.memory_space<hbm>>
    %dma_start3A_157 = tpu.memref_slice %arg2[%select_n3A_151, %sub3A_154] : memref<100x16384xi32, #tpu.memory_space<hbm>> -> memref<1x2048xi32, #tpu.memory_space<hbm>>
    %dma_start3A_158 = tpu.memref_squeeze %dma_start3A_157 : memref<1x2048xi32, #tpu.memory_space<hbm>> -> memref<2048xi32, #tpu.memory_space<hbm>>
    tpu.enqueue_dma source(%dma_start3A_158 : memref<2048xi32, #tpu.memory_space<hbm>>) target(%arg10 : memref<2048xi32, #tpu.memory_space<vmem>>) target_semaphore(%arg29 : memref<!tpu.dma_semaphore, #tpu.memory_space<semaphore_mem>>)
    %add3A_159 = arith.constant 10240 : i32
    %add3A_160 = arith.addi %mul3A_2, %add3A_159 : i32
    %jit3A_161 = arith.constant 16384 : i32
    %div3A_162 = arith.divsi %add3A_160, %jit3A_161 : i32
    %sign3A_163 = arith.constant 0 : i32
    %sign3A_164 = arith.cmpi sgt, %add3A_160, %sign3A_163 : i32
    %sign3A_165 = arith.extui %sign3A_164 : i1 to i32
    %sign3A_166 = arith.constant 0 : i32
    %sign3A_167 = arith.cmpi slt, %add3A_160, %sign3A_166 : i32
    %sign3A_168 = arith.extui %sign3A_167 : i1 to i32
    %sign3A_169 = arith.subi %sign3A_165, %sign3A_168 : i32
    %sign3A_170 = arith.constant 0 : i32
    %sign3A_171 = arith.cmpi sgt, %jit3A_161, %sign3A_170 : i32
    %sign3A_172 = arith.extui %sign3A_171 : i1 to i32
    %sign3A_173 = arith.constant 0 : i32
    %sign3A_174 = arith.cmpi slt, %jit3A_161, %sign3A_173 : i32
    %sign3A_175 = arith.extui %sign3A_174 : i1 to i32
    %sign3A_176 = arith.subi %sign3A_172, %sign3A_175 : i32
    %ne3A_177 = arith.cmpi ne, %sign3A_169, %sign3A_176 : i32
    %rem3A_178 = arith.remsi %add3A_160, %jit3A_161 : i32
    %ne3A_179 = arith.constant 0 : i32
    %ne3A_180 = arith.cmpi ne, %rem3A_178, %ne3A_179 : i32
    %and3A_181 = arith.andi %ne3A_177, %ne3A_180 : i1
    %sub3A_182 = arith.constant 1 : i32
    %sub3A_183 = arith.subi %div3A_162, %sub3A_182 : i32
    %select_n3A_184 = arith.select %and3A_181, %sub3A_183, %div3A_162 : i32
    %mul3A_185 = arith.constant 16384 : i32
    %mul3A_186 = arith.muli %select_n3A_184, %mul3A_185 : i32
    %sub3A_187 = arith.subi %add3A_160, %mul3A_186 : i32
    %dma_start3A_188 = tpu.memref_slice %arg2[%select_n3A_184, %sub3A_187] : memref<100x16384xi32, #tpu.memory_space<hbm>> -> memref<1x2048xi32, #tpu.memory_space<hbm>>
    %dma_start3A_189 = tpu.memref_squeeze %dma_start3A_188 : memref<1x2048xi32, #tpu.memory_space<hbm>> -> memref<2048xi32, #tpu.memory_space<hbm>>
    %dma_start3A_190 = tpu.memref_slice %arg2[%select_n3A_184, %sub3A_187] : memref<100x16384xi32, #tpu.memory_space<hbm>> -> memref<1x2048xi32, #tpu.memory_space<hbm>>
    %dma_start3A_191 = tpu.memref_squeeze %dma_start3A_190 : memref<1x2048xi32, #tpu.memory_space<hbm>> -> memref<2048xi32, #tpu.memory_space<hbm>>
    tpu.enqueue_dma source(%dma_start3A_191 : memref<2048xi32, #tpu.memory_space<hbm>>) target(%arg11 : memref<2048xi32, #tpu.memory_space<vmem>>) target_semaphore(%arg30 : memref<!tpu.dma_semaphore, #tpu.memory_space<semaphore_mem>>)
    %dma_wait3A = tpu.memref_slice %arg2[%select_n3A, %sub3A_23] : memref<100x16384xi32, #tpu.memory_space<hbm>> -> memref<1x2048xi32, #tpu.memory_space<hbm>>
    %dma_wait3A_192 = tpu.memref_squeeze %dma_wait3A : memref<1x2048xi32, #tpu.memory_space<hbm>> -> memref<2048xi32, #tpu.memory_space<hbm>>
    %dma_wait3A_193 = tpu.memref_slice %arg2[%select_n3A, %sub3A_23] : memref<100x16384xi32, #tpu.memory_space<hbm>> -> memref<1x2048xi32, #tpu.memory_space<hbm>>
    %dma_wait3A_194 = tpu.memref_squeeze %dma_wait3A_193 : memref<1x2048xi32, #tpu.memory_space<hbm>> -> memref<2048xi32, #tpu.memory_space<hbm>>
    tpu.wait_dma2 semaphore(%arg25 : memref<!tpu.dma_semaphore, #tpu.memory_space<semaphore_mem>>) src(%dma_wait3A_194 : memref<2048xi32, #tpu.memory_space<hbm>>) dst(%arg6 : memref<2048xi32, #tpu.memory_space<vmem>>)
    %dma_start3A_195 = arith.constant 0 : i32
    %dma_start3A_196 = arith.constant 0 : i32
    %dma_start3A_197 = tpu.memref_slice %arg3[%dma_start3A_195, %dma_start3A_196] : memref<1x1000000xf32, #tpu.memory_space<hbm>> -> memref<1x1000000xf32, #tpu.memory_space<hbm>>
    %dma_start3A_198 = tpu.memref_squeeze %dma_start3A_197 : memref<1x1000000xf32, #tpu.memory_space<hbm>> -> memref<1000000xf32, #tpu.memory_space<hbm>>
    %dma_start3A_199 = arith.constant 0 : i32
    %dma_start3A_200 = tpu.memref_slice %dma_start3A_198[%dma_start3A_199] : memref<1000000xf32, #tpu.memory_space<hbm>> -> memref<1000000xf32, #tpu.memory_space<hbm>>
    tpu.enqueue_indirect_dma source(%dma_start3A_200 : memref<1000000xf32, #tpu.memory_space<hbm>>) target(%arg12 : memref<2048xf32, #tpu.memory_space<vmem>>) offsets(%arg6 : memref<2048xi32, #tpu.memory_space<vmem>>) semaphore(%arg19 : memref<!tpu.dma_semaphore, #tpu.memory_space<semaphore_mem>>)
    %dma_wait3A_201 = tpu.memref_slice %arg2[%select_n3A_52, %sub3A_55] : memref<100x16384xi32, #tpu.memory_space<hbm>> -> memref<1x2048xi32, #tpu.memory_space<hbm>>
    %dma_wait3A_202 = tpu.memref_squeeze %dma_wait3A_201 : memref<1x2048xi32, #tpu.memory_space<hbm>> -> memref<2048xi32, #tpu.memory_space<hbm>>
    %dma_wait3A_203 = tpu.memref_slice %arg2[%select_n3A_52, %sub3A_55] : memref<100x16384xi32, #tpu.memory_space<hbm>> -> memref<1x2048xi32, #tpu.memory_space<hbm>>
    %dma_wait3A_204 = tpu.memref_squeeze %dma_wait3A_203 : memref<1x2048xi32, #tpu.memory_space<hbm>> -> memref<2048xi32, #tpu.memory_space<hbm>>
    tpu.wait_dma2 semaphore(%arg26 : memref<!tpu.dma_semaphore, #tpu.memory_space<semaphore_mem>>) src(%dma_wait3A_204 : memref<2048xi32, #tpu.memory_space<hbm>>) dst(%arg7 : memref<2048xi32, #tpu.memory_space<vmem>>)
    %dma_start3A_205 = arith.constant 0 : i32
    %dma_start3A_206 = arith.constant 0 : i32
    %dma_start3A_207 = tpu.memref_slice %arg3[%dma_start3A_205, %dma_start3A_206] : memref<1x1000000xf32, #tpu.memory_space<hbm>> -> memref<1x1000000xf32, #tpu.memory_space<hbm>>
    %dma_start3A_208 = tpu.memref_squeeze %dma_start3A_207 : memref<1x1000000xf32, #tpu.memory_space<hbm>> -> memref<1000000xf32, #tpu.memory_space<hbm>>
    %dma_start3A_209 = arith.constant 0 : i32
    %dma_start3A_210 = tpu.memref_slice %dma_start3A_208[%dma_start3A_209] : memref<1000000xf32, #tpu.memory_space<hbm>> -> memref<1000000xf32, #tpu.memory_space<hbm>>
    tpu.enqueue_indirect_dma source(%dma_start3A_210 : memref<1000000xf32, #tpu.memory_space<hbm>>) target(%arg13 : memref<2048xf32, #tpu.memory_space<vmem>>) offsets(%arg7 : memref<2048xi32, #tpu.memory_space<vmem>>) semaphore(%arg20 : memref<!tpu.dma_semaphore, #tpu.memory_space<semaphore_mem>>)
    %dma_wait3A_211 = tpu.memref_slice %arg2[%select_n3A_85, %sub3A_88] : memref<100x16384xi32, #tpu.memory_space<hbm>> -> memref<1x2048xi32, #tpu.memory_space<hbm>>
    %dma_wait3A_212 = tpu.memref_squeeze %dma_wait3A_211 : memref<1x2048xi32, #tpu.memory_space<hbm>> -> memref<2048xi32, #tpu.memory_space<hbm>>
    %dma_wait3A_213 = tpu.memref_slice %arg2[%select_n3A_85, %sub3A_88] : memref<100x16384xi32, #tpu.memory_space<hbm>> -> memref<1x2048xi32, #tpu.memory_space<hbm>>
    %dma_wait3A_214 = tpu.memref_squeeze %dma_wait3A_213 : memref<1x2048xi32, #tpu.memory_space<hbm>> -> memref<2048xi32, #tpu.memory_space<hbm>>
    tpu.wait_dma2 semaphore(%arg27 : memref<!tpu.dma_semaphore, #tpu.memory_space<semaphore_mem>>) src(%dma_wait3A_214 : memref<2048xi32, #tpu.memory_space<hbm>>) dst(%arg8 : memref<2048xi32, #tpu.memory_space<vmem>>)
    %dma_start3A_215 = arith.constant 0 : i32
    %dma_start3A_216 = arith.constant 0 : i32
    %dma_start3A_217 = tpu.memref_slice %arg3[%dma_start3A_215, %dma_start3A_216] : memref<1x1000000xf32, #tpu.memory_space<hbm>> -> memref<1x1000000xf32, #tpu.memory_space<hbm>>
    %dma_start3A_218 = tpu.memref_squeeze %dma_start3A_217 : memref<1x1000000xf32, #tpu.memory_space<hbm>> -> memref<1000000xf32, #tpu.memory_space<hbm>>
    %dma_start3A_219 = arith.constant 0 : i32
    %dma_start3A_220 = tpu.memref_slice %dma_start3A_218[%dma_start3A_219] : memref<1000000xf32, #tpu.memory_space<hbm>> -> memref<1000000xf32, #tpu.memory_space<hbm>>
    tpu.enqueue_indirect_dma source(%dma_start3A_220 : memref<1000000xf32, #tpu.memory_space<hbm>>) target(%arg14 : memref<2048xf32, #tpu.memory_space<vmem>>) offsets(%arg8 : memref<2048xi32, #tpu.memory_space<vmem>>) semaphore(%arg21 : memref<!tpu.dma_semaphore, #tpu.memory_space<semaphore_mem>>)
    %dma_wait3A_221 = tpu.memref_slice %arg2[%select_n3A_118, %sub3A_121] : memref<100x16384xi32, #tpu.memory_space<hbm>> -> memref<1x2048xi32, #tpu.memory_space<hbm>>
    %dma_wait3A_222 = tpu.memref_squeeze %dma_wait3A_221 : memref<1x2048xi32, #tpu.memory_space<hbm>> -> memref<2048xi32, #tpu.memory_space<hbm>>
    %dma_wait3A_223 = tpu.memref_slice %arg2[%select_n3A_118, %sub3A_121] : memref<100x16384xi32, #tpu.memory_space<hbm>> -> memref<1x2048xi32, #tpu.memory_space<hbm>>
    %dma_wait3A_224 = tpu.memref_squeeze %dma_wait3A_223 : memref<1x2048xi32, #tpu.memory_space<hbm>> -> memref<2048xi32, #tpu.memory_space<hbm>>
    tpu.wait_dma2 semaphore(%arg28 : memref<!tpu.dma_semaphore, #tpu.memory_space<semaphore_mem>>) src(%dma_wait3A_224 : memref<2048xi32, #tpu.memory_space<hbm>>) dst(%arg9 : memref<2048xi32, #tpu.memory_space<vmem>>)
    %dma_start3A_225 = arith.constant 0 : i32
    %dma_start3A_226 = arith.constant 0 : i32
    %dma_start3A_227 = tpu.memref_slice %arg3[%dma_start3A_225, %dma_start3A_226] : memref<1x1000000xf32, #tpu.memory_space<hbm>> -> memref<1x1000000xf32, #tpu.memory_space<hbm>>
    %dma_start3A_228 = tpu.memref_squeeze %dma_start3A_227 : memref<1x1000000xf32, #tpu.memory_space<hbm>> -> memref<1000000xf32, #tpu.memory_space<hbm>>
    %dma_start3A_229 = arith.constant 0 : i32
    %dma_start3A_230 = tpu.memref_slice %dma_start3A_228[%dma_start3A_229] : memref<1000000xf32, #tpu.memory_space<hbm>> -> memref<1000000xf32, #tpu.memory_space<hbm>>
    tpu.enqueue_indirect_dma source(%dma_start3A_230 : memref<1000000xf32, #tpu.memory_space<hbm>>) target(%arg15 : memref<2048xf32, #tpu.memory_space<vmem>>) offsets(%arg9 : memref<2048xi32, #tpu.memory_space<vmem>>) semaphore(%arg22 : memref<!tpu.dma_semaphore, #tpu.memory_space<semaphore_mem>>)
    %dma_wait3A_231 = tpu.memref_slice %arg2[%select_n3A_151, %sub3A_154] : memref<100x16384xi32, #tpu.memory_space<hbm>> -> memref<1x2048xi32, #tpu.memory_space<hbm>>
    %dma_wait3A_232 = tpu.memref_squeeze %dma_wait3A_231 : memref<1x2048xi32, #tpu.memory_space<hbm>> -> memref<2048xi32, #tpu.memory_space<hbm>>
    %dma_wait3A_233 = tpu.memref_slice %arg2[%select_n3A_151, %sub3A_154] : memref<100x16384xi32, #tpu.memory_space<hbm>> -> memref<1x2048xi32, #tpu.memory_space<hbm>>
    %dma_wait3A_234 = tpu.memref_squeeze %dma_wait3A_233 : memref<1x2048xi32, #tpu.memory_space<hbm>> -> memref<2048xi32, #tpu.memory_space<hbm>>
    tpu.wait_dma2 semaphore(%arg29 : memref<!tpu.dma_semaphore, #tpu.memory_space<semaphore_mem>>) src(%dma_wait3A_234 : memref<2048xi32, #tpu.memory_space<hbm>>) dst(%arg10 : memref<2048xi32, #tpu.memory_space<vmem>>)
    %dma_start3A_235 = arith.constant 0 : i32
    %dma_start3A_236 = arith.constant 0 : i32
    %dma_start3A_237 = tpu.memref_slice %arg3[%dma_start3A_235, %dma_start3A_236] : memref<1x1000000xf32, #tpu.memory_space<hbm>> -> memref<1x1000000xf32, #tpu.memory_space<hbm>>
    %dma_start3A_238 = tpu.memref_squeeze %dma_start3A_237 : memref<1x1000000xf32, #tpu.memory_space<hbm>> -> memref<1000000xf32, #tpu.memory_space<hbm>>
    %dma_start3A_239 = arith.constant 0 : i32
    %dma_start3A_240 = tpu.memref_slice %dma_start3A_238[%dma_start3A_239] : memref<1000000xf32, #tpu.memory_space<hbm>> -> memref<1000000xf32, #tpu.memory_space<hbm>>
    tpu.enqueue_indirect_dma source(%dma_start3A_240 : memref<1000000xf32, #tpu.memory_space<hbm>>) target(%arg16 : memref<2048xf32, #tpu.memory_space<vmem>>) offsets(%arg10 : memref<2048xi32, #tpu.memory_space<vmem>>) semaphore(%arg23 : memref<!tpu.dma_semaphore, #tpu.memory_space<semaphore_mem>>)
    %broadcast_in_dim3A = arith.constant 0.000000e+00 : f32
    %broadcast_in_dim3A_241 = vector.broadcast %broadcast_in_dim3A : f32 to vector<16xf32>
    %dma_wait3A_242 = arith.constant 0 : i32
    %dma_wait3A_243 = arith.constant 0 : i32
    %dma_wait3A_244 = tpu.memref_slice %arg3[%dma_wait3A_242, %dma_wait3A_243] : memref<1x1000000xf32, #tpu.memory_space<hbm>> -> memref<1x1000000xf32, #tpu.memory_space<hbm>>
    %dma_wait3A_245 = tpu.memref_squeeze %dma_wait3A_244 : memref<1x1000000xf32, #tpu.memory_space<hbm>> -> memref<1000000xf32, #tpu.memory_space<hbm>>
    %dma_wait3A_246 = arith.constant 0 : i32
    %dma_wait3A_247 = tpu.memref_slice %dma_wait3A_245[%dma_wait3A_246] : memref<1000000xf32, #tpu.memory_space<hbm>> -> memref<1000000xf32, #tpu.memory_space<hbm>>
    tpu.wait_indirect_dma semaphore(%arg19 : memref<!tpu.dma_semaphore, #tpu.memory_space<semaphore_mem>>) src(%dma_wait3A_247 : memref<1000000xf32, #tpu.memory_space<hbm>>) dst(%arg12 : memref<2048xf32, #tpu.memory_space<vmem>>)
    %dma_wait3A_248 = tpu.memref_slice %arg2[%select_n3A_184, %sub3A_187] : memref<100x16384xi32, #tpu.memory_space<hbm>> -> memref<1x2048xi32, #tpu.memory_space<hbm>>
    %dma_wait3A_249 = tpu.memref_squeeze %dma_wait3A_248 : memref<1x2048xi32, #tpu.memory_space<hbm>> -> memref<2048xi32, #tpu.memory_space<hbm>>
    %dma_wait3A_250 = tpu.memref_slice %arg2[%select_n3A_184, %sub3A_187] : memref<100x16384xi32, #tpu.memory_space<hbm>> -> memref<1x2048xi32, #tpu.memory_space<hbm>>
    %dma_wait3A_251 = tpu.memref_squeeze %dma_wait3A_250 : memref<1x2048xi32, #tpu.memory_space<hbm>> -> memref<2048xi32, #tpu.memory_space<hbm>>
    tpu.wait_dma2 semaphore(%arg30 : memref<!tpu.dma_semaphore, #tpu.memory_space<semaphore_mem>>) src(%dma_wait3A_251 : memref<2048xi32, #tpu.memory_space<hbm>>) dst(%arg11 : memref<2048xi32, #tpu.memory_space<vmem>>)
    %dma_start3A_252 = arith.constant 0 : i32
    %dma_start3A_253 = arith.constant 0 : i32
    %dma_start3A_254 = tpu.memref_slice %arg3[%dma_start3A_252, %dma_start3A_253] : memref<1x1000000xf32, #tpu.memory_space<hbm>> -> memref<1x1000000xf32, #tpu.memory_space<hbm>>
    %dma_start3A_255 = tpu.memref_squeeze %dma_start3A_254 : memref<1x1000000xf32, #tpu.memory_space<hbm>> -> memref<1000000xf32, #tpu.memory_space<hbm>>
    %dma_start3A_256 = arith.constant 0 : i32
    %dma_start3A_257 = tpu.memref_slice %dma_start3A_255[%dma_start3A_256] : memref<1000000xf32, #tpu.memory_space<hbm>> -> memref<1000000xf32, #tpu.memory_space<hbm>>
    tpu.enqueue_indirect_dma source(%dma_start3A_257 : memref<1000000xf32, #tpu.memory_space<hbm>>) target(%arg17 : memref<2048xf32, #tpu.memory_space<vmem>>) offsets(%arg11 : memref<2048xi32, #tpu.memory_space<vmem>>) semaphore(%arg24 : memref<!tpu.dma_semaphore, #tpu.memory_space<semaphore_mem>>)
    %add3A_258 = arith.constant 12288 : i32
    %add3A_259 = arith.addi %mul3A_2, %add3A_258 : i32
    %jit3A_260 = arith.constant 16384 : i32
    %div3A_261 = arith.divsi %add3A_259, %jit3A_260 : i32
    %sign3A_262 = arith.constant 0 : i32
    %sign3A_263 = arith.cmpi sgt, %add3A_259, %sign3A_262 : i32
    %sign3A_264 = arith.extui %sign3A_263 : i1 to i32
    %sign3A_265 = arith.constant 0 : i32
    %sign3A_266 = arith.cmpi slt, %add3A_259, %sign3A_265 : i32
    %sign3A_267 = arith.extui %sign3A_266 : i1 to i32
    %sign3A_268 = arith.subi %sign3A_264, %sign3A_267 : i32
    %sign3A_269 = arith.constant 0 : i32
    %sign3A_270 = arith.cmpi sgt, %jit3A_260, %sign3A_269 : i32
    %sign3A_271 = arith.extui %sign3A_270 : i1 to i32
    %sign3A_272 = arith.constant 0 : i32
    %sign3A_273 = arith.cmpi slt, %jit3A_260, %sign3A_272 : i32
    %sign3A_274 = arith.extui %sign3A_273 : i1 to i32
    %sign3A_275 = arith.subi %sign3A_271, %sign3A_274 : i32
    %ne3A_276 = arith.cmpi ne, %sign3A_268, %sign3A_275 : i32
    %rem3A_277 = arith.remsi %add3A_259, %jit3A_260 : i32
    %ne3A_278 = arith.constant 0 : i32
    %ne3A_279 = arith.cmpi ne, %rem3A_277, %ne3A_278 : i32
    %and3A_280 = arith.andi %ne3A_276, %ne3A_279 : i1
    %sub3A_281 = arith.constant 1 : i32
    %sub3A_282 = arith.subi %div3A_261, %sub3A_281 : i32
    %select_n3A_283 = arith.select %and3A_280, %sub3A_282, %div3A_261 : i32
    %mul3A_284 = arith.constant 16384 : i32
    %mul3A_285 = arith.muli %select_n3A_283, %mul3A_284 : i32
    %sub3A_286 = arith.subi %add3A_259, %mul3A_285 : i32
    %dma_start3A_287 = tpu.memref_slice %arg2[%select_n3A_283, %sub3A_286] : memref<100x16384xi32, #tpu.memory_space<hbm>> -> memref<1x2048xi32, #tpu.memory_space<hbm>>
    %dma_start3A_288 = tpu.memref_squeeze %dma_start3A_287 : memref<1x2048xi32, #tpu.memory_space<hbm>> -> memref<2048xi32, #tpu.memory_space<hbm>>
    %dma_start3A_289 = tpu.memref_slice %arg2[%select_n3A_283, %sub3A_286] : memref<100x16384xi32, #tpu.memory_space<hbm>> -> memref<1x2048xi32, #tpu.memory_space<hbm>>
    %dma_start3A_290 = tpu.memref_squeeze %dma_start3A_289 : memref<1x2048xi32, #tpu.memory_space<hbm>> -> memref<2048xi32, #tpu.memory_space<hbm>>
    tpu.enqueue_dma source(%dma_start3A_290 : memref<2048xi32, #tpu.memory_space<hbm>>) target(%arg6 : memref<2048xi32, #tpu.memory_space<vmem>>) target_semaphore(%arg25 : memref<!tpu.dma_semaphore, #tpu.memory_space<semaphore_mem>>)
    %scan3A = arith.constant 0 : i32
    %scan3A_291 = arith.constant 128 : i32
    %scan3A_292 = arith.addi %scan3A, %scan3A_291 : i32
    %scan3A_293 = arith.constant 1 : i32
    %scan3A_294 = scf.for %scan3A_1521 = %scan3A to %scan3A_292 step %scan3A_293 iter_args(%scan3A_1522 = %broadcast_in_dim3A_241) -> (vector<16xf32>)  : i32 {
      %mul3A_1523 = arith.constant 16 : i32
      %mul3A_1524 = arith.muli %scan3A_1521, %mul3A_1523 : i32
      %get3A = arith.index_cast %mul3A_1524 : i32 to index
      %get3A_1525 = tpu.vector_load %arg12[%get3A] {strides = array<i32>} : memref<2048xf32, #tpu.memory_space<vmem>>, vector<16xf32>,
      %get3A_1526 = vector.shape_cast %get3A_1525 : vector<16xf32> to vector<16xf32>
      %max3A = arith.constant 0.000000e+00 : f32
      %max3A_1527 = vector.broadcast %max3A : f32 to vector<16xf32>
      %max3A_1528 = arith.maximumf %get3A_1526, %max3A_1527 : vector<16xf32>
      %add3A_1529 = arith.addf %scan3A_1522, %max3A_1528 : vector<16xf32>
      scf.yield %add3A_1529 : vector<16xf32>
    }
    %scan3A_295 = arith.constant 128 : i32
    %add3A_296 = arith.constant 0 : i32
    %add3A_297 = arith.addi %mul3A_2, %add3A_296 : i32
    %dma_start3A_298 = tpu.memref_slice %arg4[%add3A_297] : memref<1638400xf32, #tpu.memory_space<hbm>> -> memref<2048xf32, #tpu.memory_space<hbm>>
    %dma_start3A_299 = tpu.memref_slice %arg4[%add3A_297] : memref<1638400xf32, #tpu.memory_space<hbm>> -> memref<2048xf32, #tpu.memory_space<hbm>>
    tpu.enqueue_dma source(%arg12 : memref<2048xf32, #tpu.memory_space<vmem>>) target(%dma_start3A_299 : memref<2048xf32, #tpu.memory_space<hbm>>) target_semaphore(%arg31 : memref<!tpu.dma_semaphore, #tpu.memory_space<semaphore_mem>>)
    %dma_wait3A_300 = arith.constant 0 : i32
    %dma_wait3A_301 = arith.constant 0 : i32
    %dma_wait3A_302 = tpu.memref_slice %arg3[%dma_wait3A_300, %dma_wait3A_301] : memref<1x1000000xf32, #tpu.memory_space<hbm>> -> memref<1x1000000xf32, #tpu.memory_space<hbm>>
    %dma_wait3A_303 = tpu.memref_squeeze %dma_wait3A_302 : memref<1x1000000xf32, #tpu.memory_space<hbm>> -> memref<1000000xf32, #tpu.memory_space<hbm>>
    %dma_wait3A_304 = arith.constant 0 : i32
    %dma_wait3A_305 = tpu.memref_slice %dma_wait3A_303[%dma_wait3A_304] : memref<1000000xf32, #tpu.memory_space<hbm>> -> memref<1000000xf32, #tpu.memory_space<hbm>>
    tpu.wait_indirect_dma semaphore(%arg20 : memref<!tpu.dma_semaphore, #tpu.memory_space<semaphore_mem>>) src(%dma_wait3A_305 : memref<1000000xf32, #tpu.memory_space<hbm>>) dst(%arg13 : memref<2048xf32, #tpu.memory_space<vmem>>)
    %dma_wait3A_306 = tpu.memref_slice %arg2[%select_n3A_283, %sub3A_286] : memref<100x16384xi32, #tpu.memory_space<hbm>> -> memref<1x2048xi32, #tpu.memory_space<hbm>>
    %dma_wait3A_307 = tpu.memref_squeeze %dma_wait3A_306 : memref<1x2048xi32, #tpu.memory_space<hbm>> -> memref<2048xi32, #tpu.memory_space<hbm>>
    %dma_wait3A_308 = tpu.memref_slice %arg2[%select_n3A_283, %sub3A_286] : memref<100x16384xi32, #tpu.memory_space<hbm>> -> memref<1x2048xi32, #tpu.memory_space<hbm>>
    %dma_wait3A_309 = tpu.memref_squeeze %dma_wait3A_308 : memref<1x2048xi32, #tpu.memory_space<hbm>> -> memref<2048xi32, #tpu.memory_space<hbm>>
    tpu.wait_dma2 semaphore(%arg25 : memref<!tpu.dma_semaphore, #tpu.memory_space<semaphore_mem>>) src(%dma_wait3A_309 : memref<2048xi32, #tpu.memory_space<hbm>>) dst(%arg6 : memref<2048xi32, #tpu.memory_space<vmem>>)
    %dma_wait3A_310 = tpu.memref_slice %arg4[%add3A_297] : memref<1638400xf32, #tpu.memory_space<hbm>> -> memref<2048xf32, #tpu.memory_space<hbm>>
    %dma_wait3A_311 = tpu.memref_slice %arg4[%add3A_297] : memref<1638400xf32, #tpu.memory_space<hbm>> -> memref<2048xf32, #tpu.memory_space<hbm>>
    tpu.wait_dma2 semaphore(%arg31 : memref<!tpu.dma_semaphore, #tpu.memory_space<semaphore_mem>>) src(%arg12 : memref<2048xf32, #tpu.memory_space<vmem>>) dst(%dma_wait3A_311 : memref<2048xf32, #tpu.memory_space<hbm>>)
    %dma_start3A_312 = arith.constant 0 : i32
    %dma_start3A_313 = arith.constant 0 : i32
    %dma_start3A_314 = tpu.memref_slice %arg3[%dma_start3A_312, %dma_start3A_313] : memref<1x1000000xf32, #tpu.memory_space<hbm>> -> memref<1x1000000xf32, #tpu.memory_space<hbm>>
    %dma_start3A_315 = tpu.memref_squeeze %dma_start3A_314 : memref<1x1000000xf32, #tpu.memory_space<hbm>> -> memref<1000000xf32, #tpu.memory_space<hbm>>
    %dma_start3A_316 = arith.constant 0 : i32
    %dma_start3A_317 = tpu.memref_slice %dma_start3A_315[%dma_start3A_316] : memref<1000000xf32, #tpu.memory_space<hbm>> -> memref<1000000xf32, #tpu.memory_space<hbm>>
    tpu.enqueue_indirect_dma source(%dma_start3A_317 : memref<1000000xf32, #tpu.memory_space<hbm>>) target(%arg12 : memref<2048xf32, #tpu.memory_space<vmem>>) offsets(%arg6 : memref<2048xi32, #tpu.memory_space<vmem>>) semaphore(%arg19 : memref<!tpu.dma_semaphore, #tpu.memory_space<semaphore_mem>>)
    %add3A_318 = arith.constant 14336 : i32
    %add3A_319 = arith.addi %mul3A_2, %add3A_318 : i32
    %jit3A_320 = arith.constant 16384 : i32
    %div3A_321 = arith.divsi %add3A_319, %jit3A_320 : i32
    %sign3A_322 = arith.constant 0 : i32
    %sign3A_323 = arith.cmpi sgt, %add3A_319, %sign3A_322 : i32
    %sign3A_324 = arith.extui %sign3A_323 : i1 to i32
    %sign3A_325 = arith.constant 0 : i32
    %sign3A_326 = arith.cmpi slt, %add3A_319, %sign3A_325 : i32
    %sign3A_327 = arith.extui %sign3A_326 : i1 to i32
    %sign3A_328 = arith.subi %sign3A_324, %sign3A_327 : i32
    %sign3A_329 = arith.constant 0 : i32
    %sign3A_330 = arith.cmpi sgt, %jit3A_320, %sign3A_329 : i32
    %sign3A_331 = arith.extui %sign3A_330 : i1 to i32
    %sign3A_332 = arith.constant 0 : i32
    %sign3A_333 = arith.cmpi slt, %jit3A_320, %sign3A_332 : i32
    %sign3A_334 = arith.extui %sign3A_333 : i1 to i32
    %sign3A_335 = arith.subi %sign3A_331, %sign3A_334 : i32
    %ne3A_336 = arith.cmpi ne, %sign3A_328, %sign3A_335 : i32
    %rem3A_337 = arith.remsi %add3A_319, %jit3A_320 : i32
    %ne3A_338 = arith.constant 0 : i32
    %ne3A_339 = arith.cmpi ne, %rem3A_337, %ne3A_338 : i32
    %and3A_340 = arith.andi %ne3A_336, %ne3A_339 : i1
    %sub3A_341 = arith.constant 1 : i32
    %sub3A_342 = arith.subi %div3A_321, %sub3A_341 : i32
    %select_n3A_343 = arith.select %and3A_340, %sub3A_342, %div3A_321 : i32
    %mul3A_344 = arith.constant 16384 : i32
    %mul3A_345 = arith.muli %select_n3A_343, %mul3A_344 : i32
    %sub3A_346 = arith.subi %add3A_319, %mul3A_345 : i32
    %dma_start3A_347 = tpu.memref_slice %arg2[%select_n3A_343, %sub3A_346] : memref<100x16384xi32, #tpu.memory_space<hbm>> -> memref<1x2048xi32, #tpu.memory_space<hbm>>
    %dma_start3A_348 = tpu.memref_squeeze %dma_start3A_347 : memref<1x2048xi32, #tpu.memory_space<hbm>> -> memref<2048xi32, #tpu.memory_space<hbm>>
    %dma_start3A_349 = tpu.memref_slice %arg2[%select_n3A_343, %sub3A_346] : memref<100x16384xi32, #tpu.memory_space<hbm>> -> memref<1x2048xi32, #tpu.memory_space<hbm>>
    %dma_start3A_350 = tpu.memref_squeeze %dma_start3A_349 : memref<1x2048xi32, #tpu.memory_space<hbm>> -> memref<2048xi32, #tpu.memory_space<hbm>>
    tpu.enqueue_dma source(%dma_start3A_350 : memref<2048xi32, #tpu.memory_space<hbm>>) target(%arg7 : memref<2048xi32, #tpu.memory_space<vmem>>) target_semaphore(%arg26 : memref<!tpu.dma_semaphore, #tpu.memory_space<semaphore_mem>>)
    %scan3A_351 = arith.constant 0 : i32
    %scan3A_352 = arith.constant 128 : i32
    %scan3A_353 = arith.addi %scan3A_351, %scan3A_352 : i32
    %scan3A_354 = arith.constant 1 : i32
    %scan3A_355 = scf.for %scan3A_1521 = %scan3A_351 to %scan3A_353 step %scan3A_354 iter_args(%scan3A_1522 = %scan3A_294) -> (vector<16xf32>)  : i32 {
      %mul3A_1523 = arith.constant 16 : i32
      %mul3A_1524 = arith.muli %scan3A_1521, %mul3A_1523 : i32
      %get3A = arith.index_cast %mul3A_1524 : i32 to index
      %get3A_1525 = tpu.vector_load %arg13[%get3A] {strides = array<i32>} : memref<2048xf32, #tpu.memory_space<vmem>>, vector<16xf32>,
      %get3A_1526 = vector.shape_cast %get3A_1525 : vector<16xf32> to vector<16xf32>
      %max3A = arith.constant 0.000000e+00 : f32
      %max3A_1527 = vector.broadcast %max3A : f32 to vector<16xf32>
      %max3A_1528 = arith.maximumf %get3A_1526, %max3A_1527 : vector<16xf32>
      %add3A_1529 = arith.addf %scan3A_1522, %max3A_1528 : vector<16xf32>
      scf.yield %add3A_1529 : vector<16xf32>
    }
    %scan3A_356 = arith.constant 128 : i32
    %add3A_357 = arith.constant 2048 : i32
    %add3A_358 = arith.addi %mul3A_2, %add3A_357 : i32
    %dma_start3A_359 = tpu.memref_slice %arg4[%add3A_358] : memref<1638400xf32, #tpu.memory_space<hbm>> -> memref<2048xf32, #tpu.memory_space<hbm>>
    %dma_start3A_360 = tpu.memref_slice %arg4[%add3A_358] : memref<1638400xf32, #tpu.memory_space<hbm>> -> memref<2048xf32, #tpu.memory_space<hbm>>
    tpu.enqueue_dma source(%arg13 : memref<2048xf32, #tpu.memory_space<vmem>>) target(%dma_start3A_360 : memref<2048xf32, #tpu.memory_space<hbm>>) target_semaphore(%arg32 : memref<!tpu.dma_semaphore, #tpu.memory_space<semaphore_mem>>)
    %dma_wait3A_361 = arith.constant 0 : i32
    %dma_wait3A_362 = arith.constant 0 : i32
    %dma_wait3A_363 = tpu.memref_slice %arg3[%dma_wait3A_361, %dma_wait3A_362] : memref<1x1000000xf32, #tpu.memory_space<hbm>> -> memref<1x1000000xf32, #tpu.memory_space<hbm>>
    %dma_wait3A_364 = tpu.memref_squeeze %dma_wait3A_363 : memref<1x1000000xf32, #tpu.memory_space<hbm>> -> memref<1000000xf32, #tpu.memory_space<hbm>>
    %dma_wait3A_365 = arith.constant 0 : i32
    %dma_wait3A_366 = tpu.memref_slice %dma_wait3A_364[%dma_wait3A_365] : memref<1000000xf32, #tpu.memory_space<hbm>> -> memref<1000000xf32, #tpu.memory_space<hbm>>
    tpu.wait_indirect_dma semaphore(%arg21 : memref<!tpu.dma_semaphore, #tpu.memory_space<semaphore_mem>>) src(%dma_wait3A_366 : memref<1000000xf32, #tpu.memory_space<hbm>>) dst(%arg14 : memref<2048xf32, #tpu.memory_space<vmem>>)
    %dma_wait3A_367 = tpu.memref_slice %arg2[%select_n3A_343, %sub3A_346] : memref<100x16384xi32, #tpu.memory_space<hbm>> -> memref<1x2048xi32, #tpu.memory_space<hbm>>
    %dma_wait3A_368 = tpu.memref_squeeze %dma_wait3A_367 : memref<1x2048xi32, #tpu.memory_space<hbm>> -> memref<2048xi32, #tpu.memory_space<hbm>>
    %dma_wait3A_369 = tpu.memref_slice %arg2[%select_n3A_343, %sub3A_346] : memref<100x16384xi32, #tpu.memory_space<hbm>> -> memref<1x2048xi32, #tpu.memory_space<hbm>>
    %dma_wait3A_370 = tpu.memref_squeeze %dma_wait3A_369 : memref<1x2048xi32, #tpu.memory_space<hbm>> -> memref<2048xi32, #tpu.memory_space<hbm>>
    tpu.wait_dma2 semaphore(%arg26 : memref<!tpu.dma_semaphore, #tpu.memory_space<semaphore_mem>>) src(%dma_wait3A_370 : memref<2048xi32, #tpu.memory_space<hbm>>) dst(%arg7 : memref<2048xi32, #tpu.memory_space<vmem>>)
    %dma_wait3A_371 = tpu.memref_slice %arg4[%add3A_358] : memref<1638400xf32, #tpu.memory_space<hbm>> -> memref<2048xf32, #tpu.memory_space<hbm>>
    %dma_wait3A_372 = tpu.memref_slice %arg4[%add3A_358] : memref<1638400xf32, #tpu.memory_space<hbm>> -> memref<2048xf32, #tpu.memory_space<hbm>>
    tpu.wait_dma2 semaphore(%arg32 : memref<!tpu.dma_semaphore, #tpu.memory_space<semaphore_mem>>) src(%arg13 : memref<2048xf32, #tpu.memory_space<vmem>>) dst(%dma_wait3A_372 : memref<2048xf32, #tpu.memory_space<hbm>>)
    %dma_start3A_373 = arith.constant 0 : i32
    %dma_start3A_374 = arith.constant 0 : i32
    %dma_start3A_375 = tpu.memref_slice %arg3[%dma_start3A_373, %dma_start3A_374] : memref<1x1000000xf32, #tpu.memory_space<hbm>> -> memref<1x1000000xf32, #tpu.memory_space<hbm>>
    %dma_start3A_376 = tpu.memref_squeeze %dma_start3A_375 : memref<1x1000000xf32, #tpu.memory_space<hbm>> -> memref<1000000xf32, #tpu.memory_space<hbm>>
    %dma_start3A_377 = arith.constant 0 : i32
    %dma_start3A_378 = tpu.memref_slice %dma_start3A_376[%dma_start3A_377] : memref<1000000xf32, #tpu.memory_space<hbm>> -> memref<1000000xf32, #tpu.memory_space<hbm>>
    tpu.enqueue_indirect_dma source(%dma_start3A_378 : memref<1000000xf32, #tpu.memory_space<hbm>>) target(%arg13 : memref<2048xf32, #tpu.memory_space<vmem>>) offsets(%arg7 : memref<2048xi32, #tpu.memory_space<vmem>>) semaphore(%arg20 : memref<!tpu.dma_semaphore, #tpu.memory_space<semaphore_mem>>)
    %add3A_379 = arith.constant 16384 : i32
    %add3A_380 = arith.addi %mul3A_2, %add3A_379 : i32
    %jit3A_381 = arith.constant 16384 : i32
    %div3A_382 = arith.divsi %add3A_380, %jit3A_381 : i32
    %sign3A_383 = arith.constant 0 : i32
    %sign3A_384 = arith.cmpi sgt, %add3A_380, %sign3A_383 : i32
    %sign3A_385 = arith.extui %sign3A_384 : i1 to i32
    %sign3A_386 = arith.constant 0 : i32
    %sign3A_387 = arith.cmpi slt, %add3A_380, %sign3A_386 : i32
    %sign3A_388 = arith.extui %sign3A_387 : i1 to i32
    %sign3A_389 = arith.subi %sign3A_385, %sign3A_388 : i32
    %sign3A_390 = arith.constant 0 : i32
    %sign3A_391 = arith.cmpi sgt, %jit3A_381, %sign3A_390 : i32
    %sign3A_392 = arith.extui %sign3A_391 : i1 to i32
    %sign3A_393 = arith.constant 0 : i32
    %sign3A_394 = arith.cmpi slt, %jit3A_381, %sign3A_393 : i32
    %sign3A_395 = arith.extui %sign3A_394 : i1 to i32
    %sign3A_396 = arith.subi %sign3A_392, %sign3A_395 : i32
    %ne3A_397 = arith.cmpi ne, %sign3A_389, %sign3A_396 : i32
    %rem3A_398 = arith.remsi %add3A_380, %jit3A_381 : i32
    %ne3A_399 = arith.constant 0 : i32
    %ne3A_400 = arith.cmpi ne, %rem3A_398, %ne3A_399 : i32
    %and3A_401 = arith.andi %ne3A_397, %ne3A_400 : i1
    %sub3A_402 = arith.constant 1 : i32
    %sub3A_403 = arith.subi %div3A_382, %sub3A_402 : i32
    %select_n3A_404 = arith.select %and3A_401, %sub3A_403, %div3A_382 : i32
    %mul3A_405 = arith.constant 16384 : i32
    %mul3A_406 = arith.muli %select_n3A_404, %mul3A_405 : i32
    %sub3A_407 = arith.subi %add3A_380, %mul3A_406 : i32
    %dma_start3A_408 = tpu.memref_slice %arg2[%select_n3A_404, %sub3A_407] : memref<100x16384xi32, #tpu.memory_space<hbm>> -> memref<1x2048xi32, #tpu.memory_space<hbm>>
    %dma_start3A_409 = tpu.memref_squeeze %dma_start3A_408 : memref<1x2048xi32, #tpu.memory_space<hbm>> -> memref<2048xi32, #tpu.memory_space<hbm>>
    %dma_start3A_410 = tpu.memref_slice %arg2[%select_n3A_404, %sub3A_407] : memref<100x16384xi32, #tpu.memory_space<hbm>> -> memref<1x2048xi32, #tpu.memory_space<hbm>>
    %dma_start3A_411 = tpu.memref_squeeze %dma_start3A_410 : memref<1x2048xi32, #tpu.memory_space<hbm>> -> memref<2048xi32, #tpu.memory_space<hbm>>
    tpu.enqueue_dma source(%dma_start3A_411 : memref<2048xi32, #tpu.memory_space<hbm>>) target(%arg8 : memref<2048xi32, #tpu.memory_space<vmem>>) target_semaphore(%arg27 : memref<!tpu.dma_semaphore, #tpu.memory_space<semaphore_mem>>)
    %scan3A_412 = arith.constant 0 : i32
    %scan3A_413 = arith.constant 128 : i32
    %scan3A_414 = arith.addi %scan3A_412, %scan3A_413 : i32
    %scan3A_415 = arith.constant 1 : i32
    %scan3A_416 = scf.for %scan3A_1521 = %scan3A_412 to %scan3A_414 step %scan3A_415 iter_args(%scan3A_1522 = %scan3A_355) -> (vector<16xf32>)  : i32 {
      %mul3A_1523 = arith.constant 16 : i32
      %mul3A_1524 = arith.muli %scan3A_1521, %mul3A_1523 : i32
      %get3A = arith.index_cast %mul3A_1524 : i32 to index
      %get3A_1525 = tpu.vector_load %arg14[%get3A] {strides = array<i32>} : memref<2048xf32, #tpu.memory_space<vmem>>, vector<16xf32>,
      %get3A_1526 = vector.shape_cast %get3A_1525 : vector<16xf32> to vector<16xf32>
      %max3A = arith.constant 0.000000e+00 : f32
      %max3A_1527 = vector.broadcast %max3A : f32 to vector<16xf32>
      %max3A_1528 = arith.maximumf %get3A_1526, %max3A_1527 : vector<16xf32>
      %add3A_1529 = arith.addf %scan3A_1522, %max3A_1528 : vector<16xf32>
      scf.yield %add3A_1529 : vector<16xf32>
    }
    %scan3A_417 = arith.constant 128 : i32
    %add3A_418 = arith.constant 4096 : i32
    %add3A_419 = arith.addi %mul3A_2, %add3A_418 : i32
    %dma_start3A_420 = tpu.memref_slice %arg4[%add3A_419] : memref<1638400xf32, #tpu.memory_space<hbm>> -> memref<2048xf32, #tpu.memory_space<hbm>>
    %dma_start3A_421 = tpu.memref_slice %arg4[%add3A_419] : memref<1638400xf32, #tpu.memory_space<hbm>> -> memref<2048xf32, #tpu.memory_space<hbm>>
    tpu.enqueue_dma source(%arg14 : memref<2048xf32, #tpu.memory_space<vmem>>) target(%dma_start3A_421 : memref<2048xf32, #tpu.memory_space<hbm>>) target_semaphore(%arg33 : memref<!tpu.dma_semaphore, #tpu.memory_space<semaphore_mem>>)
    %dma_wait3A_422 = arith.constant 0 : i32
    %dma_wait3A_423 = arith.constant 0 : i32
    %dma_wait3A_424 = tpu.memref_slice %arg3[%dma_wait3A_422, %dma_wait3A_423] : memref<1x1000000xf32, #tpu.memory_space<hbm>> -> memref<1x1000000xf32, #tpu.memory_space<hbm>>
    %dma_wait3A_425 = tpu.memref_squeeze %dma_wait3A_424 : memref<1x1000000xf32, #tpu.memory_space<hbm>> -> memref<1000000xf32, #tpu.memory_space<hbm>>
    %dma_wait3A_426 = arith.constant 0 : i32
    %dma_wait3A_427 = tpu.memref_slice %dma_wait3A_425[%dma_wait3A_426] : memref<1000000xf32, #tpu.memory_space<hbm>> -> memref<1000000xf32, #tpu.memory_space<hbm>>
    tpu.wait_indirect_dma semaphore(%arg22 : memref<!tpu.dma_semaphore, #tpu.memory_space<semaphore_mem>>) src(%dma_wait3A_427 : memref<1000000xf32, #tpu.memory_space<hbm>>) dst(%arg15 : memref<2048xf32, #tpu.memory_space<vmem>>)
    %dma_wait3A_428 = tpu.memref_slice %arg2[%select_n3A_404, %sub3A_407] : memref<100x16384xi32, #tpu.memory_space<hbm>> -> memref<1x2048xi32, #tpu.memory_space<hbm>>
    %dma_wait3A_429 = tpu.memref_squeeze %dma_wait3A_428 : memref<1x2048xi32, #tpu.memory_space<hbm>> -> memref<2048xi32, #tpu.memory_space<hbm>>
    %dma_wait3A_430 = tpu.memref_slice %arg2[%select_n3A_404, %sub3A_407] : memref<100x16384xi32, #tpu.memory_space<hbm>> -> memref<1x2048xi32, #tpu.memory_space<hbm>>
    %dma_wait3A_431 = tpu.memref_squeeze %dma_wait3A_430 : memref<1x2048xi32, #tpu.memory_space<hbm>> -> memref<2048xi32, #tpu.memory_space<hbm>>
    tpu.wait_dma2 semaphore(%arg27 : memref<!tpu.dma_semaphore, #tpu.memory_space<semaphore_mem>>) src(%dma_wait3A_431 : memref<2048xi32, #tpu.memory_space<hbm>>) dst(%arg8 : memref<2048xi32, #tpu.memory_space<vmem>>)
    %dma_wait3A_432 = tpu.memref_slice %arg4[%add3A_419] : memref<1638400xf32, #tpu.memory_space<hbm>> -> memref<2048xf32, #tpu.memory_space<hbm>>
    %dma_wait3A_433 = tpu.memref_slice %arg4[%add3A_419] : memref<1638400xf32, #tpu.memory_space<hbm>> -> memref<2048xf32, #tpu.memory_space<hbm>>
    tpu.wait_dma2 semaphore(%arg33 : memref<!tpu.dma_semaphore, #tpu.memory_space<semaphore_mem>>) src(%arg14 : memref<2048xf32, #tpu.memory_space<vmem>>) dst(%dma_wait3A_433 : memref<2048xf32, #tpu.memory_space<hbm>>)
    %dma_start3A_434 = arith.constant 0 : i32
    %dma_start3A_435 = arith.constant 0 : i32
    %dma_start3A_436 = tpu.memref_slice %arg3[%dma_start3A_434, %dma_start3A_435] : memref<1x1000000xf32, #tpu.memory_space<hbm>> -> memref<1x1000000xf32, #tpu.memory_space<hbm>>
    %dma_start3A_437 = tpu.memref_squeeze %dma_start3A_436 : memref<1x1000000xf32, #tpu.memory_space<hbm>> -> memref<1000000xf32, #tpu.memory_space<hbm>>
    %dma_start3A_438 = arith.constant 0 : i32
    %dma_start3A_439 = tpu.memref_slice %dma_start3A_437[%dma_start3A_438] : memref<1000000xf32, #tpu.memory_space<hbm>> -> memref<1000000xf32, #tpu.memory_space<hbm>>
    tpu.enqueue_indirect_dma source(%dma_start3A_439 : memref<1000000xf32, #tpu.memory_space<hbm>>) target(%arg14 : memref<2048xf32, #tpu.memory_space<vmem>>) offsets(%arg8 : memref<2048xi32, #tpu.memory_space<vmem>>) semaphore(%arg21 : memref<!tpu.dma_semaphore, #tpu.memory_space<semaphore_mem>>)
    %add3A_440 = arith.constant 18432 : i32
    %add3A_441 = arith.addi %mul3A_2, %add3A_440 : i32
    %jit3A_442 = arith.constant 16384 : i32
    %div3A_443 = arith.divsi %add3A_441, %jit3A_442 : i32
    %sign3A_444 = arith.constant 0 : i32
    %sign3A_445 = arith.cmpi sgt, %add3A_441, %sign3A_444 : i32
    %sign3A_446 = arith.extui %sign3A_445 : i1 to i32
    %sign3A_447 = arith.constant 0 : i32
    %sign3A_448 = arith.cmpi slt, %add3A_441, %sign3A_447 : i32
    %sign3A_449 = arith.extui %sign3A_448 : i1 to i32
    %sign3A_450 = arith.subi %sign3A_446, %sign3A_449 : i32
    %sign3A_451 = arith.constant 0 : i32
    %sign3A_452 = arith.cmpi sgt, %jit3A_442, %sign3A_451 : i32
    %sign3A_453 = arith.extui %sign3A_452 : i1 to i32
    %sign3A_454 = arith.constant 0 : i32
    %sign3A_455 = arith.cmpi slt, %jit3A_442, %sign3A_454 : i32
    %sign3A_456 = arith.extui %sign3A_455 : i1 to i32
    %sign3A_457 = arith.subi %sign3A_453, %sign3A_456 : i32
    %ne3A_458 = arith.cmpi ne, %sign3A_450, %sign3A_457 : i32
    %rem3A_459 = arith.remsi %add3A_441, %jit3A_442 : i32
    %ne3A_460 = arith.constant 0 : i32
    %ne3A_461 = arith.cmpi ne, %rem3A_459, %ne3A_460 : i32
    %and3A_462 = arith.andi %ne3A_458, %ne3A_461 : i1
    %sub3A_463 = arith.constant 1 : i32
    %sub3A_464 = arith.subi %div3A_443, %sub3A_463 : i32
    %select_n3A_465 = arith.select %and3A_462, %sub3A_464, %div3A_443 : i32
    %mul3A_466 = arith.constant 16384 : i32
    %mul3A_467 = arith.muli %select_n3A_465, %mul3A_466 : i32
    %sub3A_468 = arith.subi %add3A_441, %mul3A_467 : i32
    %dma_start3A_469 = tpu.memref_slice %arg2[%select_n3A_465, %sub3A_468] : memref<100x16384xi32, #tpu.memory_space<hbm>> -> memref<1x2048xi32, #tpu.memory_space<hbm>>
    %dma_start3A_470 = tpu.memref_squeeze %dma_start3A_469 : memref<1x2048xi32, #tpu.memory_space<hbm>> -> memref<2048xi32, #tpu.memory_space<hbm>>
    %dma_start3A_471 = tpu.memref_slice %arg2[%select_n3A_465, %sub3A_468] : memref<100x16384xi32, #tpu.memory_space<hbm>> -> memref<1x2048xi32, #tpu.memory_space<hbm>>
    %dma_start3A_472 = tpu.memref_squeeze %dma_start3A_471 : memref<1x2048xi32, #tpu.memory_space<hbm>> -> memref<2048xi32, #tpu.memory_space<hbm>>
    tpu.enqueue_dma source(%dma_start3A_472 : memref<2048xi32, #tpu.memory_space<hbm>>) target(%arg9 : memref<2048xi32, #tpu.memory_space<vmem>>) target_semaphore(%arg28 : memref<!tpu.dma_semaphore, #tpu.memory_space<semaphore_mem>>)
    %scan3A_473 = arith.constant 0 : i32
    %scan3A_474 = arith.constant 128 : i32
    %scan3A_475 = arith.addi %scan3A_473, %scan3A_474 : i32
    %scan3A_476 = arith.constant 1 : i32
    %scan3A_477 = scf.for %scan3A_1521 = %scan3A_473 to %scan3A_475 step %scan3A_476 iter_args(%scan3A_1522 = %scan3A_416) -> (vector<16xf32>)  : i32 {
      %mul3A_1523 = arith.constant 16 : i32
      %mul3A_1524 = arith.muli %scan3A_1521, %mul3A_1523 : i32
      %get3A = arith.index_cast %mul3A_1524 : i32 to index
      %get3A_1525 = tpu.vector_load %arg15[%get3A] {strides = array<i32>} : memref<2048xf32, #tpu.memory_space<vmem>>, vector<16xf32>,
      %get3A_1526 = vector.shape_cast %get3A_1525 : vector<16xf32> to vector<16xf32>
      %max3A = arith.constant 0.000000e+00 : f32
      %max3A_1527 = vector.broadcast %max3A : f32 to vector<16xf32>
      %max3A_1528 = arith.maximumf %get3A_1526, %max3A_1527 : vector<16xf32>
      %add3A_1529 = arith.addf %scan3A_1522, %max3A_1528 : vector<16xf32>
      scf.yield %add3A_1529 : vector<16xf32>
    }
    %scan3A_478 = arith.constant 128 : i32
    %add3A_479 = arith.constant 6144 : i32
    %add3A_480 = arith.addi %mul3A_2, %add3A_479 : i32
    %dma_start3A_481 = tpu.memref_slice %arg4[%add3A_480] : memref<1638400xf32, #tpu.memory_space<hbm>> -> memref<2048xf32, #tpu.memory_space<hbm>>
    %dma_start3A_482 = tpu.memref_slice %arg4[%add3A_480] : memref<1638400xf32, #tpu.memory_space<hbm>> -> memref<2048xf32, #tpu.memory_space<hbm>>
    tpu.enqueue_dma source(%arg15 : memref<2048xf32, #tpu.memory_space<vmem>>) target(%dma_start3A_482 : memref<2048xf32, #tpu.memory_space<hbm>>) target_semaphore(%arg34 : memref<!tpu.dma_semaphore, #tpu.memory_space<semaphore_mem>>)
    %dma_wait3A_483 = arith.constant 0 : i32
    %dma_wait3A_484 = arith.constant 0 : i32
    %dma_wait3A_485 = tpu.memref_slice %arg3[%dma_wait3A_483, %dma_wait3A_484] : memref<1x1000000xf32, #tpu.memory_space<hbm>> -> memref<1x1000000xf32, #tpu.memory_space<hbm>>
    %dma_wait3A_486 = tpu.memref_squeeze %dma_wait3A_485 : memref<1x1000000xf32, #tpu.memory_space<hbm>> -> memref<1000000xf32, #tpu.memory_space<hbm>>
    %dma_wait3A_487 = arith.constant 0 : i32
    %dma_wait3A_488 = tpu.memref_slice %dma_wait3A_486[%dma_wait3A_487] : memref<1000000xf32, #tpu.memory_space<hbm>> -> memref<1000000xf32, #tpu.memory_space<hbm>>
    tpu.wait_indirect_dma semaphore(%arg23 : memref<!tpu.dma_semaphore, #tpu.memory_space<semaphore_mem>>) src(%dma_wait3A_488 : memref<1000000xf32, #tpu.memory_space<hbm>>) dst(%arg16 : memref<2048xf32, #tpu.memory_space<vmem>>)
    %dma_wait3A_489 = tpu.memref_slice %arg2[%select_n3A_465, %sub3A_468] : memref<100x16384xi32, #tpu.memory_space<hbm>> -> memref<1x2048xi32, #tpu.memory_space<hbm>>
    %dma_wait3A_490 = tpu.memref_squeeze %dma_wait3A_489 : memref<1x2048xi32, #tpu.memory_space<hbm>> -> memref<2048xi32, #tpu.memory_space<hbm>>
    %dma_wait3A_491 = tpu.memref_slice %arg2[%select_n3A_465, %sub3A_468] : memref<100x16384xi32, #tpu.memory_space<hbm>> -> memref<1x2048xi32, #tpu.memory_space<hbm>>
    %dma_wait3A_492 = tpu.memref_squeeze %dma_wait3A_491 : memref<1x2048xi32, #tpu.memory_space<hbm>> -> memref<2048xi32, #tpu.memory_space<hbm>>
    tpu.wait_dma2 semaphore(%arg28 : memref<!tpu.dma_semaphore, #tpu.memory_space<semaphore_mem>>) src(%dma_wait3A_492 : memref<2048xi32, #tpu.memory_space<hbm>>) dst(%arg9 : memref<2048xi32, #tpu.memory_space<vmem>>)
    %dma_wait3A_493 = tpu.memref_slice %arg4[%add3A_480] : memref<1638400xf32, #tpu.memory_space<hbm>> -> memref<2048xf32, #tpu.memory_space<hbm>>
    %dma_wait3A_494 = tpu.memref_slice %arg4[%add3A_480] : memref<1638400xf32, #tpu.memory_space<hbm>> -> memref<2048xf32, #tpu.memory_space<hbm>>
    tpu.wait_dma2 semaphore(%arg34 : memref<!tpu.dma_semaphore, #tpu.memory_space<semaphore_mem>>) src(%arg15 : memref<2048xf32, #tpu.memory_space<vmem>>) dst(%dma_wait3A_494 : memref<2048xf32, #tpu.memory_space<hbm>>)
    %dma_start3A_495 = arith.constant 0 : i32
    %dma_start3A_496 = arith.constant 0 : i32
    %dma_start3A_497 = tpu.memref_slice %arg3[%dma_start3A_495, %dma_start3A_496] : memref<1x1000000xf32, #tpu.memory_space<hbm>> -> memref<1x1000000xf32, #tpu.memory_space<hbm>>
    %dma_start3A_498 = tpu.memref_squeeze %dma_start3A_497 : memref<1x1000000xf32, #tpu.memory_space<hbm>> -> memref<1000000xf32, #tpu.memory_space<hbm>>
    %dma_start3A_499 = arith.constant 0 : i32
    %dma_start3A_500 = tpu.memref_slice %dma_start3A_498[%dma_start3A_499] : memref<1000000xf32, #tpu.memory_space<hbm>> -> memref<1000000xf32, #tpu.memory_space<hbm>>
    tpu.enqueue_indirect_dma source(%dma_start3A_500 : memref<1000000xf32, #tpu.memory_space<hbm>>) target(%arg15 : memref<2048xf32, #tpu.memory_space<vmem>>) offsets(%arg9 : memref<2048xi32, #tpu.memory_space<vmem>>) semaphore(%arg22 : memref<!tpu.dma_semaphore, #tpu.memory_space<semaphore_mem>>)
    %add3A_501 = arith.constant 20480 : i32
    %add3A_502 = arith.addi %mul3A_2, %add3A_501 : i32
    %jit3A_503 = arith.constant 16384 : i32
    %div3A_504 = arith.divsi %add3A_502, %jit3A_503 : i32
    %sign3A_505 = arith.constant 0 : i32
    %sign3A_506 = arith.cmpi sgt, %add3A_502, %sign3A_505 : i32
    %sign3A_507 = arith.extui %sign3A_506 : i1 to i32
    %sign3A_508 = arith.constant 0 : i32
    %sign3A_509 = arith.cmpi slt, %add3A_502, %sign3A_508 : i32
    %sign3A_510 = arith.extui %sign3A_509 : i1 to i32
    %sign3A_511 = arith.subi %sign3A_507, %sign3A_510 : i32
    %sign3A_512 = arith.constant 0 : i32
    %sign3A_513 = arith.cmpi sgt, %jit3A_503, %sign3A_512 : i32
    %sign3A_514 = arith.extui %sign3A_513 : i1 to i32
    %sign3A_515 = arith.constant 0 : i32
    %sign3A_516 = arith.cmpi slt, %jit3A_503, %sign3A_515 : i32
    %sign3A_517 = arith.extui %sign3A_516 : i1 to i32
    %sign3A_518 = arith.subi %sign3A_514, %sign3A_517 : i32
    %ne3A_519 = arith.cmpi ne, %sign3A_511, %sign3A_518 : i32
    %rem3A_520 = arith.remsi %add3A_502, %jit3A_503 : i32
    %ne3A_521 = arith.constant 0 : i32
    %ne3A_522 = arith.cmpi ne, %rem3A_520, %ne3A_521 : i32
    %and3A_523 = arith.andi %ne3A_519, %ne3A_522 : i1
    %sub3A_524 = arith.constant 1 : i32
    %sub3A_525 = arith.subi %div3A_504, %sub3A_524 : i32
    %select_n3A_526 = arith.select %and3A_523, %sub3A_525, %div3A_504 : i32
    %mul3A_527 = arith.constant 16384 : i32
    %mul3A_528 = arith.muli %select_n3A_526, %mul3A_527 : i32
    %sub3A_529 = arith.subi %add3A_502, %mul3A_528 : i32
    %dma_start3A_530 = tpu.memref_slice %arg2[%select_n3A_526, %sub3A_529] : memref<100x16384xi32, #tpu.memory_space<hbm>> -> memref<1x2048xi32, #tpu.memory_space<hbm>>
    %dma_start3A_531 = tpu.memref_squeeze %dma_start3A_530 : memref<1x2048xi32, #tpu.memory_space<hbm>> -> memref<2048xi32, #tpu.memory_space<hbm>>
    %dma_start3A_532 = tpu.memref_slice %arg2[%select_n3A_526, %sub3A_529] : memref<100x16384xi32, #tpu.memory_space<hbm>> -> memref<1x2048xi32, #tpu.memory_space<hbm>>
    %dma_start3A_533 = tpu.memref_squeeze %dma_start3A_532 : memref<1x2048xi32, #tpu.memory_space<hbm>> -> memref<2048xi32, #tpu.memory_space<hbm>>
    tpu.enqueue_dma source(%dma_start3A_533 : memref<2048xi32, #tpu.memory_space<hbm>>) target(%arg10 : memref<2048xi32, #tpu.memory_space<vmem>>) target_semaphore(%arg29 : memref<!tpu.dma_semaphore, #tpu.memory_space<semaphore_mem>>)
    %scan3A_534 = arith.constant 0 : i32
    %scan3A_535 = arith.constant 128 : i32
    %scan3A_536 = arith.addi %scan3A_534, %scan3A_535 : i32
    %scan3A_537 = arith.constant 1 : i32
    %scan3A_538 = scf.for %scan3A_1521 = %scan3A_534 to %scan3A_536 step %scan3A_537 iter_args(%scan3A_1522 = %scan3A_477) -> (vector<16xf32>)  : i32 {
      %mul3A_1523 = arith.constant 16 : i32
      %mul3A_1524 = arith.muli %scan3A_1521, %mul3A_1523 : i32
      %get3A = arith.index_cast %mul3A_1524 : i32 to index
      %get3A_1525 = tpu.vector_load %arg16[%get3A] {strides = array<i32>} : memref<2048xf32, #tpu.memory_space<vmem>>, vector<16xf32>,
      %get3A_1526 = vector.shape_cast %get3A_1525 : vector<16xf32> to vector<16xf32>
      %max3A = arith.constant 0.000000e+00 : f32
      %max3A_1527 = vector.broadcast %max3A : f32 to vector<16xf32>
      %max3A_1528 = arith.maximumf %get3A_1526, %max3A_1527 : vector<16xf32>
      %add3A_1529 = arith.addf %scan3A_1522, %max3A_1528 : vector<16xf32>
      scf.yield %add3A_1529 : vector<16xf32>
    }
    %scan3A_539 = arith.constant 128 : i32
    %add3A_540 = arith.constant 8192 : i32
    %add3A_541 = arith.addi %mul3A_2, %add3A_540 : i32
    %dma_start3A_542 = tpu.memref_slice %arg4[%add3A_541] : memref<1638400xf32, #tpu.memory_space<hbm>> -> memref<2048xf32, #tpu.memory_space<hbm>>
    %dma_start3A_543 = tpu.memref_slice %arg4[%add3A_541] : memref<1638400xf32, #tpu.memory_space<hbm>> -> memref<2048xf32, #tpu.memory_space<hbm>>
    tpu.enqueue_dma source(%arg16 : memref<2048xf32, #tpu.memory_space<vmem>>) target(%dma_start3A_543 : memref<2048xf32, #tpu.memory_space<hbm>>) target_semaphore(%arg35 : memref<!tpu.dma_semaphore, #tpu.memory_space<semaphore_mem>>)
    %dma_wait3A_544 = arith.constant 0 : i32
    %dma_wait3A_545 = arith.constant 0 : i32
    %dma_wait3A_546 = tpu.memref_slice %arg3[%dma_wait3A_544, %dma_wait3A_545] : memref<1x1000000xf32, #tpu.memory_space<hbm>> -> memref<1x1000000xf32, #tpu.memory_space<hbm>>
    %dma_wait3A_547 = tpu.memref_squeeze %dma_wait3A_546 : memref<1x1000000xf32, #tpu.memory_space<hbm>> -> memref<1000000xf32, #tpu.memory_space<hbm>>
    %dma_wait3A_548 = arith.constant 0 : i32
    %dma_wait3A_549 = tpu.memref_slice %dma_wait3A_547[%dma_wait3A_548] : memref<1000000xf32, #tpu.memory_space<hbm>> -> memref<1000000xf32, #tpu.memory_space<hbm>>
    tpu.wait_indirect_dma semaphore(%arg24 : memref<!tpu.dma_semaphore, #tpu.memory_space<semaphore_mem>>) src(%dma_wait3A_549 : memref<1000000xf32, #tpu.memory_space<hbm>>) dst(%arg17 : memref<2048xf32, #tpu.memory_space<vmem>>)
    %dma_wait3A_550 = tpu.memref_slice %arg2[%select_n3A_526, %sub3A_529] : memref<100x16384xi32, #tpu.memory_space<hbm>> -> memref<1x2048xi32, #tpu.memory_space<hbm>>
    %dma_wait3A_551 = tpu.memref_squeeze %dma_wait3A_550 : memref<1x2048xi32, #tpu.memory_space<hbm>> -> memref<2048xi32, #tpu.memory_space<hbm>>
    %dma_wait3A_552 = tpu.memref_slice %arg2[%select_n3A_526, %sub3A_529] : memref<100x16384xi32, #tpu.memory_space<hbm>> -> memref<1x2048xi32, #tpu.memory_space<hbm>>
    %dma_wait3A_553 = tpu.memref_squeeze %dma_wait3A_552 : memref<1x2048xi32, #tpu.memory_space<hbm>> -> memref<2048xi32, #tpu.memory_space<hbm>>
    tpu.wait_dma2 semaphore(%arg29 : memref<!tpu.dma_semaphore, #tpu.memory_space<semaphore_mem>>) src(%dma_wait3A_553 : memref<2048xi32, #tpu.memory_space<hbm>>) dst(%arg10 : memref<2048xi32, #tpu.memory_space<vmem>>)
    %dma_wait3A_554 = tpu.memref_slice %arg4[%add3A_541] : memref<1638400xf32, #tpu.memory_space<hbm>> -> memref<2048xf32, #tpu.memory_space<hbm>>
    %dma_wait3A_555 = tpu.memref_slice %arg4[%add3A_541] : memref<1638400xf32, #tpu.memory_space<hbm>> -> memref<2048xf32, #tpu.memory_space<hbm>>
    tpu.wait_dma2 semaphore(%arg35 : memref<!tpu.dma_semaphore, #tpu.memory_space<semaphore_mem>>) src(%arg16 : memref<2048xf32, #tpu.memory_space<vmem>>) dst(%dma_wait3A_555 : memref<2048xf32, #tpu.memory_space<hbm>>)
    %dma_start3A_556 = arith.constant 0 : i32
    %dma_start3A_557 = arith.constant 0 : i32
    %dma_start3A_558 = tpu.memref_slice %arg3[%dma_start3A_556, %dma_start3A_557] : memref<1x1000000xf32, #tpu.memory_space<hbm>> -> memref<1x1000000xf32, #tpu.memory_space<hbm>>
    %dma_start3A_559 = tpu.memref_squeeze %dma_start3A_558 : memref<1x1000000xf32, #tpu.memory_space<hbm>> -> memref<1000000xf32, #tpu.memory_space<hbm>>
    %dma_start3A_560 = arith.constant 0 : i32
    %dma_start3A_561 = tpu.memref_slice %dma_start3A_559[%dma_start3A_560] : memref<1000000xf32, #tpu.memory_space<hbm>> -> memref<1000000xf32, #tpu.memory_space<hbm>>
    tpu.enqueue_indirect_dma source(%dma_start3A_561 : memref<1000000xf32, #tpu.memory_space<hbm>>) target(%arg16 : memref<2048xf32, #tpu.memory_space<vmem>>) offsets(%arg10 : memref<2048xi32, #tpu.memory_space<vmem>>) semaphore(%arg23 : memref<!tpu.dma_semaphore, #tpu.memory_space<semaphore_mem>>)
    %add3A_562 = arith.constant 22528 : i32
    %add3A_563 = arith.addi %mul3A_2, %add3A_562 : i32
    %jit3A_564 = arith.constant 16384 : i32
    %div3A_565 = arith.divsi %add3A_563, %jit3A_564 : i32
    %sign3A_566 = arith.constant 0 : i32
    %sign3A_567 = arith.cmpi sgt, %add3A_563, %sign3A_566 : i32
    %sign3A_568 = arith.extui %sign3A_567 : i1 to i32
    %sign3A_569 = arith.constant 0 : i32
    %sign3A_570 = arith.cmpi slt, %add3A_563, %sign3A_569 : i32
    %sign3A_571 = arith.extui %sign3A_570 : i1 to i32
    %sign3A_572 = arith.subi %sign3A_568, %sign3A_571 : i32
    %sign3A_573 = arith.constant 0 : i32
    %sign3A_574 = arith.cmpi sgt, %jit3A_564, %sign3A_573 : i32
    %sign3A_575 = arith.extui %sign3A_574 : i1 to i32
    %sign3A_576 = arith.constant 0 : i32
    %sign3A_577 = arith.cmpi slt, %jit3A_564, %sign3A_576 : i32
    %sign3A_578 = arith.extui %sign3A_577 : i1 to i32
    %sign3A_579 = arith.subi %sign3A_575, %sign3A_578 : i32
    %ne3A_580 = arith.cmpi ne, %sign3A_572, %sign3A_579 : i32
    %rem3A_581 = arith.remsi %add3A_563, %jit3A_564 : i32
    %ne3A_582 = arith.constant 0 : i32
    %ne3A_583 = arith.cmpi ne, %rem3A_581, %ne3A_582 : i32
    %and3A_584 = arith.andi %ne3A_580, %ne3A_583 : i1
    %sub3A_585 = arith.constant 1 : i32
    %sub3A_586 = arith.subi %div3A_565, %sub3A_585 : i32
    %select_n3A_587 = arith.select %and3A_584, %sub3A_586, %div3A_565 : i32
    %mul3A_588 = arith.constant 16384 : i32
    %mul3A_589 = arith.muli %select_n3A_587, %mul3A_588 : i32
    %sub3A_590 = arith.subi %add3A_563, %mul3A_589 : i32
    %dma_start3A_591 = tpu.memref_slice %arg2[%select_n3A_587, %sub3A_590] : memref<100x16384xi32, #tpu.memory_space<hbm>> -> memref<1x2048xi32, #tpu.memory_space<hbm>>
    %dma_start3A_592 = tpu.memref_squeeze %dma_start3A_591 : memref<1x2048xi32, #tpu.memory_space<hbm>> -> memref<2048xi32, #tpu.memory_space<hbm>>
    %dma_start3A_593 = tpu.memref_slice %arg2[%select_n3A_587, %sub3A_590] : memref<100x16384xi32, #tpu.memory_space<hbm>> -> memref<1x2048xi32, #tpu.memory_space<hbm>>
    %dma_start3A_594 = tpu.memref_squeeze %dma_start3A_593 : memref<1x2048xi32, #tpu.memory_space<hbm>> -> memref<2048xi32, #tpu.memory_space<hbm>>
    tpu.enqueue_dma source(%dma_start3A_594 : memref<2048xi32, #tpu.memory_space<hbm>>) target(%arg11 : memref<2048xi32, #tpu.memory_space<vmem>>) target_semaphore(%arg30 : memref<!tpu.dma_semaphore, #tpu.memory_space<semaphore_mem>>)
    %scan3A_595 = arith.constant 0 : i32
    %scan3A_596 = arith.constant 128 : i32
    %scan3A_597 = arith.addi %scan3A_595, %scan3A_596 : i32
    %scan3A_598 = arith.constant 1 : i32
    %scan3A_599 = scf.for %scan3A_1521 = %scan3A_595 to %scan3A_597 step %scan3A_598 iter_args(%scan3A_1522 = %scan3A_538) -> (vector<16xf32>)  : i32 {
      %mul3A_1523 = arith.constant 16 : i32
      %mul3A_1524 = arith.muli %scan3A_1521, %mul3A_1523 : i32
      %get3A = arith.index_cast %mul3A_1524 : i32 to index
      %get3A_1525 = tpu.vector_load %arg17[%get3A] {strides = array<i32>} : memref<2048xf32, #tpu.memory_space<vmem>>, vector<16xf32>,
      %get3A_1526 = vector.shape_cast %get3A_1525 : vector<16xf32> to vector<16xf32>
      %max3A = arith.constant 0.000000e+00 : f32
      %max3A_1527 = vector.broadcast %max3A : f32 to vector<16xf32>
      %max3A_1528 = arith.maximumf %get3A_1526, %max3A_1527 : vector<16xf32>
      %add3A_1529 = arith.addf %scan3A_1522, %max3A_1528 : vector<16xf32>
      scf.yield %add3A_1529 : vector<16xf32>
    }
    %scan3A_600 = arith.constant 128 : i32
    %add3A_601 = arith.constant 10240 : i32
    %add3A_602 = arith.addi %mul3A_2, %add3A_601 : i32
    %dma_start3A_603 = tpu.memref_slice %arg4[%add3A_602] : memref<1638400xf32, #tpu.memory_space<hbm>> -> memref<2048xf32, #tpu.memory_space<hbm>>
    %dma_start3A_604 = tpu.memref_slice %arg4[%add3A_602] : memref<1638400xf32, #tpu.memory_space<hbm>> -> memref<2048xf32, #tpu.memory_space<hbm>>
    tpu.enqueue_dma source(%arg17 : memref<2048xf32, #tpu.memory_space<vmem>>) target(%dma_start3A_604 : memref<2048xf32, #tpu.memory_space<hbm>>) target_semaphore(%arg36 : memref<!tpu.dma_semaphore, #tpu.memory_space<semaphore_mem>>)
    %dma_wait3A_605 = arith.constant 0 : i32
    %dma_wait3A_606 = arith.constant 0 : i32
    %dma_wait3A_607 = tpu.memref_slice %arg3[%dma_wait3A_605, %dma_wait3A_606] : memref<1x1000000xf32, #tpu.memory_space<hbm>> -> memref<1x1000000xf32, #tpu.memory_space<hbm>>
    %dma_wait3A_608 = tpu.memref_squeeze %dma_wait3A_607 : memref<1x1000000xf32, #tpu.memory_space<hbm>> -> memref<1000000xf32, #tpu.memory_space<hbm>>
    %dma_wait3A_609 = arith.constant 0 : i32
    %dma_wait3A_610 = tpu.memref_slice %dma_wait3A_608[%dma_wait3A_609] : memref<1000000xf32, #tpu.memory_space<hbm>> -> memref<1000000xf32, #tpu.memory_space<hbm>>
    tpu.wait_indirect_dma semaphore(%arg19 : memref<!tpu.dma_semaphore, #tpu.memory_space<semaphore_mem>>) src(%dma_wait3A_610 : memref<1000000xf32, #tpu.memory_space<hbm>>) dst(%arg12 : memref<2048xf32, #tpu.memory_space<vmem>>)
    %dma_wait3A_611 = tpu.memref_slice %arg2[%select_n3A_587, %sub3A_590] : memref<100x16384xi32, #tpu.memory_space<hbm>> -> memref<1x2048xi32, #tpu.memory_space<hbm>>
    %dma_wait3A_612 = tpu.memref_squeeze %dma_wait3A_611 : memref<1x2048xi32, #tpu.memory_space<hbm>> -> memref<2048xi32, #tpu.memory_space<hbm>>
    %dma_wait3A_613 = tpu.memref_slice %arg2[%select_n3A_587, %sub3A_590] : memref<100x16384xi32, #tpu.memory_space<hbm>> -> memref<1x2048xi32, #tpu.memory_space<hbm>>
    %dma_wait3A_614 = tpu.memref_squeeze %dma_wait3A_613 : memref<1x2048xi32, #tpu.memory_space<hbm>> -> memref<2048xi32, #tpu.memory_space<hbm>>
    tpu.wait_dma2 semaphore(%arg30 : memref<!tpu.dma_semaphore, #tpu.memory_space<semaphore_mem>>) src(%dma_wait3A_614 : memref<2048xi32, #tpu.memory_space<hbm>>) dst(%arg11 : memref<2048xi32, #tpu.memory_space<vmem>>)
    %dma_wait3A_615 = tpu.memref_slice %arg4[%add3A_602] : memref<1638400xf32, #tpu.memory_space<hbm>> -> memref<2048xf32, #tpu.memory_space<hbm>>
    %dma_wait3A_616 = tpu.memref_slice %arg4[%add3A_602] : memref<1638400xf32, #tpu.memory_space<hbm>> -> memref<2048xf32, #tpu.memory_space<hbm>>
    tpu.wait_dma2 semaphore(%arg36 : memref<!tpu.dma_semaphore, #tpu.memory_space<semaphore_mem>>) src(%arg17 : memref<2048xf32, #tpu.memory_space<vmem>>) dst(%dma_wait3A_616 : memref<2048xf32, #tpu.memory_space<hbm>>)
    %dma_start3A_617 = arith.constant 0 : i32
    %dma_start3A_618 = arith.constant 0 : i32
    %dma_start3A_619 = tpu.memref_slice %arg3[%dma_start3A_617, %dma_start3A_618] : memref<1x1000000xf32, #tpu.memory_space<hbm>> -> memref<1x1000000xf32, #tpu.memory_space<hbm>>
    %dma_start3A_620 = tpu.memref_squeeze %dma_start3A_619 : memref<1x1000000xf32, #tpu.memory_space<hbm>> -> memref<1000000xf32, #tpu.memory_space<hbm>>
    %dma_start3A_621 = arith.constant 0 : i32
    %dma_start3A_622 = tpu.memref_slice %dma_start3A_620[%dma_start3A_621] : memref<1000000xf32, #tpu.memory_space<hbm>> -> memref<1000000xf32, #tpu.memory_space<hbm>>
    tpu.enqueue_indirect_dma source(%dma_start3A_622 : memref<1000000xf32, #tpu.memory_space<hbm>>) target(%arg17 : memref<2048xf32, #tpu.memory_space<vmem>>) offsets(%arg11 : memref<2048xi32, #tpu.memory_space<vmem>>) semaphore(%arg24 : memref<!tpu.dma_semaphore, #tpu.memory_space<semaphore_mem>>)
    %add3A_623 = arith.constant 24576 : i32
    %add3A_624 = arith.addi %mul3A_2, %add3A_623 : i32
    %jit3A_625 = arith.constant 16384 : i32
    %div3A_626 = arith.divsi %add3A_624, %jit3A_625 : i32
    %sign3A_627 = arith.constant 0 : i32
    %sign3A_628 = arith.cmpi sgt, %add3A_624, %sign3A_627 : i32
    %sign3A_629 = arith.extui %sign3A_628 : i1 to i32
    %sign3A_630 = arith.constant 0 : i32
    %sign3A_631 = arith.cmpi slt, %add3A_624, %sign3A_630 : i32
    %sign3A_632 = arith.extui %sign3A_631 : i1 to i32
    %sign3A_633 = arith.subi %sign3A_629, %sign3A_632 : i32
    %sign3A_634 = arith.constant 0 : i32
    %sign3A_635 = arith.cmpi sgt, %jit3A_625, %sign3A_634 : i32
    %sign3A_636 = arith.extui %sign3A_635 : i1 to i32
    %sign3A_637 = arith.constant 0 : i32
    %sign3A_638 = arith.cmpi slt, %jit3A_625, %sign3A_637 : i32
    %sign3A_639 = arith.extui %sign3A_638 : i1 to i32
    %sign3A_640 = arith.subi %sign3A_636, %sign3A_639 : i32
    %ne3A_641 = arith.cmpi ne, %sign3A_633, %sign3A_640 : i32
    %rem3A_642 = arith.remsi %add3A_624, %jit3A_625 : i32
    %ne3A_643 = arith.constant 0 : i32
    %ne3A_644 = arith.cmpi ne, %rem3A_642, %ne3A_643 : i32
    %and3A_645 = arith.andi %ne3A_641, %ne3A_644 : i1
    %sub3A_646 = arith.constant 1 : i32
    %sub3A_647 = arith.subi %div3A_626, %sub3A_646 : i32
    %select_n3A_648 = arith.select %and3A_645, %sub3A_647, %div3A_626 : i32
    %mul3A_649 = arith.constant 16384 : i32
    %mul3A_650 = arith.muli %select_n3A_648, %mul3A_649 : i32
    %sub3A_651 = arith.subi %add3A_624, %mul3A_650 : i32
    %dma_start3A_652 = tpu.memref_slice %arg2[%select_n3A_648, %sub3A_651] : memref<100x16384xi32, #tpu.memory_space<hbm>> -> memref<1x2048xi32, #tpu.memory_space<hbm>>
    %dma_start3A_653 = tpu.memref_squeeze %dma_start3A_652 : memref<1x2048xi32, #tpu.memory_space<hbm>> -> memref<2048xi32, #tpu.memory_space<hbm>>
    %dma_start3A_654 = tpu.memref_slice %arg2[%select_n3A_648, %sub3A_651] : memref<100x16384xi32, #tpu.memory_space<hbm>> -> memref<1x2048xi32, #tpu.memory_space<hbm>>
    %dma_start3A_655 = tpu.memref_squeeze %dma_start3A_654 : memref<1x2048xi32, #tpu.memory_space<hbm>> -> memref<2048xi32, #tpu.memory_space<hbm>>
    tpu.enqueue_dma source(%dma_start3A_655 : memref<2048xi32, #tpu.memory_space<hbm>>) target(%arg6 : memref<2048xi32, #tpu.memory_space<vmem>>) target_semaphore(%arg25 : memref<!tpu.dma_semaphore, #tpu.memory_space<semaphore_mem>>)
    %scan3A_656 = arith.constant 0 : i32
    %scan3A_657 = arith.constant 128 : i32
    %scan3A_658 = arith.addi %scan3A_656, %scan3A_657 : i32
    %scan3A_659 = arith.constant 1 : i32
    %scan3A_660 = scf.for %scan3A_1521 = %scan3A_656 to %scan3A_658 step %scan3A_659 iter_args(%scan3A_1522 = %scan3A_599) -> (vector<16xf32>)  : i32 {
      %mul3A_1523 = arith.constant 16 : i32
      %mul3A_1524 = arith.muli %scan3A_1521, %mul3A_1523 : i32
      %get3A = arith.index_cast %mul3A_1524 : i32 to index
      %get3A_1525 = tpu.vector_load %arg12[%get3A] {strides = array<i32>} : memref<2048xf32, #tpu.memory_space<vmem>>, vector<16xf32>,
      %get3A_1526 = vector.shape_cast %get3A_1525 : vector<16xf32> to vector<16xf32>
      %max3A = arith.constant 0.000000e+00 : f32
      %max3A_1527 = vector.broadcast %max3A : f32 to vector<16xf32>
      %max3A_1528 = arith.maximumf %get3A_1526, %max3A_1527 : vector<16xf32>
      %add3A_1529 = arith.addf %scan3A_1522, %max3A_1528 : vector<16xf32>
      scf.yield %add3A_1529 : vector<16xf32>
    }
    %scan3A_661 = arith.constant 128 : i32
    %add3A_662 = arith.constant 12288 : i32
    %add3A_663 = arith.addi %mul3A_2, %add3A_662 : i32
    %dma_start3A_664 = tpu.memref_slice %arg4[%add3A_663] : memref<1638400xf32, #tpu.memory_space<hbm>> -> memref<2048xf32, #tpu.memory_space<hbm>>
    %dma_start3A_665 = tpu.memref_slice %arg4[%add3A_663] : memref<1638400xf32, #tpu.memory_space<hbm>> -> memref<2048xf32, #tpu.memory_space<hbm>>
    tpu.enqueue_dma source(%arg12 : memref<2048xf32, #tpu.memory_space<vmem>>) target(%dma_start3A_665 : memref<2048xf32, #tpu.memory_space<hbm>>) target_semaphore(%arg31 : memref<!tpu.dma_semaphore, #tpu.memory_space<semaphore_mem>>)
    %dma_wait3A_666 = arith.constant 0 : i32
    %dma_wait3A_667 = arith.constant 0 : i32
    %dma_wait3A_668 = tpu.memref_slice %arg3[%dma_wait3A_666, %dma_wait3A_667] : memref<1x1000000xf32, #tpu.memory_space<hbm>> -> memref<1x1000000xf32, #tpu.memory_space<hbm>>
    %dma_wait3A_669 = tpu.memref_squeeze %dma_wait3A_668 : memref<1x1000000xf32, #tpu.memory_space<hbm>> -> memref<1000000xf32, #tpu.memory_space<hbm>>
    %dma_wait3A_670 = arith.constant 0 : i32
    %dma_wait3A_671 = tpu.memref_slice %dma_wait3A_669[%dma_wait3A_670] : memref<1000000xf32, #tpu.memory_space<hbm>> -> memref<1000000xf32, #tpu.memory_space<hbm>>
    tpu.wait_indirect_dma semaphore(%arg20 : memref<!tpu.dma_semaphore, #tpu.memory_space<semaphore_mem>>) src(%dma_wait3A_671 : memref<1000000xf32, #tpu.memory_space<hbm>>) dst(%arg13 : memref<2048xf32, #tpu.memory_space<vmem>>)
    %dma_wait3A_672 = tpu.memref_slice %arg2[%select_n3A_648, %sub3A_651] : memref<100x16384xi32, #tpu.memory_space<hbm>> -> memref<1x2048xi32, #tpu.memory_space<hbm>>
    %dma_wait3A_673 = tpu.memref_squeeze %dma_wait3A_672 : memref<1x2048xi32, #tpu.memory_space<hbm>> -> memref<2048xi32, #tpu.memory_space<hbm>>
    %dma_wait3A_674 = tpu.memref_slice %arg2[%select_n3A_648, %sub3A_651] : memref<100x16384xi32, #tpu.memory_space<hbm>> -> memref<1x2048xi32, #tpu.memory_space<hbm>>
    %dma_wait3A_675 = tpu.memref_squeeze %dma_wait3A_674 : memref<1x2048xi32, #tpu.memory_space<hbm>> -> memref<2048xi32, #tpu.memory_space<hbm>>
    tpu.wait_dma2 semaphore(%arg25 : memref<!tpu.dma_semaphore, #tpu.memory_space<semaphore_mem>>) src(%dma_wait3A_675 : memref<2048xi32, #tpu.memory_space<hbm>>) dst(%arg6 : memref<2048xi32, #tpu.memory_space<vmem>>)
    %dma_wait3A_676 = tpu.memref_slice %arg4[%add3A_663] : memref<1638400xf32, #tpu.memory_space<hbm>> -> memref<2048xf32, #tpu.memory_space<hbm>>
    %dma_wait3A_677 = tpu.memref_slice %arg4[%add3A_663] : memref<1638400xf32, #tpu.memory_space<hbm>> -> memref<2048xf32, #tpu.memory_space<hbm>>
    tpu.wait_dma2 semaphore(%arg31 : memref<!tpu.dma_semaphore, #tpu.memory_space<semaphore_mem>>) src(%arg12 : memref<2048xf32, #tpu.memory_space<vmem>>) dst(%dma_wait3A_677 : memref<2048xf32, #tpu.memory_space<hbm>>)
    %dma_start3A_678 = arith.constant 0 : i32
    %dma_start3A_679 = arith.constant 0 : i32
    %dma_start3A_680 = tpu.memref_slice %arg3[%dma_start3A_678, %dma_start3A_679] : memref<1x1000000xf32, #tpu.memory_space<hbm>> -> memref<1x1000000xf32, #tpu.memory_space<hbm>>
    %dma_start3A_681 = tpu.memref_squeeze %dma_start3A_680 : memref<1x1000000xf32, #tpu.memory_space<hbm>> -> memref<1000000xf32, #tpu.memory_space<hbm>>
    %dma_start3A_682 = arith.constant 0 : i32
    %dma_start3A_683 = tpu.memref_slice %dma_start3A_681[%dma_start3A_682] : memref<1000000xf32, #tpu.memory_space<hbm>> -> memref<1000000xf32, #tpu.memory_space<hbm>>
    tpu.enqueue_indirect_dma source(%dma_start3A_683 : memref<1000000xf32, #tpu.memory_space<hbm>>) target(%arg12 : memref<2048xf32, #tpu.memory_space<vmem>>) offsets(%arg6 : memref<2048xi32, #tpu.memory_space<vmem>>) semaphore(%arg19 : memref<!tpu.dma_semaphore, #tpu.memory_space<semaphore_mem>>)
    %add3A_684 = arith.constant 26624 : i32
    %add3A_685 = arith.addi %mul3A_2, %add3A_684 : i32
    %jit3A_686 = arith.constant 16384 : i32
    %div3A_687 = arith.divsi %add3A_685, %jit3A_686 : i32
    %sign3A_688 = arith.constant 0 : i32
    %sign3A_689 = arith.cmpi sgt, %add3A_685, %sign3A_688 : i32
    %sign3A_690 = arith.extui %sign3A_689 : i1 to i32
    %sign3A_691 = arith.constant 0 : i32
    %sign3A_692 = arith.cmpi slt, %add3A_685, %sign3A_691 : i32
    %sign3A_693 = arith.extui %sign3A_692 : i1 to i32
    %sign3A_694 = arith.subi %sign3A_690, %sign3A_693 : i32
    %sign3A_695 = arith.constant 0 : i32
    %sign3A_696 = arith.cmpi sgt, %jit3A_686, %sign3A_695 : i32
    %sign3A_697 = arith.extui %sign3A_696 : i1 to i32
    %sign3A_698 = arith.constant 0 : i32
    %sign3A_699 = arith.cmpi slt, %jit3A_686, %sign3A_698 : i32
    %sign3A_700 = arith.extui %sign3A_699 : i1 to i32
    %sign3A_701 = arith.subi %sign3A_697, %sign3A_700 : i32
    %ne3A_702 = arith.cmpi ne, %sign3A_694, %sign3A_701 : i32
    %rem3A_703 = arith.remsi %add3A_685, %jit3A_686 : i32
    %ne3A_704 = arith.constant 0 : i32
    %ne3A_705 = arith.cmpi ne, %rem3A_703, %ne3A_704 : i32
    %and3A_706 = arith.andi %ne3A_702, %ne3A_705 : i1
    %sub3A_707 = arith.constant 1 : i32
    %sub3A_708 = arith.subi %div3A_687, %sub3A_707 : i32
    %select_n3A_709 = arith.select %and3A_706, %sub3A_708, %div3A_687 : i32
    %mul3A_710 = arith.constant 16384 : i32
    %mul3A_711 = arith.muli %select_n3A_709, %mul3A_710 : i32
    %sub3A_712 = arith.subi %add3A_685, %mul3A_711 : i32
    %dma_start3A_713 = tpu.memref_slice %arg2[%select_n3A_709, %sub3A_712] : memref<100x16384xi32, #tpu.memory_space<hbm>> -> memref<1x2048xi32, #tpu.memory_space<hbm>>
    %dma_start3A_714 = tpu.memref_squeeze %dma_start3A_713 : memref<1x2048xi32, #tpu.memory_space<hbm>> -> memref<2048xi32, #tpu.memory_space<hbm>>
    %dma_start3A_715 = tpu.memref_slice %arg2[%select_n3A_709, %sub3A_712] : memref<100x16384xi32, #tpu.memory_space<hbm>> -> memref<1x2048xi32, #tpu.memory_space<hbm>>
    %dma_start3A_716 = tpu.memref_squeeze %dma_start3A_715 : memref<1x2048xi32, #tpu.memory_space<hbm>> -> memref<2048xi32, #tpu.memory_space<hbm>>
    tpu.enqueue_dma source(%dma_start3A_716 : memref<2048xi32, #tpu.memory_space<hbm>>) target(%arg7 : memref<2048xi32, #tpu.memory_space<vmem>>) target_semaphore(%arg26 : memref<!tpu.dma_semaphore, #tpu.memory_space<semaphore_mem>>)
    %scan3A_717 = arith.constant 0 : i32
    %scan3A_718 = arith.constant 128 : i32
    %scan3A_719 = arith.addi %scan3A_717, %scan3A_718 : i32
    %scan3A_720 = arith.constant 1 : i32
    %scan3A_721 = scf.for %scan3A_1521 = %scan3A_717 to %scan3A_719 step %scan3A_720 iter_args(%scan3A_1522 = %scan3A_660) -> (vector<16xf32>)  : i32 {
      %mul3A_1523 = arith.constant 16 : i32
      %mul3A_1524 = arith.muli %scan3A_1521, %mul3A_1523 : i32
      %get3A = arith.index_cast %mul3A_1524 : i32 to index
      %get3A_1525 = tpu.vector_load %arg13[%get3A] {strides = array<i32>} : memref<2048xf32, #tpu.memory_space<vmem>>, vector<16xf32>,
      %get3A_1526 = vector.shape_cast %get3A_1525 : vector<16xf32> to vector<16xf32>
      %max3A = arith.constant 0.000000e+00 : f32
      %max3A_1527 = vector.broadcast %max3A : f32 to vector<16xf32>
      %max3A_1528 = arith.maximumf %get3A_1526, %max3A_1527 : vector<16xf32>
      %add3A_1529 = arith.addf %scan3A_1522, %max3A_1528 : vector<16xf32>
      scf.yield %add3A_1529 : vector<16xf32>
    }
    %scan3A_722 = arith.constant 128 : i32
    %add3A_723 = arith.constant 14336 : i32
    %add3A_724 = arith.addi %mul3A_2, %add3A_723 : i32
    %dma_start3A_725 = tpu.memref_slice %arg4[%add3A_724] : memref<1638400xf32, #tpu.memory_space<hbm>> -> memref<2048xf32, #tpu.memory_space<hbm>>
    %dma_start3A_726 = tpu.memref_slice %arg4[%add3A_724] : memref<1638400xf32, #tpu.memory_space<hbm>> -> memref<2048xf32, #tpu.memory_space<hbm>>
    tpu.enqueue_dma source(%arg13 : memref<2048xf32, #tpu.memory_space<vmem>>) target(%dma_start3A_726 : memref<2048xf32, #tpu.memory_space<hbm>>) target_semaphore(%arg32 : memref<!tpu.dma_semaphore, #tpu.memory_space<semaphore_mem>>)
    %dma_wait3A_727 = arith.constant 0 : i32
    %dma_wait3A_728 = arith.constant 0 : i32
    %dma_wait3A_729 = tpu.memref_slice %arg3[%dma_wait3A_727, %dma_wait3A_728] : memref<1x1000000xf32, #tpu.memory_space<hbm>> -> memref<1x1000000xf32, #tpu.memory_space<hbm>>
    %dma_wait3A_730 = tpu.memref_squeeze %dma_wait3A_729 : memref<1x1000000xf32, #tpu.memory_space<hbm>> -> memref<1000000xf32, #tpu.memory_space<hbm>>
    %dma_wait3A_731 = arith.constant 0 : i32
    %dma_wait3A_732 = tpu.memref_slice %dma_wait3A_730[%dma_wait3A_731] : memref<1000000xf32, #tpu.memory_space<hbm>> -> memref<1000000xf32, #tpu.memory_space<hbm>>
    tpu.wait_indirect_dma semaphore(%arg21 : memref<!tpu.dma_semaphore, #tpu.memory_space<semaphore_mem>>) src(%dma_wait3A_732 : memref<1000000xf32, #tpu.memory_space<hbm>>) dst(%arg14 : memref<2048xf32, #tpu.memory_space<vmem>>)
    %dma_wait3A_733 = tpu.memref_slice %arg2[%select_n3A_709, %sub3A_712] : memref<100x16384xi32, #tpu.memory_space<hbm>> -> memref<1x2048xi32, #tpu.memory_space<hbm>>
    %dma_wait3A_734 = tpu.memref_squeeze %dma_wait3A_733 : memref<1x2048xi32, #tpu.memory_space<hbm>> -> memref<2048xi32, #tpu.memory_space<hbm>>
    %dma_wait3A_735 = tpu.memref_slice %arg2[%select_n3A_709, %sub3A_712] : memref<100x16384xi32, #tpu.memory_space<hbm>> -> memref<1x2048xi32, #tpu.memory_space<hbm>>
    %dma_wait3A_736 = tpu.memref_squeeze %dma_wait3A_735 : memref<1x2048xi32, #tpu.memory_space<hbm>> -> memref<2048xi32, #tpu.memory_space<hbm>>
    tpu.wait_dma2 semaphore(%arg26 : memref<!tpu.dma_semaphore, #tpu.memory_space<semaphore_mem>>) src(%dma_wait3A_736 : memref<2048xi32, #tpu.memory_space<hbm>>) dst(%arg7 : memref<2048xi32, #tpu.memory_space<vmem>>)
    %dma_wait3A_737 = tpu.memref_slice %arg4[%add3A_724] : memref<1638400xf32, #tpu.memory_space<hbm>> -> memref<2048xf32, #tpu.memory_space<hbm>>
    %dma_wait3A_738 = tpu.memref_slice %arg4[%add3A_724] : memref<1638400xf32, #tpu.memory_space<hbm>> -> memref<2048xf32, #tpu.memory_space<hbm>>
    tpu.wait_dma2 semaphore(%arg32 : memref<!tpu.dma_semaphore, #tpu.memory_space<semaphore_mem>>) src(%arg13 : memref<2048xf32, #tpu.memory_space<vmem>>) dst(%dma_wait3A_738 : memref<2048xf32, #tpu.memory_space<hbm>>)
    %dma_start3A_739 = arith.constant 0 : i32
    %dma_start3A_740 = arith.constant 0 : i32
    %dma_start3A_741 = tpu.memref_slice %arg3[%dma_start3A_739, %dma_start3A_740] : memref<1x1000000xf32, #tpu.memory_space<hbm>> -> memref<1x1000000xf32, #tpu.memory_space<hbm>>
    %dma_start3A_742 = tpu.memref_squeeze %dma_start3A_741 : memref<1x1000000xf32, #tpu.memory_space<hbm>> -> memref<1000000xf32, #tpu.memory_space<hbm>>
    %dma_start3A_743 = arith.constant 0 : i32
    %dma_start3A_744 = tpu.memref_slice %dma_start3A_742[%dma_start3A_743] : memref<1000000xf32, #tpu.memory_space<hbm>> -> memref<1000000xf32, #tpu.memory_space<hbm>>
    tpu.enqueue_indirect_dma source(%dma_start3A_744 : memref<1000000xf32, #tpu.memory_space<hbm>>) target(%arg13 : memref<2048xf32, #tpu.memory_space<vmem>>) offsets(%arg7 : memref<2048xi32, #tpu.memory_space<vmem>>) semaphore(%arg20 : memref<!tpu.dma_semaphore, #tpu.memory_space<semaphore_mem>>)
    %add3A_745 = arith.constant 28672 : i32
    %add3A_746 = arith.addi %mul3A_2, %add3A_745 : i32
    %jit3A_747 = arith.constant 16384 : i32
    %div3A_748 = arith.divsi %add3A_746, %jit3A_747 : i32
    %sign3A_749 = arith.constant 0 : i32
    %sign3A_750 = arith.cmpi sgt, %add3A_746, %sign3A_749 : i32
    %sign3A_751 = arith.extui %sign3A_750 : i1 to i32
    %sign3A_752 = arith.constant 0 : i32
    %sign3A_753 = arith.cmpi slt, %add3A_746, %sign3A_752 : i32
    %sign3A_754 = arith.extui %sign3A_753 : i1 to i32
    %sign3A_755 = arith.subi %sign3A_751, %sign3A_754 : i32
    %sign3A_756 = arith.constant 0 : i32
    %sign3A_757 = arith.cmpi sgt, %jit3A_747, %sign3A_756 : i32
    %sign3A_758 = arith.extui %sign3A_757 : i1 to i32
    %sign3A_759 = arith.constant 0 : i32
    %sign3A_760 = arith.cmpi slt, %jit3A_747, %sign3A_759 : i32
    %sign3A_761 = arith.extui %sign3A_760 : i1 to i32
    %sign3A_762 = arith.subi %sign3A_758, %sign3A_761 : i32
    %ne3A_763 = arith.cmpi ne, %sign3A_755, %sign3A_762 : i32
    %rem3A_764 = arith.remsi %add3A_746, %jit3A_747 : i32
    %ne3A_765 = arith.constant 0 : i32
    %ne3A_766 = arith.cmpi ne, %rem3A_764, %ne3A_765 : i32
    %and3A_767 = arith.andi %ne3A_763, %ne3A_766 : i1
    %sub3A_768 = arith.constant 1 : i32
    %sub3A_769 = arith.subi %div3A_748, %sub3A_768 : i32
    %select_n3A_770 = arith.select %and3A_767, %sub3A_769, %div3A_748 : i32
    %mul3A_771 = arith.constant 16384 : i32
    %mul3A_772 = arith.muli %select_n3A_770, %mul3A_771 : i32
    %sub3A_773 = arith.subi %add3A_746, %mul3A_772 : i32
    %dma_start3A_774 = tpu.memref_slice %arg2[%select_n3A_770, %sub3A_773] : memref<100x16384xi32, #tpu.memory_space<hbm>> -> memref<1x2048xi32, #tpu.memory_space<hbm>>
    %dma_start3A_775 = tpu.memref_squeeze %dma_start3A_774 : memref<1x2048xi32, #tpu.memory_space<hbm>> -> memref<2048xi32, #tpu.memory_space<hbm>>
    %dma_start3A_776 = tpu.memref_slice %arg2[%select_n3A_770, %sub3A_773] : memref<100x16384xi32, #tpu.memory_space<hbm>> -> memref<1x2048xi32, #tpu.memory_space<hbm>>
    %dma_start3A_777 = tpu.memref_squeeze %dma_start3A_776 : memref<1x2048xi32, #tpu.memory_space<hbm>> -> memref<2048xi32, #tpu.memory_space<hbm>>
    tpu.enqueue_dma source(%dma_start3A_777 : memref<2048xi32, #tpu.memory_space<hbm>>) target(%arg8 : memref<2048xi32, #tpu.memory_space<vmem>>) target_semaphore(%arg27 : memref<!tpu.dma_semaphore, #tpu.memory_space<semaphore_mem>>)
    %scan3A_778 = arith.constant 0 : i32
    %scan3A_779 = arith.constant 128 : i32
    %scan3A_780 = arith.addi %scan3A_778, %scan3A_779 : i32
    %scan3A_781 = arith.constant 1 : i32
    %scan3A_782 = scf.for %scan3A_1521 = %scan3A_778 to %scan3A_780 step %scan3A_781 iter_args(%scan3A_1522 = %scan3A_721) -> (vector<16xf32>)  : i32 {
      %mul3A_1523 = arith.constant 16 : i32
      %mul3A_1524 = arith.muli %scan3A_1521, %mul3A_1523 : i32
      %get3A = arith.index_cast %mul3A_1524 : i32 to index
      %get3A_1525 = tpu.vector_load %arg14[%get3A] {strides = array<i32>} : memref<2048xf32, #tpu.memory_space<vmem>>, vector<16xf32>,
      %get3A_1526 = vector.shape_cast %get3A_1525 : vector<16xf32> to vector<16xf32>
      %max3A = arith.constant 0.000000e+00 : f32
      %max3A_1527 = vector.broadcast %max3A : f32 to vector<16xf32>
      %max3A_1528 = arith.maximumf %get3A_1526, %max3A_1527 : vector<16xf32>
      %add3A_1529 = arith.addf %scan3A_1522, %max3A_1528 : vector<16xf32>
      scf.yield %add3A_1529 : vector<16xf32>
    }
    %scan3A_783 = arith.constant 128 : i32
    %add3A_784 = arith.constant 16384 : i32
    %add3A_785 = arith.addi %mul3A_2, %add3A_784 : i32
    %dma_start3A_786 = tpu.memref_slice %arg4[%add3A_785] : memref<1638400xf32, #tpu.memory_space<hbm>> -> memref<2048xf32, #tpu.memory_space<hbm>>
    %dma_start3A_787 = tpu.memref_slice %arg4[%add3A_785] : memref<1638400xf32, #tpu.memory_space<hbm>> -> memref<2048xf32, #tpu.memory_space<hbm>>
    tpu.enqueue_dma source(%arg14 : memref<2048xf32, #tpu.memory_space<vmem>>) target(%dma_start3A_787 : memref<2048xf32, #tpu.memory_space<hbm>>) target_semaphore(%arg33 : memref<!tpu.dma_semaphore, #tpu.memory_space<semaphore_mem>>)
    %dma_wait3A_788 = arith.constant 0 : i32
    %dma_wait3A_789 = arith.constant 0 : i32
    %dma_wait3A_790 = tpu.memref_slice %arg3[%dma_wait3A_788, %dma_wait3A_789] : memref<1x1000000xf32, #tpu.memory_space<hbm>> -> memref<1x1000000xf32, #tpu.memory_space<hbm>>
    %dma_wait3A_791 = tpu.memref_squeeze %dma_wait3A_790 : memref<1x1000000xf32, #tpu.memory_space<hbm>> -> memref<1000000xf32, #tpu.memory_space<hbm>>
    %dma_wait3A_792 = arith.constant 0 : i32
    %dma_wait3A_793 = tpu.memref_slice %dma_wait3A_791[%dma_wait3A_792] : memref<1000000xf32, #tpu.memory_space<hbm>> -> memref<1000000xf32, #tpu.memory_space<hbm>>
    tpu.wait_indirect_dma semaphore(%arg22 : memref<!tpu.dma_semaphore, #tpu.memory_space<semaphore_mem>>) src(%dma_wait3A_793 : memref<1000000xf32, #tpu.memory_space<hbm>>) dst(%arg15 : memref<2048xf32, #tpu.memory_space<vmem>>)
    %dma_wait3A_794 = tpu.memref_slice %arg2[%select_n3A_770, %sub3A_773] : memref<100x16384xi32, #tpu.memory_space<hbm>> -> memref<1x2048xi32, #tpu.memory_space<hbm>>
    %dma_wait3A_795 = tpu.memref_squeeze %dma_wait3A_794 : memref<1x2048xi32, #tpu.memory_space<hbm>> -> memref<2048xi32, #tpu.memory_space<hbm>>
    %dma_wait3A_796 = tpu.memref_slice %arg2[%select_n3A_770, %sub3A_773] : memref<100x16384xi32, #tpu.memory_space<hbm>> -> memref<1x2048xi32, #tpu.memory_space<hbm>>
    %dma_wait3A_797 = tpu.memref_squeeze %dma_wait3A_796 : memref<1x2048xi32, #tpu.memory_space<hbm>> -> memref<2048xi32, #tpu.memory_space<hbm>>
    tpu.wait_dma2 semaphore(%arg27 : memref<!tpu.dma_semaphore, #tpu.memory_space<semaphore_mem>>) src(%dma_wait3A_797 : memref<2048xi32, #tpu.memory_space<hbm>>) dst(%arg8 : memref<2048xi32, #tpu.memory_space<vmem>>)
    %dma_wait3A_798 = tpu.memref_slice %arg4[%add3A_785] : memref<1638400xf32, #tpu.memory_space<hbm>> -> memref<2048xf32, #tpu.memory_space<hbm>>
    %dma_wait3A_799 = tpu.memref_slice %arg4[%add3A_785] : memref<1638400xf32, #tpu.memory_space<hbm>> -> memref<2048xf32, #tpu.memory_space<hbm>>
    tpu.wait_dma2 semaphore(%arg33 : memref<!tpu.dma_semaphore, #tpu.memory_space<semaphore_mem>>) src(%arg14 : memref<2048xf32, #tpu.memory_space<vmem>>) dst(%dma_wait3A_799 : memref<2048xf32, #tpu.memory_space<hbm>>)
    %dma_start3A_800 = arith.constant 0 : i32
    %dma_start3A_801 = arith.constant 0 : i32
    %dma_start3A_802 = tpu.memref_slice %arg3[%dma_start3A_800, %dma_start3A_801] : memref<1x1000000xf32, #tpu.memory_space<hbm>> -> memref<1x1000000xf32, #tpu.memory_space<hbm>>
    %dma_start3A_803 = tpu.memref_squeeze %dma_start3A_802 : memref<1x1000000xf32, #tpu.memory_space<hbm>> -> memref<1000000xf32, #tpu.memory_space<hbm>>
    %dma_start3A_804 = arith.constant 0 : i32
    %dma_start3A_805 = tpu.memref_slice %dma_start3A_803[%dma_start3A_804] : memref<1000000xf32, #tpu.memory_space<hbm>> -> memref<1000000xf32, #tpu.memory_space<hbm>>
    tpu.enqueue_indirect_dma source(%dma_start3A_805 : memref<1000000xf32, #tpu.memory_space<hbm>>) target(%arg14 : memref<2048xf32, #tpu.memory_space<vmem>>) offsets(%arg8 : memref<2048xi32, #tpu.memory_space<vmem>>) semaphore(%arg21 : memref<!tpu.dma_semaphore, #tpu.memory_space<semaphore_mem>>)
    %add3A_806 = arith.constant 30720 : i32
    %add3A_807 = arith.addi %mul3A_2, %add3A_806 : i32
    %jit3A_808 = arith.constant 16384 : i32
    %div3A_809 = arith.divsi %add3A_807, %jit3A_808 : i32
    %sign3A_810 = arith.constant 0 : i32
    %sign3A_811 = arith.cmpi sgt, %add3A_807, %sign3A_810 : i32
    %sign3A_812 = arith.extui %sign3A_811 : i1 to i32
    %sign3A_813 = arith.constant 0 : i32
    %sign3A_814 = arith.cmpi slt, %add3A_807, %sign3A_813 : i32
    %sign3A_815 = arith.extui %sign3A_814 : i1 to i32
    %sign3A_816 = arith.subi %sign3A_812, %sign3A_815 : i32
    %sign3A_817 = arith.constant 0 : i32
    %sign3A_818 = arith.cmpi sgt, %jit3A_808, %sign3A_817 : i32
    %sign3A_819 = arith.extui %sign3A_818 : i1 to i32
    %sign3A_820 = arith.constant 0 : i32
    %sign3A_821 = arith.cmpi slt, %jit3A_808, %sign3A_820 : i32
    %sign3A_822 = arith.extui %sign3A_821 : i1 to i32
    %sign3A_823 = arith.subi %sign3A_819, %sign3A_822 : i32
    %ne3A_824 = arith.cmpi ne, %sign3A_816, %sign3A_823 : i32
    %rem3A_825 = arith.remsi %add3A_807, %jit3A_808 : i32
    %ne3A_826 = arith.constant 0 : i32
    %ne3A_827 = arith.cmpi ne, %rem3A_825, %ne3A_826 : i32
    %and3A_828 = arith.andi %ne3A_824, %ne3A_827 : i1
    %sub3A_829 = arith.constant 1 : i32
    %sub3A_830 = arith.subi %div3A_809, %sub3A_829 : i32
    %select_n3A_831 = arith.select %and3A_828, %sub3A_830, %div3A_809 : i32
    %mul3A_832 = arith.constant 16384 : i32
    %mul3A_833 = arith.muli %select_n3A_831, %mul3A_832 : i32
    %sub3A_834 = arith.subi %add3A_807, %mul3A_833 : i32
    %dma_start3A_835 = tpu.memref_slice %arg2[%select_n3A_831, %sub3A_834] : memref<100x16384xi32, #tpu.memory_space<hbm>> -> memref<1x2048xi32, #tpu.memory_space<hbm>>
    %dma_start3A_836 = tpu.memref_squeeze %dma_start3A_835 : memref<1x2048xi32, #tpu.memory_space<hbm>> -> memref<2048xi32, #tpu.memory_space<hbm>>
    %dma_start3A_837 = tpu.memref_slice %arg2[%select_n3A_831, %sub3A_834] : memref<100x16384xi32, #tpu.memory_space<hbm>> -> memref<1x2048xi32, #tpu.memory_space<hbm>>
    %dma_start3A_838 = tpu.memref_squeeze %dma_start3A_837 : memref<1x2048xi32, #tpu.memory_space<hbm>> -> memref<2048xi32, #tpu.memory_space<hbm>>
    tpu.enqueue_dma source(%dma_start3A_838 : memref<2048xi32, #tpu.memory_space<hbm>>) target(%arg9 : memref<2048xi32, #tpu.memory_space<vmem>>) target_semaphore(%arg28 : memref<!tpu.dma_semaphore, #tpu.memory_space<semaphore_mem>>)
    %scan3A_839 = arith.constant 0 : i32
    %scan3A_840 = arith.constant 128 : i32
    %scan3A_841 = arith.addi %scan3A_839, %scan3A_840 : i32
    %scan3A_842 = arith.constant 1 : i32
    %scan3A_843 = scf.for %scan3A_1521 = %scan3A_839 to %scan3A_841 step %scan3A_842 iter_args(%scan3A_1522 = %scan3A_782) -> (vector<16xf32>)  : i32 {
      %mul3A_1523 = arith.constant 16 : i32
      %mul3A_1524 = arith.muli %scan3A_1521, %mul3A_1523 : i32
      %get3A = arith.index_cast %mul3A_1524 : i32 to index
      %get3A_1525 = tpu.vector_load %arg15[%get3A] {strides = array<i32>} : memref<2048xf32, #tpu.memory_space<vmem>>, vector<16xf32>,
      %get3A_1526 = vector.shape_cast %get3A_1525 : vector<16xf32> to vector<16xf32>
      %max3A = arith.constant 0.000000e+00 : f32
      %max3A_1527 = vector.broadcast %max3A : f32 to vector<16xf32>
      %max3A_1528 = arith.maximumf %get3A_1526, %max3A_1527 : vector<16xf32>
      %add3A_1529 = arith.addf %scan3A_1522, %max3A_1528 : vector<16xf32>
      scf.yield %add3A_1529 : vector<16xf32>
    }
    %scan3A_844 = arith.constant 128 : i32
    %add3A_845 = arith.constant 18432 : i32
    %add3A_846 = arith.addi %mul3A_2, %add3A_845 : i32
    %dma_start3A_847 = tpu.memref_slice %arg4[%add3A_846] : memref<1638400xf32, #tpu.memory_space<hbm>> -> memref<2048xf32, #tpu.memory_space<hbm>>
    %dma_start3A_848 = tpu.memref_slice %arg4[%add3A_846] : memref<1638400xf32, #tpu.memory_space<hbm>> -> memref<2048xf32, #tpu.memory_space<hbm>>
    tpu.enqueue_dma source(%arg15 : memref<2048xf32, #tpu.memory_space<vmem>>) target(%dma_start3A_848 : memref<2048xf32, #tpu.memory_space<hbm>>) target_semaphore(%arg34 : memref<!tpu.dma_semaphore, #tpu.memory_space<semaphore_mem>>)
    %dma_wait3A_849 = arith.constant 0 : i32
    %dma_wait3A_850 = arith.constant 0 : i32
    %dma_wait3A_851 = tpu.memref_slice %arg3[%dma_wait3A_849, %dma_wait3A_850] : memref<1x1000000xf32, #tpu.memory_space<hbm>> -> memref<1x1000000xf32, #tpu.memory_space<hbm>>
    %dma_wait3A_852 = tpu.memref_squeeze %dma_wait3A_851 : memref<1x1000000xf32, #tpu.memory_space<hbm>> -> memref<1000000xf32, #tpu.memory_space<hbm>>
    %dma_wait3A_853 = arith.constant 0 : i32
    %dma_wait3A_854 = tpu.memref_slice %dma_wait3A_852[%dma_wait3A_853] : memref<1000000xf32, #tpu.memory_space<hbm>> -> memref<1000000xf32, #tpu.memory_space<hbm>>
    tpu.wait_indirect_dma semaphore(%arg23 : memref<!tpu.dma_semaphore, #tpu.memory_space<semaphore_mem>>) src(%dma_wait3A_854 : memref<1000000xf32, #tpu.memory_space<hbm>>) dst(%arg16 : memref<2048xf32, #tpu.memory_space<vmem>>)
    %dma_wait3A_855 = tpu.memref_slice %arg2[%select_n3A_831, %sub3A_834] : memref<100x16384xi32, #tpu.memory_space<hbm>> -> memref<1x2048xi32, #tpu.memory_space<hbm>>
    %dma_wait3A_856 = tpu.memref_squeeze %dma_wait3A_855 : memref<1x2048xi32, #tpu.memory_space<hbm>> -> memref<2048xi32, #tpu.memory_space<hbm>>
    %dma_wait3A_857 = tpu.memref_slice %arg2[%select_n3A_831, %sub3A_834] : memref<100x16384xi32, #tpu.memory_space<hbm>> -> memref<1x2048xi32, #tpu.memory_space<hbm>>
    %dma_wait3A_858 = tpu.memref_squeeze %dma_wait3A_857 : memref<1x2048xi32, #tpu.memory_space<hbm>> -> memref<2048xi32, #tpu.memory_space<hbm>>
    tpu.wait_dma2 semaphore(%arg28 : memref<!tpu.dma_semaphore, #tpu.memory_space<semaphore_mem>>) src(%dma_wait3A_858 : memref<2048xi32, #tpu.memory_space<hbm>>) dst(%arg9 : memref<2048xi32, #tpu.memory_space<vmem>>)
    %dma_wait3A_859 = tpu.memref_slice %arg4[%add3A_846] : memref<1638400xf32, #tpu.memory_space<hbm>> -> memref<2048xf32, #tpu.memory_space<hbm>>
    %dma_wait3A_860 = tpu.memref_slice %arg4[%add3A_846] : memref<1638400xf32, #tpu.memory_space<hbm>> -> memref<2048xf32, #tpu.memory_space<hbm>>
    tpu.wait_dma2 semaphore(%arg34 : memref<!tpu.dma_semaphore, #tpu.memory_space<semaphore_mem>>) src(%arg15 : memref<2048xf32, #tpu.memory_space<vmem>>) dst(%dma_wait3A_860 : memref<2048xf32, #tpu.memory_space<hbm>>)
    %dma_start3A_861 = arith.constant 0 : i32
    %dma_start3A_862 = arith.constant 0 : i32
    %dma_start3A_863 = tpu.memref_slice %arg3[%dma_start3A_861, %dma_start3A_862] : memref<1x1000000xf32, #tpu.memory_space<hbm>> -> memref<1x1000000xf32, #tpu.memory_space<hbm>>
    %dma_start3A_864 = tpu.memref_squeeze %dma_start3A_863 : memref<1x1000000xf32, #tpu.memory_space<hbm>> -> memref<1000000xf32, #tpu.memory_space<hbm>>
    %dma_start3A_865 = arith.constant 0 : i32
    %dma_start3A_866 = tpu.memref_slice %dma_start3A_864[%dma_start3A_865] : memref<1000000xf32, #tpu.memory_space<hbm>> -> memref<1000000xf32, #tpu.memory_space<hbm>>
    tpu.enqueue_indirect_dma source(%dma_start3A_866 : memref<1000000xf32, #tpu.memory_space<hbm>>) target(%arg15 : memref<2048xf32, #tpu.memory_space<vmem>>) offsets(%arg9 : memref<2048xi32, #tpu.memory_space<vmem>>) semaphore(%arg22 : memref<!tpu.dma_semaphore, #tpu.memory_space<semaphore_mem>>)
    %add3A_867 = arith.constant 32768 : i32
    %add3A_868 = arith.addi %mul3A_2, %add3A_867 : i32
    %jit3A_869 = arith.constant 16384 : i32
    %div3A_870 = arith.divsi %add3A_868, %jit3A_869 : i32
    %sign3A_871 = arith.constant 0 : i32
    %sign3A_872 = arith.cmpi sgt, %add3A_868, %sign3A_871 : i32
    %sign3A_873 = arith.extui %sign3A_872 : i1 to i32
    %sign3A_874 = arith.constant 0 : i32
    %sign3A_875 = arith.cmpi slt, %add3A_868, %sign3A_874 : i32
    %sign3A_876 = arith.extui %sign3A_875 : i1 to i32
    %sign3A_877 = arith.subi %sign3A_873, %sign3A_876 : i32
    %sign3A_878 = arith.constant 0 : i32
    %sign3A_879 = arith.cmpi sgt, %jit3A_869, %sign3A_878 : i32
    %sign3A_880 = arith.extui %sign3A_879 : i1 to i32
    %sign3A_881 = arith.constant 0 : i32
    %sign3A_882 = arith.cmpi slt, %jit3A_869, %sign3A_881 : i32
    %sign3A_883 = arith.extui %sign3A_882 : i1 to i32
    %sign3A_884 = arith.subi %sign3A_880, %sign3A_883 : i32
    %ne3A_885 = arith.cmpi ne, %sign3A_877, %sign3A_884 : i32
    %rem3A_886 = arith.remsi %add3A_868, %jit3A_869 : i32
    %ne3A_887 = arith.constant 0 : i32
    %ne3A_888 = arith.cmpi ne, %rem3A_886, %ne3A_887 : i32
    %and3A_889 = arith.andi %ne3A_885, %ne3A_888 : i1
    %sub3A_890 = arith.constant 1 : i32
    %sub3A_891 = arith.subi %div3A_870, %sub3A_890 : i32
    %select_n3A_892 = arith.select %and3A_889, %sub3A_891, %div3A_870 : i32
    %mul3A_893 = arith.constant 16384 : i32
    %mul3A_894 = arith.muli %select_n3A_892, %mul3A_893 : i32
    %sub3A_895 = arith.subi %add3A_868, %mul3A_894 : i32
    %dma_start3A_896 = tpu.memref_slice %arg2[%select_n3A_892, %sub3A_895] : memref<100x16384xi32, #tpu.memory_space<hbm>> -> memref<1x2048xi32, #tpu.memory_space<hbm>>
    %dma_start3A_897 = tpu.memref_squeeze %dma_start3A_896 : memref<1x2048xi32, #tpu.memory_space<hbm>> -> memref<2048xi32, #tpu.memory_space<hbm>>
    %dma_start3A_898 = tpu.memref_slice %arg2[%select_n3A_892, %sub3A_895] : memref<100x16384xi32, #tpu.memory_space<hbm>> -> memref<1x2048xi32, #tpu.memory_space<hbm>>
    %dma_start3A_899 = tpu.memref_squeeze %dma_start3A_898 : memref<1x2048xi32, #tpu.memory_space<hbm>> -> memref<2048xi32, #tpu.memory_space<hbm>>
    tpu.enqueue_dma source(%dma_start3A_899 : memref<2048xi32, #tpu.memory_space<hbm>>) target(%arg10 : memref<2048xi32, #tpu.memory_space<vmem>>) target_semaphore(%arg29 : memref<!tpu.dma_semaphore, #tpu.memory_space<semaphore_mem>>)
    %scan3A_900 = arith.constant 0 : i32
    %scan3A_901 = arith.constant 128 : i32
    %scan3A_902 = arith.addi %scan3A_900, %scan3A_901 : i32
    %scan3A_903 = arith.constant 1 : i32
    %scan3A_904 = scf.for %scan3A_1521 = %scan3A_900 to %scan3A_902 step %scan3A_903 iter_args(%scan3A_1522 = %scan3A_843) -> (vector<16xf32>)  : i32 {
      %mul3A_1523 = arith.constant 16 : i32
      %mul3A_1524 = arith.muli %scan3A_1521, %mul3A_1523 : i32
      %get3A = arith.index_cast %mul3A_1524 : i32 to index
      %get3A_1525 = tpu.vector_load %arg16[%get3A] {strides = array<i32>} : memref<2048xf32, #tpu.memory_space<vmem>>, vector<16xf32>,
      %get3A_1526 = vector.shape_cast %get3A_1525 : vector<16xf32> to vector<16xf32>
      %max3A = arith.constant 0.000000e+00 : f32
      %max3A_1527 = vector.broadcast %max3A : f32 to vector<16xf32>
      %max3A_1528 = arith.maximumf %get3A_1526, %max3A_1527 : vector<16xf32>
      %add3A_1529 = arith.addf %scan3A_1522, %max3A_1528 : vector<16xf32>
      scf.yield %add3A_1529 : vector<16xf32>
    }
    %scan3A_905 = arith.constant 128 : i32
    %add3A_906 = arith.constant 20480 : i32
    %add3A_907 = arith.addi %mul3A_2, %add3A_906 : i32
    %dma_start3A_908 = tpu.memref_slice %arg4[%add3A_907] : memref<1638400xf32, #tpu.memory_space<hbm>> -> memref<2048xf32, #tpu.memory_space<hbm>>
    %dma_start3A_909 = tpu.memref_slice %arg4[%add3A_907] : memref<1638400xf32, #tpu.memory_space<hbm>> -> memref<2048xf32, #tpu.memory_space<hbm>>
    tpu.enqueue_dma source(%arg16 : memref<2048xf32, #tpu.memory_space<vmem>>) target(%dma_start3A_909 : memref<2048xf32, #tpu.memory_space<hbm>>) target_semaphore(%arg35 : memref<!tpu.dma_semaphore, #tpu.memory_space<semaphore_mem>>)
    %dma_wait3A_910 = arith.constant 0 : i32
    %dma_wait3A_911 = arith.constant 0 : i32
    %dma_wait3A_912 = tpu.memref_slice %arg3[%dma_wait3A_910, %dma_wait3A_911] : memref<1x1000000xf32, #tpu.memory_space<hbm>> -> memref<1x1000000xf32, #tpu.memory_space<hbm>>
    %dma_wait3A_913 = tpu.memref_squeeze %dma_wait3A_912 : memref<1x1000000xf32, #tpu.memory_space<hbm>> -> memref<1000000xf32, #tpu.memory_space<hbm>>
    %dma_wait3A_914 = arith.constant 0 : i32
    %dma_wait3A_915 = tpu.memref_slice %dma_wait3A_913[%dma_wait3A_914] : memref<1000000xf32, #tpu.memory_space<hbm>> -> memref<1000000xf32, #tpu.memory_space<hbm>>
    tpu.wait_indirect_dma semaphore(%arg24 : memref<!tpu.dma_semaphore, #tpu.memory_space<semaphore_mem>>) src(%dma_wait3A_915 : memref<1000000xf32, #tpu.memory_space<hbm>>) dst(%arg17 : memref<2048xf32, #tpu.memory_space<vmem>>)
    %dma_wait3A_916 = tpu.memref_slice %arg2[%select_n3A_892, %sub3A_895] : memref<100x16384xi32, #tpu.memory_space<hbm>> -> memref<1x2048xi32, #tpu.memory_space<hbm>>
    %dma_wait3A_917 = tpu.memref_squeeze %dma_wait3A_916 : memref<1x2048xi32, #tpu.memory_space<hbm>> -> memref<2048xi32, #tpu.memory_space<hbm>>
    %dma_wait3A_918 = tpu.memref_slice %arg2[%select_n3A_892, %sub3A_895] : memref<100x16384xi32, #tpu.memory_space<hbm>> -> memref<1x2048xi32, #tpu.memory_space<hbm>>
    %dma_wait3A_919 = tpu.memref_squeeze %dma_wait3A_918 : memref<1x2048xi32, #tpu.memory_space<hbm>> -> memref<2048xi32, #tpu.memory_space<hbm>>
    tpu.wait_dma2 semaphore(%arg29 : memref<!tpu.dma_semaphore, #tpu.memory_space<semaphore_mem>>) src(%dma_wait3A_919 : memref<2048xi32, #tpu.memory_space<hbm>>) dst(%arg10 : memref<2048xi32, #tpu.memory_space<vmem>>)
    %dma_wait3A_920 = tpu.memref_slice %arg4[%add3A_907] : memref<1638400xf32, #tpu.memory_space<hbm>> -> memref<2048xf32, #tpu.memory_space<hbm>>
    %dma_wait3A_921 = tpu.memref_slice %arg4[%add3A_907] : memref<1638400xf32, #tpu.memory_space<hbm>> -> memref<2048xf32, #tpu.memory_space<hbm>>
    tpu.wait_dma2 semaphore(%arg35 : memref<!tpu.dma_semaphore, #tpu.memory_space<semaphore_mem>>) src(%arg16 : memref<2048xf32, #tpu.memory_space<vmem>>) dst(%dma_wait3A_921 : memref<2048xf32, #tpu.memory_space<hbm>>)
    %dma_start3A_922 = arith.constant 0 : i32
    %dma_start3A_923 = arith.constant 0 : i32
    %dma_start3A_924 = tpu.memref_slice %arg3[%dma_start3A_922, %dma_start3A_923] : memref<1x1000000xf32, #tpu.memory_space<hbm>> -> memref<1x1000000xf32, #tpu.memory_space<hbm>>
    %dma_start3A_925 = tpu.memref_squeeze %dma_start3A_924 : memref<1x1000000xf32, #tpu.memory_space<hbm>> -> memref<1000000xf32, #tpu.memory_space<hbm>>
    %dma_start3A_926 = arith.constant 0 : i32
    %dma_start3A_927 = tpu.memref_slice %dma_start3A_925[%dma_start3A_926] : memref<1000000xf32, #tpu.memory_space<hbm>> -> memref<1000000xf32, #tpu.memory_space<hbm>>
    tpu.enqueue_indirect_dma source(%dma_start3A_927 : memref<1000000xf32, #tpu.memory_space<hbm>>) target(%arg16 : memref<2048xf32, #tpu.memory_space<vmem>>) offsets(%arg10 : memref<2048xi32, #tpu.memory_space<vmem>>) semaphore(%arg23 : memref<!tpu.dma_semaphore, #tpu.memory_space<semaphore_mem>>)
    %add3A_928 = arith.constant 34816 : i32
    %add3A_929 = arith.addi %mul3A_2, %add3A_928 : i32
    %jit3A_930 = arith.constant 16384 : i32
    %div3A_931 = arith.divsi %add3A_929, %jit3A_930 : i32
    %sign3A_932 = arith.constant 0 : i32
    %sign3A_933 = arith.cmpi sgt, %add3A_929, %sign3A_932 : i32
    %sign3A_934 = arith.extui %sign3A_933 : i1 to i32
    %sign3A_935 = arith.constant 0 : i32
    %sign3A_936 = arith.cmpi slt, %add3A_929, %sign3A_935 : i32
    %sign3A_937 = arith.extui %sign3A_936 : i1 to i32
    %sign3A_938 = arith.subi %sign3A_934, %sign3A_937 : i32
    %sign3A_939 = arith.constant 0 : i32
    %sign3A_940 = arith.cmpi sgt, %jit3A_930, %sign3A_939 : i32
    %sign3A_941 = arith.extui %sign3A_940 : i1 to i32
    %sign3A_942 = arith.constant 0 : i32
    %sign3A_943 = arith.cmpi slt, %jit3A_930, %sign3A_942 : i32
    %sign3A_944 = arith.extui %sign3A_943 : i1 to i32
    %sign3A_945 = arith.subi %sign3A_941, %sign3A_944 : i32
    %ne3A_946 = arith.cmpi ne, %sign3A_938, %sign3A_945 : i32
    %rem3A_947 = arith.remsi %add3A_929, %jit3A_930 : i32
    %ne3A_948 = arith.constant 0 : i32
    %ne3A_949 = arith.cmpi ne, %rem3A_947, %ne3A_948 : i32
    %and3A_950 = arith.andi %ne3A_946, %ne3A_949 : i1
    %sub3A_951 = arith.constant 1 : i32
    %sub3A_952 = arith.subi %div3A_931, %sub3A_951 : i32
    %select_n3A_953 = arith.select %and3A_950, %sub3A_952, %div3A_931 : i32
    %mul3A_954 = arith.constant 16384 : i32
    %mul3A_955 = arith.muli %select_n3A_953, %mul3A_954 : i32
    %sub3A_956 = arith.subi %add3A_929, %mul3A_955 : i32
    %dma_start3A_957 = tpu.memref_slice %arg2[%select_n3A_953, %sub3A_956] : memref<100x16384xi32, #tpu.memory_space<hbm>> -> memref<1x2048xi32, #tpu.memory_space<hbm>>
    %dma_start3A_958 = tpu.memref_squeeze %dma_start3A_957 : memref<1x2048xi32, #tpu.memory_space<hbm>> -> memref<2048xi32, #tpu.memory_space<hbm>>
    %dma_start3A_959 = tpu.memref_slice %arg2[%select_n3A_953, %sub3A_956] : memref<100x16384xi32, #tpu.memory_space<hbm>> -> memref<1x2048xi32, #tpu.memory_space<hbm>>
    %dma_start3A_960 = tpu.memref_squeeze %dma_start3A_959 : memref<1x2048xi32, #tpu.memory_space<hbm>> -> memref<2048xi32, #tpu.memory_space<hbm>>
    tpu.enqueue_dma source(%dma_start3A_960 : memref<2048xi32, #tpu.memory_space<hbm>>) target(%arg11 : memref<2048xi32, #tpu.memory_space<vmem>>) target_semaphore(%arg30 : memref<!tpu.dma_semaphore, #tpu.memory_space<semaphore_mem>>)
    %scan3A_961 = arith.constant 0 : i32
    %scan3A_962 = arith.constant 128 : i32
    %scan3A_963 = arith.addi %scan3A_961, %scan3A_962 : i32
    %scan3A_964 = arith.constant 1 : i32
    %scan3A_965 = scf.for %scan3A_1521 = %scan3A_961 to %scan3A_963 step %scan3A_964 iter_args(%scan3A_1522 = %scan3A_904) -> (vector<16xf32>)  : i32 {
      %mul3A_1523 = arith.constant 16 : i32
      %mul3A_1524 = arith.muli %scan3A_1521, %mul3A_1523 : i32
      %get3A = arith.index_cast %mul3A_1524 : i32 to index
      %get3A_1525 = tpu.vector_load %arg17[%get3A] {strides = array<i32>} : memref<2048xf32, #tpu.memory_space<vmem>>, vector<16xf32>,
      %get3A_1526 = vector.shape_cast %get3A_1525 : vector<16xf32> to vector<16xf32>
      %max3A = arith.constant 0.000000e+00 : f32
      %max3A_1527 = vector.broadcast %max3A : f32 to vector<16xf32>
      %max3A_1528 = arith.maximumf %get3A_1526, %max3A_1527 : vector<16xf32>
      %add3A_1529 = arith.addf %scan3A_1522, %max3A_1528 : vector<16xf32>
      scf.yield %add3A_1529 : vector<16xf32>
    }
    %scan3A_966 = arith.constant 128 : i32
    %add3A_967 = arith.constant 22528 : i32
    %add3A_968 = arith.addi %mul3A_2, %add3A_967 : i32
    %dma_start3A_969 = tpu.memref_slice %arg4[%add3A_968] : memref<1638400xf32, #tpu.memory_space<hbm>> -> memref<2048xf32, #tpu.memory_space<hbm>>
    %dma_start3A_970 = tpu.memref_slice %arg4[%add3A_968] : memref<1638400xf32, #tpu.memory_space<hbm>> -> memref<2048xf32, #tpu.memory_space<hbm>>
    tpu.enqueue_dma source(%arg17 : memref<2048xf32, #tpu.memory_space<vmem>>) target(%dma_start3A_970 : memref<2048xf32, #tpu.memory_space<hbm>>) target_semaphore(%arg36 : memref<!tpu.dma_semaphore, #tpu.memory_space<semaphore_mem>>)
    %dma_wait3A_971 = arith.constant 0 : i32
    %dma_wait3A_972 = arith.constant 0 : i32
    %dma_wait3A_973 = tpu.memref_slice %arg3[%dma_wait3A_971, %dma_wait3A_972] : memref<1x1000000xf32, #tpu.memory_space<hbm>> -> memref<1x1000000xf32, #tpu.memory_space<hbm>>
    %dma_wait3A_974 = tpu.memref_squeeze %dma_wait3A_973 : memref<1x1000000xf32, #tpu.memory_space<hbm>> -> memref<1000000xf32, #tpu.memory_space<hbm>>
    %dma_wait3A_975 = arith.constant 0 : i32
    %dma_wait3A_976 = tpu.memref_slice %dma_wait3A_974[%dma_wait3A_975] : memref<1000000xf32, #tpu.memory_space<hbm>> -> memref<1000000xf32, #tpu.memory_space<hbm>>
    tpu.wait_indirect_dma semaphore(%arg19 : memref<!tpu.dma_semaphore, #tpu.memory_space<semaphore_mem>>) src(%dma_wait3A_976 : memref<1000000xf32, #tpu.memory_space<hbm>>) dst(%arg12 : memref<2048xf32, #tpu.memory_space<vmem>>)
    %dma_wait3A_977 = tpu.memref_slice %arg2[%select_n3A_953, %sub3A_956] : memref<100x16384xi32, #tpu.memory_space<hbm>> -> memref<1x2048xi32, #tpu.memory_space<hbm>>
    %dma_wait3A_978 = tpu.memref_squeeze %dma_wait3A_977 : memref<1x2048xi32, #tpu.memory_space<hbm>> -> memref<2048xi32, #tpu.memory_space<hbm>>
    %dma_wait3A_979 = tpu.memref_slice %arg2[%select_n3A_953, %sub3A_956] : memref<100x16384xi32, #tpu.memory_space<hbm>> -> memref<1x2048xi32, #tpu.memory_space<hbm>>
    %dma_wait3A_980 = tpu.memref_squeeze %dma_wait3A_979 : memref<1x2048xi32, #tpu.memory_space<hbm>> -> memref<2048xi32, #tpu.memory_space<hbm>>
    tpu.wait_dma2 semaphore(%arg30 : memref<!tpu.dma_semaphore, #tpu.memory_space<semaphore_mem>>) src(%dma_wait3A_980 : memref<2048xi32, #tpu.memory_space<hbm>>) dst(%arg11 : memref<2048xi32, #tpu.memory_space<vmem>>)
    %dma_wait3A_981 = tpu.memref_slice %arg4[%add3A_968] : memref<1638400xf32, #tpu.memory_space<hbm>> -> memref<2048xf32, #tpu.memory_space<hbm>>
    %dma_wait3A_982 = tpu.memref_slice %arg4[%add3A_968] : memref<1638400xf32, #tpu.memory_space<hbm>> -> memref<2048xf32, #tpu.memory_space<hbm>>
    tpu.wait_dma2 semaphore(%arg36 : memref<!tpu.dma_semaphore, #tpu.memory_space<semaphore_mem>>) src(%arg17 : memref<2048xf32, #tpu.memory_space<vmem>>) dst(%dma_wait3A_982 : memref<2048xf32, #tpu.memory_space<hbm>>)
    %dma_start3A_983 = arith.constant 0 : i32
    %dma_start3A_984 = arith.constant 0 : i32
    %dma_start3A_985 = tpu.memref_slice %arg3[%dma_start3A_983, %dma_start3A_984] : memref<1x1000000xf32, #tpu.memory_space<hbm>> -> memref<1x1000000xf32, #tpu.memory_space<hbm>>
    %dma_start3A_986 = tpu.memref_squeeze %dma_start3A_985 : memref<1x1000000xf32, #tpu.memory_space<hbm>> -> memref<1000000xf32, #tpu.memory_space<hbm>>
    %dma_start3A_987 = arith.constant 0 : i32
    %dma_start3A_988 = tpu.memref_slice %dma_start3A_986[%dma_start3A_987] : memref<1000000xf32, #tpu.memory_space<hbm>> -> memref<1000000xf32, #tpu.memory_space<hbm>>
    tpu.enqueue_indirect_dma source(%dma_start3A_988 : memref<1000000xf32, #tpu.memory_space<hbm>>) target(%arg17 : memref<2048xf32, #tpu.memory_space<vmem>>) offsets(%arg11 : memref<2048xi32, #tpu.memory_space<vmem>>) semaphore(%arg24 : memref<!tpu.dma_semaphore, #tpu.memory_space<semaphore_mem>>)
    %add3A_989 = arith.constant 36864 : i32
    %add3A_990 = arith.addi %mul3A_2, %add3A_989 : i32
    %jit3A_991 = arith.constant 16384 : i32
    %div3A_992 = arith.divsi %add3A_990, %jit3A_991 : i32
    %sign3A_993 = arith.constant 0 : i32
    %sign3A_994 = arith.cmpi sgt, %add3A_990, %sign3A_993 : i32
    %sign3A_995 = arith.extui %sign3A_994 : i1 to i32
    %sign3A_996 = arith.constant 0 : i32
    %sign3A_997 = arith.cmpi slt, %add3A_990, %sign3A_996 : i32
    %sign3A_998 = arith.extui %sign3A_997 : i1 to i32
    %sign3A_999 = arith.subi %sign3A_995, %sign3A_998 : i32
    %sign3A_1000 = arith.constant 0 : i32
    %sign3A_1001 = arith.cmpi sgt, %jit3A_991, %sign3A_1000 : i32
    %sign3A_1002 = arith.extui %sign3A_1001 : i1 to i32
    %sign3A_1003 = arith.constant 0 : i32
    %sign3A_1004 = arith.cmpi slt, %jit3A_991, %sign3A_1003 : i32
    %sign3A_1005 = arith.extui %sign3A_1004 : i1 to i32
    %sign3A_1006 = arith.subi %sign3A_1002, %sign3A_1005 : i32
    %ne3A_1007 = arith.cmpi ne, %sign3A_999, %sign3A_1006 : i32
    %rem3A_1008 = arith.remsi %add3A_990, %jit3A_991 : i32
    %ne3A_1009 = arith.constant 0 : i32
    %ne3A_1010 = arith.cmpi ne, %rem3A_1008, %ne3A_1009 : i32
    %and3A_1011 = arith.andi %ne3A_1007, %ne3A_1010 : i1
    %sub3A_1012 = arith.constant 1 : i32
    %sub3A_1013 = arith.subi %div3A_992, %sub3A_1012 : i32
    %select_n3A_1014 = arith.select %and3A_1011, %sub3A_1013, %div3A_992 : i32
    %mul3A_1015 = arith.constant 16384 : i32
    %mul3A_1016 = arith.muli %select_n3A_1014, %mul3A_1015 : i32
    %sub3A_1017 = arith.subi %add3A_990, %mul3A_1016 : i32
    %dma_start3A_1018 = tpu.memref_slice %arg2[%select_n3A_1014, %sub3A_1017] : memref<100x16384xi32, #tpu.memory_space<hbm>> -> memref<1x2048xi32, #tpu.memory_space<hbm>>
    %dma_start3A_1019 = tpu.memref_squeeze %dma_start3A_1018 : memref<1x2048xi32, #tpu.memory_space<hbm>> -> memref<2048xi32, #tpu.memory_space<hbm>>
    %dma_start3A_1020 = tpu.memref_slice %arg2[%select_n3A_1014, %sub3A_1017] : memref<100x16384xi32, #tpu.memory_space<hbm>> -> memref<1x2048xi32, #tpu.memory_space<hbm>>
    %dma_start3A_1021 = tpu.memref_squeeze %dma_start3A_1020 : memref<1x2048xi32, #tpu.memory_space<hbm>> -> memref<2048xi32, #tpu.memory_space<hbm>>
    tpu.enqueue_dma source(%dma_start3A_1021 : memref<2048xi32, #tpu.memory_space<hbm>>) target(%arg6 : memref<2048xi32, #tpu.memory_space<vmem>>) target_semaphore(%arg25 : memref<!tpu.dma_semaphore, #tpu.memory_space<semaphore_mem>>)
    %scan3A_1022 = arith.constant 0 : i32
    %scan3A_1023 = arith.constant 128 : i32
    %scan3A_1024 = arith.addi %scan3A_1022, %scan3A_1023 : i32
    %scan3A_1025 = arith.constant 1 : i32
    %scan3A_1026 = scf.for %scan3A_1521 = %scan3A_1022 to %scan3A_1024 step %scan3A_1025 iter_args(%scan3A_1522 = %scan3A_965) -> (vector<16xf32>)  : i32 {
      %mul3A_1523 = arith.constant 16 : i32
      %mul3A_1524 = arith.muli %scan3A_1521, %mul3A_1523 : i32
      %get3A = arith.index_cast %mul3A_1524 : i32 to index
      %get3A_1525 = tpu.vector_load %arg12[%get3A] {strides = array<i32>} : memref<2048xf32, #tpu.memory_space<vmem>>, vector<16xf32>,
      %get3A_1526 = vector.shape_cast %get3A_1525 : vector<16xf32> to vector<16xf32>
      %max3A = arith.constant 0.000000e+00 : f32
      %max3A_1527 = vector.broadcast %max3A : f32 to vector<16xf32>
      %max3A_1528 = arith.maximumf %get3A_1526, %max3A_1527 : vector<16xf32>
      %add3A_1529 = arith.addf %scan3A_1522, %max3A_1528 : vector<16xf32>
      scf.yield %add3A_1529 : vector<16xf32>
    }
    %scan3A_1027 = arith.constant 128 : i32
    %add3A_1028 = arith.constant 24576 : i32
    %add3A_1029 = arith.addi %mul3A_2, %add3A_1028 : i32
    %dma_start3A_1030 = tpu.memref_slice %arg4[%add3A_1029] : memref<1638400xf32, #tpu.memory_space<hbm>> -> memref<2048xf32, #tpu.memory_space<hbm>>
    %dma_start3A_1031 = tpu.memref_slice %arg4[%add3A_1029] : memref<1638400xf32, #tpu.memory_space<hbm>> -> memref<2048xf32, #tpu.memory_space<hbm>>
    tpu.enqueue_dma source(%arg12 : memref<2048xf32, #tpu.memory_space<vmem>>) target(%dma_start3A_1031 : memref<2048xf32, #tpu.memory_space<hbm>>) target_semaphore(%arg31 : memref<!tpu.dma_semaphore, #tpu.memory_space<semaphore_mem>>)
    %dma_wait3A_1032 = arith.constant 0 : i32
    %dma_wait3A_1033 = arith.constant 0 : i32
    %dma_wait3A_1034 = tpu.memref_slice %arg3[%dma_wait3A_1032, %dma_wait3A_1033] : memref<1x1000000xf32, #tpu.memory_space<hbm>> -> memref<1x1000000xf32, #tpu.memory_space<hbm>>
    %dma_wait3A_1035 = tpu.memref_squeeze %dma_wait3A_1034 : memref<1x1000000xf32, #tpu.memory_space<hbm>> -> memref<1000000xf32, #tpu.memory_space<hbm>>
    %dma_wait3A_1036 = arith.constant 0 : i32
    %dma_wait3A_1037 = tpu.memref_slice %dma_wait3A_1035[%dma_wait3A_1036] : memref<1000000xf32, #tpu.memory_space<hbm>> -> memref<1000000xf32, #tpu.memory_space<hbm>>
    tpu.wait_indirect_dma semaphore(%arg20 : memref<!tpu.dma_semaphore, #tpu.memory_space<semaphore_mem>>) src(%dma_wait3A_1037 : memref<1000000xf32, #tpu.memory_space<hbm>>) dst(%arg13 : memref<2048xf32, #tpu.memory_space<vmem>>)
    %dma_wait3A_1038 = tpu.memref_slice %arg2[%select_n3A_1014, %sub3A_1017] : memref<100x16384xi32, #tpu.memory_space<hbm>> -> memref<1x2048xi32, #tpu.memory_space<hbm>>
    %dma_wait3A_1039 = tpu.memref_squeeze %dma_wait3A_1038 : memref<1x2048xi32, #tpu.memory_space<hbm>> -> memref<2048xi32, #tpu.memory_space<hbm>>
    %dma_wait3A_1040 = tpu.memref_slice %arg2[%select_n3A_1014, %sub3A_1017] : memref<100x16384xi32, #tpu.memory_space<hbm>> -> memref<1x2048xi32, #tpu.memory_space<hbm>>
    %dma_wait3A_1041 = tpu.memref_squeeze %dma_wait3A_1040 : memref<1x2048xi32, #tpu.memory_space<hbm>> -> memref<2048xi32, #tpu.memory_space<hbm>>
    tpu.wait_dma2 semaphore(%arg25 : memref<!tpu.dma_semaphore, #tpu.memory_space<semaphore_mem>>) src(%dma_wait3A_1041 : memref<2048xi32, #tpu.memory_space<hbm>>) dst(%arg6 : memref<2048xi32, #tpu.memory_space<vmem>>)
    %dma_wait3A_1042 = tpu.memref_slice %arg4[%add3A_1029] : memref<1638400xf32, #tpu.memory_space<hbm>> -> memref<2048xf32, #tpu.memory_space<hbm>>
    %dma_wait3A_1043 = tpu.memref_slice %arg4[%add3A_1029] : memref<1638400xf32, #tpu.memory_space<hbm>> -> memref<2048xf32, #tpu.memory_space<hbm>>
    tpu.wait_dma2 semaphore(%arg31 : memref<!tpu.dma_semaphore, #tpu.memory_space<semaphore_mem>>) src(%arg12 : memref<2048xf32, #tpu.memory_space<vmem>>) dst(%dma_wait3A_1043 : memref<2048xf32, #tpu.memory_space<hbm>>)
    %dma_start3A_1044 = arith.constant 0 : i32
    %dma_start3A_1045 = arith.constant 0 : i32
    %dma_start3A_1046 = tpu.memref_slice %arg3[%dma_start3A_1044, %dma_start3A_1045] : memref<1x1000000xf32, #tpu.memory_space<hbm>> -> memref<1x1000000xf32, #tpu.memory_space<hbm>>
    %dma_start3A_1047 = tpu.memref_squeeze %dma_start3A_1046 : memref<1x1000000xf32, #tpu.memory_space<hbm>> -> memref<1000000xf32, #tpu.memory_space<hbm>>
    %dma_start3A_1048 = arith.constant 0 : i32
    %dma_start3A_1049 = tpu.memref_slice %dma_start3A_1047[%dma_start3A_1048] : memref<1000000xf32, #tpu.memory_space<hbm>> -> memref<1000000xf32, #tpu.memory_space<hbm>>
    tpu.enqueue_indirect_dma source(%dma_start3A_1049 : memref<1000000xf32, #tpu.memory_space<hbm>>) target(%arg12 : memref<2048xf32, #tpu.memory_space<vmem>>) offsets(%arg6 : memref<2048xi32, #tpu.memory_space<vmem>>) semaphore(%arg19 : memref<!tpu.dma_semaphore, #tpu.memory_space<semaphore_mem>>)
    %add3A_1050 = arith.constant 38912 : i32
    %add3A_1051 = arith.addi %mul3A_2, %add3A_1050 : i32
    %jit3A_1052 = arith.constant 16384 : i32
    %div3A_1053 = arith.divsi %add3A_1051, %jit3A_1052 : i32
    %sign3A_1054 = arith.constant 0 : i32
    %sign3A_1055 = arith.cmpi sgt, %add3A_1051, %sign3A_1054 : i32
    %sign3A_1056 = arith.extui %sign3A_1055 : i1 to i32
    %sign3A_1057 = arith.constant 0 : i32
    %sign3A_1058 = arith.cmpi slt, %add3A_1051, %sign3A_1057 : i32
    %sign3A_1059 = arith.extui %sign3A_1058 : i1 to i32
    %sign3A_1060 = arith.subi %sign3A_1056, %sign3A_1059 : i32
    %sign3A_1061 = arith.constant 0 : i32
    %sign3A_1062 = arith.cmpi sgt, %jit3A_1052, %sign3A_1061 : i32
    %sign3A_1063 = arith.extui %sign3A_1062 : i1 to i32
    %sign3A_1064 = arith.constant 0 : i32
    %sign3A_1065 = arith.cmpi slt, %jit3A_1052, %sign3A_1064 : i32
    %sign3A_1066 = arith.extui %sign3A_1065 : i1 to i32
    %sign3A_1067 = arith.subi %sign3A_1063, %sign3A_1066 : i32
    %ne3A_1068 = arith.cmpi ne, %sign3A_1060, %sign3A_1067 : i32
    %rem3A_1069 = arith.remsi %add3A_1051, %jit3A_1052 : i32
    %ne3A_1070 = arith.constant 0 : i32
    %ne3A_1071 = arith.cmpi ne, %rem3A_1069, %ne3A_1070 : i32
    %and3A_1072 = arith.andi %ne3A_1068, %ne3A_1071 : i1
    %sub3A_1073 = arith.constant 1 : i32
    %sub3A_1074 = arith.subi %div3A_1053, %sub3A_1073 : i32
    %select_n3A_1075 = arith.select %and3A_1072, %sub3A_1074, %div3A_1053 : i32
    %mul3A_1076 = arith.constant 16384 : i32
    %mul3A_1077 = arith.muli %select_n3A_1075, %mul3A_1076 : i32
    %sub3A_1078 = arith.subi %add3A_1051, %mul3A_1077 : i32
    %dma_start3A_1079 = tpu.memref_slice %arg2[%select_n3A_1075, %sub3A_1078] : memref<100x16384xi32, #tpu.memory_space<hbm>> -> memref<1x2048xi32, #tpu.memory_space<hbm>>
    %dma_start3A_1080 = tpu.memref_squeeze %dma_start3A_1079 : memref<1x2048xi32, #tpu.memory_space<hbm>> -> memref<2048xi32, #tpu.memory_space<hbm>>
    %dma_start3A_1081 = tpu.memref_slice %arg2[%select_n3A_1075, %sub3A_1078] : memref<100x16384xi32, #tpu.memory_space<hbm>> -> memref<1x2048xi32, #tpu.memory_space<hbm>>
    %dma_start3A_1082 = tpu.memref_squeeze %dma_start3A_1081 : memref<1x2048xi32, #tpu.memory_space<hbm>> -> memref<2048xi32, #tpu.memory_space<hbm>>
    tpu.enqueue_dma source(%dma_start3A_1082 : memref<2048xi32, #tpu.memory_space<hbm>>) target(%arg7 : memref<2048xi32, #tpu.memory_space<vmem>>) target_semaphore(%arg26 : memref<!tpu.dma_semaphore, #tpu.memory_space<semaphore_mem>>)
    %scan3A_1083 = arith.constant 0 : i32
    %scan3A_1084 = arith.constant 128 : i32
    %scan3A_1085 = arith.addi %scan3A_1083, %scan3A_1084 : i32
    %scan3A_1086 = arith.constant 1 : i32
    %scan3A_1087 = scf.for %scan3A_1521 = %scan3A_1083 to %scan3A_1085 step %scan3A_1086 iter_args(%scan3A_1522 = %scan3A_1026) -> (vector<16xf32>)  : i32 {
      %mul3A_1523 = arith.constant 16 : i32
      %mul3A_1524 = arith.muli %scan3A_1521, %mul3A_1523 : i32
      %get3A = arith.index_cast %mul3A_1524 : i32 to index
      %get3A_1525 = tpu.vector_load %arg13[%get3A] {strides = array<i32>} : memref<2048xf32, #tpu.memory_space<vmem>>, vector<16xf32>,
      %get3A_1526 = vector.shape_cast %get3A_1525 : vector<16xf32> to vector<16xf32>
      %max3A = arith.constant 0.000000e+00 : f32
      %max3A_1527 = vector.broadcast %max3A : f32 to vector<16xf32>
      %max3A_1528 = arith.maximumf %get3A_1526, %max3A_1527 : vector<16xf32>
      %add3A_1529 = arith.addf %scan3A_1522, %max3A_1528 : vector<16xf32>
      scf.yield %add3A_1529 : vector<16xf32>
    }
    %scan3A_1088 = arith.constant 128 : i32
    %add3A_1089 = arith.constant 26624 : i32
    %add3A_1090 = arith.addi %mul3A_2, %add3A_1089 : i32
    %dma_start3A_1091 = tpu.memref_slice %arg4[%add3A_1090] : memref<1638400xf32, #tpu.memory_space<hbm>> -> memref<2048xf32, #tpu.memory_space<hbm>>
    %dma_start3A_1092 = tpu.memref_slice %arg4[%add3A_1090] : memref<1638400xf32, #tpu.memory_space<hbm>> -> memref<2048xf32, #tpu.memory_space<hbm>>
    tpu.enqueue_dma source(%arg13 : memref<2048xf32, #tpu.memory_space<vmem>>) target(%dma_start3A_1092 : memref<2048xf32, #tpu.memory_space<hbm>>) target_semaphore(%arg32 : memref<!tpu.dma_semaphore, #tpu.memory_space<semaphore_mem>>)
    %dma_wait3A_1093 = arith.constant 0 : i32
    %dma_wait3A_1094 = arith.constant 0 : i32
    %dma_wait3A_1095 = tpu.memref_slice %arg3[%dma_wait3A_1093, %dma_wait3A_1094] : memref<1x1000000xf32, #tpu.memory_space<hbm>> -> memref<1x1000000xf32, #tpu.memory_space<hbm>>
    %dma_wait3A_1096 = tpu.memref_squeeze %dma_wait3A_1095 : memref<1x1000000xf32, #tpu.memory_space<hbm>> -> memref<1000000xf32, #tpu.memory_space<hbm>>
    %dma_wait3A_1097 = arith.constant 0 : i32
    %dma_wait3A_1098 = tpu.memref_slice %dma_wait3A_1096[%dma_wait3A_1097] : memref<1000000xf32, #tpu.memory_space<hbm>> -> memref<1000000xf32, #tpu.memory_space<hbm>>
    tpu.wait_indirect_dma semaphore(%arg21 : memref<!tpu.dma_semaphore, #tpu.memory_space<semaphore_mem>>) src(%dma_wait3A_1098 : memref<1000000xf32, #tpu.memory_space<hbm>>) dst(%arg14 : memref<2048xf32, #tpu.memory_space<vmem>>)
    %dma_wait3A_1099 = tpu.memref_slice %arg2[%select_n3A_1075, %sub3A_1078] : memref<100x16384xi32, #tpu.memory_space<hbm>> -> memref<1x2048xi32, #tpu.memory_space<hbm>>
    %dma_wait3A_1100 = tpu.memref_squeeze %dma_wait3A_1099 : memref<1x2048xi32, #tpu.memory_space<hbm>> -> memref<2048xi32, #tpu.memory_space<hbm>>
    %dma_wait3A_1101 = tpu.memref_slice %arg2[%select_n3A_1075, %sub3A_1078] : memref<100x16384xi32, #tpu.memory_space<hbm>> -> memref<1x2048xi32, #tpu.memory_space<hbm>>
    %dma_wait3A_1102 = tpu.memref_squeeze %dma_wait3A_1101 : memref<1x2048xi32, #tpu.memory_space<hbm>> -> memref<2048xi32, #tpu.memory_space<hbm>>
    tpu.wait_dma2 semaphore(%arg26 : memref<!tpu.dma_semaphore, #tpu.memory_space<semaphore_mem>>) src(%dma_wait3A_1102 : memref<2048xi32, #tpu.memory_space<hbm>>) dst(%arg7 : memref<2048xi32, #tpu.memory_space<vmem>>)
    %dma_wait3A_1103 = tpu.memref_slice %arg4[%add3A_1090] : memref<1638400xf32, #tpu.memory_space<hbm>> -> memref<2048xf32, #tpu.memory_space<hbm>>
    %dma_wait3A_1104 = tpu.memref_slice %arg4[%add3A_1090] : memref<1638400xf32, #tpu.memory_space<hbm>> -> memref<2048xf32, #tpu.memory_space<hbm>>
    tpu.wait_dma2 semaphore(%arg32 : memref<!tpu.dma_semaphore, #tpu.memory_space<semaphore_mem>>) src(%arg13 : memref<2048xf32, #tpu.memory_space<vmem>>) dst(%dma_wait3A_1104 : memref<2048xf32, #tpu.memory_space<hbm>>)
    %dma_start3A_1105 = arith.constant 0 : i32
    %dma_start3A_1106 = arith.constant 0 : i32
    %dma_start3A_1107 = tpu.memref_slice %arg3[%dma_start3A_1105, %dma_start3A_1106] : memref<1x1000000xf32, #tpu.memory_space<hbm>> -> memref<1x1000000xf32, #tpu.memory_space<hbm>>
    %dma_start3A_1108 = tpu.memref_squeeze %dma_start3A_1107 : memref<1x1000000xf32, #tpu.memory_space<hbm>> -> memref<1000000xf32, #tpu.memory_space<hbm>>
    %dma_start3A_1109 = arith.constant 0 : i32
    %dma_start3A_1110 = tpu.memref_slice %dma_start3A_1108[%dma_start3A_1109] : memref<1000000xf32, #tpu.memory_space<hbm>> -> memref<1000000xf32, #tpu.memory_space<hbm>>
    tpu.enqueue_indirect_dma source(%dma_start3A_1110 : memref<1000000xf32, #tpu.memory_space<hbm>>) target(%arg13 : memref<2048xf32, #tpu.memory_space<vmem>>) offsets(%arg7 : memref<2048xi32, #tpu.memory_space<vmem>>) semaphore(%arg20 : memref<!tpu.dma_semaphore, #tpu.memory_space<semaphore_mem>>)
    %add3A_1111 = arith.constant 40960 : i32
    %add3A_1112 = arith.addi %mul3A_2, %add3A_1111 : i32
    %jit3A_1113 = arith.constant 16384 : i32
    %div3A_1114 = arith.divsi %add3A_1112, %jit3A_1113 : i32
    %sign3A_1115 = arith.constant 0 : i32
    %sign3A_1116 = arith.cmpi sgt, %add3A_1112, %sign3A_1115 : i32
    %sign3A_1117 = arith.extui %sign3A_1116 : i1 to i32
    %sign3A_1118 = arith.constant 0 : i32
    %sign3A_1119 = arith.cmpi slt, %add3A_1112, %sign3A_1118 : i32
    %sign3A_1120 = arith.extui %sign3A_1119 : i1 to i32
    %sign3A_1121 = arith.subi %sign3A_1117, %sign3A_1120 : i32
    %sign3A_1122 = arith.constant 0 : i32
    %sign3A_1123 = arith.cmpi sgt, %jit3A_1113, %sign3A_1122 : i32
    %sign3A_1124 = arith.extui %sign3A_1123 : i1 to i32
    %sign3A_1125 = arith.constant 0 : i32
    %sign3A_1126 = arith.cmpi slt, %jit3A_1113, %sign3A_1125 : i32
    %sign3A_1127 = arith.extui %sign3A_1126 : i1 to i32
    %sign3A_1128 = arith.subi %sign3A_1124, %sign3A_1127 : i32
    %ne3A_1129 = arith.cmpi ne, %sign3A_1121, %sign3A_1128 : i32
    %rem3A_1130 = arith.remsi %add3A_1112, %jit3A_1113 : i32
    %ne3A_1131 = arith.constant 0 : i32
    %ne3A_1132 = arith.cmpi ne, %rem3A_1130, %ne3A_1131 : i32
    %and3A_1133 = arith.andi %ne3A_1129, %ne3A_1132 : i1
    %sub3A_1134 = arith.constant 1 : i32
    %sub3A_1135 = arith.subi %div3A_1114, %sub3A_1134 : i32
    %select_n3A_1136 = arith.select %and3A_1133, %sub3A_1135, %div3A_1114 : i32
    %mul3A_1137 = arith.constant 16384 : i32
    %mul3A_1138 = arith.muli %select_n3A_1136, %mul3A_1137 : i32
    %sub3A_1139 = arith.subi %add3A_1112, %mul3A_1138 : i32
    %dma_start3A_1140 = tpu.memref_slice %arg2[%select_n3A_1136, %sub3A_1139] : memref<100x16384xi32, #tpu.memory_space<hbm>> -> memref<1x2048xi32, #tpu.memory_space<hbm>>
    %dma_start3A_1141 = tpu.memref_squeeze %dma_start3A_1140 : memref<1x2048xi32, #tpu.memory_space<hbm>> -> memref<2048xi32, #tpu.memory_space<hbm>>
    %dma_start3A_1142 = tpu.memref_slice %arg2[%select_n3A_1136, %sub3A_1139] : memref<100x16384xi32, #tpu.memory_space<hbm>> -> memref<1x2048xi32, #tpu.memory_space<hbm>>
    %dma_start3A_1143 = tpu.memref_squeeze %dma_start3A_1142 : memref<1x2048xi32, #tpu.memory_space<hbm>> -> memref<2048xi32, #tpu.memory_space<hbm>>
    tpu.enqueue_dma source(%dma_start3A_1143 : memref<2048xi32, #tpu.memory_space<hbm>>) target(%arg8 : memref<2048xi32, #tpu.memory_space<vmem>>) target_semaphore(%arg27 : memref<!tpu.dma_semaphore, #tpu.memory_space<semaphore_mem>>)
    %scan3A_1144 = arith.constant 0 : i32
    %scan3A_1145 = arith.constant 128 : i32
    %scan3A_1146 = arith.addi %scan3A_1144, %scan3A_1145 : i32
    %scan3A_1147 = arith.constant 1 : i32
    %scan3A_1148 = scf.for %scan3A_1521 = %scan3A_1144 to %scan3A_1146 step %scan3A_1147 iter_args(%scan3A_1522 = %scan3A_1087) -> (vector<16xf32>)  : i32 {
      %mul3A_1523 = arith.constant 16 : i32
      %mul3A_1524 = arith.muli %scan3A_1521, %mul3A_1523 : i32
      %get3A = arith.index_cast %mul3A_1524 : i32 to index
      %get3A_1525 = tpu.vector_load %arg14[%get3A] {strides = array<i32>} : memref<2048xf32, #tpu.memory_space<vmem>>, vector<16xf32>,
      %get3A_1526 = vector.shape_cast %get3A_1525 : vector<16xf32> to vector<16xf32>
      %max3A = arith.constant 0.000000e+00 : f32
      %max3A_1527 = vector.broadcast %max3A : f32 to vector<16xf32>
      %max3A_1528 = arith.maximumf %get3A_1526, %max3A_1527 : vector<16xf32>
      %add3A_1529 = arith.addf %scan3A_1522, %max3A_1528 : vector<16xf32>
      scf.yield %add3A_1529 : vector<16xf32>
    }
    %scan3A_1149 = arith.constant 128 : i32
    %add3A_1150 = arith.constant 28672 : i32
    %add3A_1151 = arith.addi %mul3A_2, %add3A_1150 : i32
    %dma_start3A_1152 = tpu.memref_slice %arg4[%add3A_1151] : memref<1638400xf32, #tpu.memory_space<hbm>> -> memref<2048xf32, #tpu.memory_space<hbm>>
    %dma_start3A_1153 = tpu.memref_slice %arg4[%add3A_1151] : memref<1638400xf32, #tpu.memory_space<hbm>> -> memref<2048xf32, #tpu.memory_space<hbm>>
    tpu.enqueue_dma source(%arg14 : memref<2048xf32, #tpu.memory_space<vmem>>) target(%dma_start3A_1153 : memref<2048xf32, #tpu.memory_space<hbm>>) target_semaphore(%arg33 : memref<!tpu.dma_semaphore, #tpu.memory_space<semaphore_mem>>)
    %dma_wait3A_1154 = arith.constant 0 : i32
    %dma_wait3A_1155 = arith.constant 0 : i32
    %dma_wait3A_1156 = tpu.memref_slice %arg3[%dma_wait3A_1154, %dma_wait3A_1155] : memref<1x1000000xf32, #tpu.memory_space<hbm>> -> memref<1x1000000xf32, #tpu.memory_space<hbm>>
    %dma_wait3A_1157 = tpu.memref_squeeze %dma_wait3A_1156 : memref<1x1000000xf32, #tpu.memory_space<hbm>> -> memref<1000000xf32, #tpu.memory_space<hbm>>
    %dma_wait3A_1158 = arith.constant 0 : i32
    %dma_wait3A_1159 = tpu.memref_slice %dma_wait3A_1157[%dma_wait3A_1158] : memref<1000000xf32, #tpu.memory_space<hbm>> -> memref<1000000xf32, #tpu.memory_space<hbm>>
    tpu.wait_indirect_dma semaphore(%arg22 : memref<!tpu.dma_semaphore, #tpu.memory_space<semaphore_mem>>) src(%dma_wait3A_1159 : memref<1000000xf32, #tpu.memory_space<hbm>>) dst(%arg15 : memref<2048xf32, #tpu.memory_space<vmem>>)
    %dma_wait3A_1160 = tpu.memref_slice %arg2[%select_n3A_1136, %sub3A_1139] : memref<100x16384xi32, #tpu.memory_space<hbm>> -> memref<1x2048xi32, #tpu.memory_space<hbm>>
    %dma_wait3A_1161 = tpu.memref_squeeze %dma_wait3A_1160 : memref<1x2048xi32, #tpu.memory_space<hbm>> -> memref<2048xi32, #tpu.memory_space<hbm>>
    %dma_wait3A_1162 = tpu.memref_slice %arg2[%select_n3A_1136, %sub3A_1139] : memref<100x16384xi32, #tpu.memory_space<hbm>> -> memref<1x2048xi32, #tpu.memory_space<hbm>>
    %dma_wait3A_1163 = tpu.memref_squeeze %dma_wait3A_1162 : memref<1x2048xi32, #tpu.memory_space<hbm>> -> memref<2048xi32, #tpu.memory_space<hbm>>
    tpu.wait_dma2 semaphore(%arg27 : memref<!tpu.dma_semaphore, #tpu.memory_space<semaphore_mem>>) src(%dma_wait3A_1163 : memref<2048xi32, #tpu.memory_space<hbm>>) dst(%arg8 : memref<2048xi32, #tpu.memory_space<vmem>>)
    %dma_wait3A_1164 = tpu.memref_slice %arg4[%add3A_1151] : memref<1638400xf32, #tpu.memory_space<hbm>> -> memref<2048xf32, #tpu.memory_space<hbm>>
    %dma_wait3A_1165 = tpu.memref_slice %arg4[%add3A_1151] : memref<1638400xf32, #tpu.memory_space<hbm>> -> memref<2048xf32, #tpu.memory_space<hbm>>
    tpu.wait_dma2 semaphore(%arg33 : memref<!tpu.dma_semaphore, #tpu.memory_space<semaphore_mem>>) src(%arg14 : memref<2048xf32, #tpu.memory_space<vmem>>) dst(%dma_wait3A_1165 : memref<2048xf32, #tpu.memory_space<hbm>>)
    %dma_start3A_1166 = arith.constant 0 : i32
    %dma_start3A_1167 = arith.constant 0 : i32
    %dma_start3A_1168 = tpu.memref_slice %arg3[%dma_start3A_1166, %dma_start3A_1167] : memref<1x1000000xf32, #tpu.memory_space<hbm>> -> memref<1x1000000xf32, #tpu.memory_space<hbm>>
    %dma_start3A_1169 = tpu.memref_squeeze %dma_start3A_1168 : memref<1x1000000xf32, #tpu.memory_space<hbm>> -> memref<1000000xf32, #tpu.memory_space<hbm>>
    %dma_start3A_1170 = arith.constant 0 : i32
    %dma_start3A_1171 = tpu.memref_slice %dma_start3A_1169[%dma_start3A_1170] : memref<1000000xf32, #tpu.memory_space<hbm>> -> memref<1000000xf32, #tpu.memory_space<hbm>>
    tpu.enqueue_indirect_dma source(%dma_start3A_1171 : memref<1000000xf32, #tpu.memory_space<hbm>>) target(%arg14 : memref<2048xf32, #tpu.memory_space<vmem>>) offsets(%arg8 : memref<2048xi32, #tpu.memory_space<vmem>>) semaphore(%arg21 : memref<!tpu.dma_semaphore, #tpu.memory_space<semaphore_mem>>)
    %add3A_1172 = arith.constant 43008 : i32
    %add3A_1173 = arith.addi %mul3A_2, %add3A_1172 : i32
    %jit3A_1174 = arith.constant 16384 : i32
    %div3A_1175 = arith.divsi %add3A_1173, %jit3A_1174 : i32
    %sign3A_1176 = arith.constant 0 : i32
    %sign3A_1177 = arith.cmpi sgt, %add3A_1173, %sign3A_1176 : i32
    %sign3A_1178 = arith.extui %sign3A_1177 : i1 to i32
    %sign3A_1179 = arith.constant 0 : i32
    %sign3A_1180 = arith.cmpi slt, %add3A_1173, %sign3A_1179 : i32
    %sign3A_1181 = arith.extui %sign3A_1180 : i1 to i32
    %sign3A_1182 = arith.subi %sign3A_1178, %sign3A_1181 : i32
    %sign3A_1183 = arith.constant 0 : i32
    %sign3A_1184 = arith.cmpi sgt, %jit3A_1174, %sign3A_1183 : i32
    %sign3A_1185 = arith.extui %sign3A_1184 : i1 to i32
    %sign3A_1186 = arith.constant 0 : i32
    %sign3A_1187 = arith.cmpi slt, %jit3A_1174, %sign3A_1186 : i32
    %sign3A_1188 = arith.extui %sign3A_1187 : i1 to i32
    %sign3A_1189 = arith.subi %sign3A_1185, %sign3A_1188 : i32
    %ne3A_1190 = arith.cmpi ne, %sign3A_1182, %sign3A_1189 : i32
    %rem3A_1191 = arith.remsi %add3A_1173, %jit3A_1174 : i32
    %ne3A_1192 = arith.constant 0 : i32
    %ne3A_1193 = arith.cmpi ne, %rem3A_1191, %ne3A_1192 : i32
    %and3A_1194 = arith.andi %ne3A_1190, %ne3A_1193 : i1
    %sub3A_1195 = arith.constant 1 : i32
    %sub3A_1196 = arith.subi %div3A_1175, %sub3A_1195 : i32
    %select_n3A_1197 = arith.select %and3A_1194, %sub3A_1196, %div3A_1175 : i32
    %mul3A_1198 = arith.constant 16384 : i32
    %mul3A_1199 = arith.muli %select_n3A_1197, %mul3A_1198 : i32
    %sub3A_1200 = arith.subi %add3A_1173, %mul3A_1199 : i32
    %dma_start3A_1201 = tpu.memref_slice %arg2[%select_n3A_1197, %sub3A_1200] : memref<100x16384xi32, #tpu.memory_space<hbm>> -> memref<1x2048xi32, #tpu.memory_space<hbm>>
    %dma_start3A_1202 = tpu.memref_squeeze %dma_start3A_1201 : memref<1x2048xi32, #tpu.memory_space<hbm>> -> memref<2048xi32, #tpu.memory_space<hbm>>
    %dma_start3A_1203 = tpu.memref_slice %arg2[%select_n3A_1197, %sub3A_1200] : memref<100x16384xi32, #tpu.memory_space<hbm>> -> memref<1x2048xi32, #tpu.memory_space<hbm>>
    %dma_start3A_1204 = tpu.memref_squeeze %dma_start3A_1203 : memref<1x2048xi32, #tpu.memory_space<hbm>> -> memref<2048xi32, #tpu.memory_space<hbm>>
    tpu.enqueue_dma source(%dma_start3A_1204 : memref<2048xi32, #tpu.memory_space<hbm>>) target(%arg9 : memref<2048xi32, #tpu.memory_space<vmem>>) target_semaphore(%arg28 : memref<!tpu.dma_semaphore, #tpu.memory_space<semaphore_mem>>)
    %scan3A_1205 = arith.constant 0 : i32
    %scan3A_1206 = arith.constant 128 : i32
    %scan3A_1207 = arith.addi %scan3A_1205, %scan3A_1206 : i32
    %scan3A_1208 = arith.constant 1 : i32
    %scan3A_1209 = scf.for %scan3A_1521 = %scan3A_1205 to %scan3A_1207 step %scan3A_1208 iter_args(%scan3A_1522 = %scan3A_1148) -> (vector<16xf32>)  : i32 {
      %mul3A_1523 = arith.constant 16 : i32
      %mul3A_1524 = arith.muli %scan3A_1521, %mul3A_1523 : i32
      %get3A = arith.index_cast %mul3A_1524 : i32 to index
      %get3A_1525 = tpu.vector_load %arg15[%get3A] {strides = array<i32>} : memref<2048xf32, #tpu.memory_space<vmem>>, vector<16xf32>,
      %get3A_1526 = vector.shape_cast %get3A_1525 : vector<16xf32> to vector<16xf32>
      %max3A = arith.constant 0.000000e+00 : f32
      %max3A_1527 = vector.broadcast %max3A : f32 to vector<16xf32>
      %max3A_1528 = arith.maximumf %get3A_1526, %max3A_1527 : vector<16xf32>
      %add3A_1529 = arith.addf %scan3A_1522, %max3A_1528 : vector<16xf32>
      scf.yield %add3A_1529 : vector<16xf32>
    }
    %scan3A_1210 = arith.constant 128 : i32
    %add3A_1211 = arith.constant 30720 : i32
    %add3A_1212 = arith.addi %mul3A_2, %add3A_1211 : i32
    %dma_start3A_1213 = tpu.memref_slice %arg4[%add3A_1212] : memref<1638400xf32, #tpu.memory_space<hbm>> -> memref<2048xf32, #tpu.memory_space<hbm>>
    %dma_start3A_1214 = tpu.memref_slice %arg4[%add3A_1212] : memref<1638400xf32, #tpu.memory_space<hbm>> -> memref<2048xf32, #tpu.memory_space<hbm>>
    tpu.enqueue_dma source(%arg15 : memref<2048xf32, #tpu.memory_space<vmem>>) target(%dma_start3A_1214 : memref<2048xf32, #tpu.memory_space<hbm>>) target_semaphore(%arg34 : memref<!tpu.dma_semaphore, #tpu.memory_space<semaphore_mem>>)
    %dma_wait3A_1215 = arith.constant 0 : i32
    %dma_wait3A_1216 = arith.constant 0 : i32
    %dma_wait3A_1217 = tpu.memref_slice %arg3[%dma_wait3A_1215, %dma_wait3A_1216] : memref<1x1000000xf32, #tpu.memory_space<hbm>> -> memref<1x1000000xf32, #tpu.memory_space<hbm>>
    %dma_wait3A_1218 = tpu.memref_squeeze %dma_wait3A_1217 : memref<1x1000000xf32, #tpu.memory_space<hbm>> -> memref<1000000xf32, #tpu.memory_space<hbm>>
    %dma_wait3A_1219 = arith.constant 0 : i32
    %dma_wait3A_1220 = tpu.memref_slice %dma_wait3A_1218[%dma_wait3A_1219] : memref<1000000xf32, #tpu.memory_space<hbm>> -> memref<1000000xf32, #tpu.memory_space<hbm>>
    tpu.wait_indirect_dma semaphore(%arg23 : memref<!tpu.dma_semaphore, #tpu.memory_space<semaphore_mem>>) src(%dma_wait3A_1220 : memref<1000000xf32, #tpu.memory_space<hbm>>) dst(%arg16 : memref<2048xf32, #tpu.memory_space<vmem>>)
    %dma_wait3A_1221 = tpu.memref_slice %arg2[%select_n3A_1197, %sub3A_1200] : memref<100x16384xi32, #tpu.memory_space<hbm>> -> memref<1x2048xi32, #tpu.memory_space<hbm>>
    %dma_wait3A_1222 = tpu.memref_squeeze %dma_wait3A_1221 : memref<1x2048xi32, #tpu.memory_space<hbm>> -> memref<2048xi32, #tpu.memory_space<hbm>>
    %dma_wait3A_1223 = tpu.memref_slice %arg2[%select_n3A_1197, %sub3A_1200] : memref<100x16384xi32, #tpu.memory_space<hbm>> -> memref<1x2048xi32, #tpu.memory_space<hbm>>
    %dma_wait3A_1224 = tpu.memref_squeeze %dma_wait3A_1223 : memref<1x2048xi32, #tpu.memory_space<hbm>> -> memref<2048xi32, #tpu.memory_space<hbm>>
    tpu.wait_dma2 semaphore(%arg28 : memref<!tpu.dma_semaphore, #tpu.memory_space<semaphore_mem>>) src(%dma_wait3A_1224 : memref<2048xi32, #tpu.memory_space<hbm>>) dst(%arg9 : memref<2048xi32, #tpu.memory_space<vmem>>)
    %dma_wait3A_1225 = tpu.memref_slice %arg4[%add3A_1212] : memref<1638400xf32, #tpu.memory_space<hbm>> -> memref<2048xf32, #tpu.memory_space<hbm>>
    %dma_wait3A_1226 = tpu.memref_slice %arg4[%add3A_1212] : memref<1638400xf32, #tpu.memory_space<hbm>> -> memref<2048xf32, #tpu.memory_space<hbm>>
    tpu.wait_dma2 semaphore(%arg34 : memref<!tpu.dma_semaphore, #tpu.memory_space<semaphore_mem>>) src(%arg15 : memref<2048xf32, #tpu.memory_space<vmem>>) dst(%dma_wait3A_1226 : memref<2048xf32, #tpu.memory_space<hbm>>)
    %dma_start3A_1227 = arith.constant 0 : i32
    %dma_start3A_1228 = arith.constant 0 : i32
    %dma_start3A_1229 = tpu.memref_slice %arg3[%dma_start3A_1227, %dma_start3A_1228] : memref<1x1000000xf32, #tpu.memory_space<hbm>> -> memref<1x1000000xf32, #tpu.memory_space<hbm>>
    %dma_start3A_1230 = tpu.memref_squeeze %dma_start3A_1229 : memref<1x1000000xf32, #tpu.memory_space<hbm>> -> memref<1000000xf32, #tpu.memory_space<hbm>>
    %dma_start3A_1231 = arith.constant 0 : i32
    %dma_start3A_1232 = tpu.memref_slice %dma_start3A_1230[%dma_start3A_1231] : memref<1000000xf32, #tpu.memory_space<hbm>> -> memref<1000000xf32, #tpu.memory_space<hbm>>
    tpu.enqueue_indirect_dma source(%dma_start3A_1232 : memref<1000000xf32, #tpu.memory_space<hbm>>) target(%arg15 : memref<2048xf32, #tpu.memory_space<vmem>>) offsets(%arg9 : memref<2048xi32, #tpu.memory_space<vmem>>) semaphore(%arg22 : memref<!tpu.dma_semaphore, #tpu.memory_space<semaphore_mem>>)
    %add3A_1233 = arith.constant 45056 : i32
    %add3A_1234 = arith.addi %mul3A_2, %add3A_1233 : i32
    %jit3A_1235 = arith.constant 16384 : i32
    %div3A_1236 = arith.divsi %add3A_1234, %jit3A_1235 : i32
    %sign3A_1237 = arith.constant 0 : i32
    %sign3A_1238 = arith.cmpi sgt, %add3A_1234, %sign3A_1237 : i32
    %sign3A_1239 = arith.extui %sign3A_1238 : i1 to i32
    %sign3A_1240 = arith.constant 0 : i32
    %sign3A_1241 = arith.cmpi slt, %add3A_1234, %sign3A_1240 : i32
    %sign3A_1242 = arith.extui %sign3A_1241 : i1 to i32
    %sign3A_1243 = arith.subi %sign3A_1239, %sign3A_1242 : i32
    %sign3A_1244 = arith.constant 0 : i32
    %sign3A_1245 = arith.cmpi sgt, %jit3A_1235, %sign3A_1244 : i32
    %sign3A_1246 = arith.extui %sign3A_1245 : i1 to i32
    %sign3A_1247 = arith.constant 0 : i32
    %sign3A_1248 = arith.cmpi slt, %jit3A_1235, %sign3A_1247 : i32
    %sign3A_1249 = arith.extui %sign3A_1248 : i1 to i32
    %sign3A_1250 = arith.subi %sign3A_1246, %sign3A_1249 : i32
    %ne3A_1251 = arith.cmpi ne, %sign3A_1243, %sign3A_1250 : i32
    %rem3A_1252 = arith.remsi %add3A_1234, %jit3A_1235 : i32
    %ne3A_1253 = arith.constant 0 : i32
    %ne3A_1254 = arith.cmpi ne, %rem3A_1252, %ne3A_1253 : i32
    %and3A_1255 = arith.andi %ne3A_1251, %ne3A_1254 : i1
    %sub3A_1256 = arith.constant 1 : i32
    %sub3A_1257 = arith.subi %div3A_1236, %sub3A_1256 : i32
    %select_n3A_1258 = arith.select %and3A_1255, %sub3A_1257, %div3A_1236 : i32
    %mul3A_1259 = arith.constant 16384 : i32
    %mul3A_1260 = arith.muli %select_n3A_1258, %mul3A_1259 : i32
    %sub3A_1261 = arith.subi %add3A_1234, %mul3A_1260 : i32
    %dma_start3A_1262 = tpu.memref_slice %arg2[%select_n3A_1258, %sub3A_1261] : memref<100x16384xi32, #tpu.memory_space<hbm>> -> memref<1x2048xi32, #tpu.memory_space<hbm>>
    %dma_start3A_1263 = tpu.memref_squeeze %dma_start3A_1262 : memref<1x2048xi32, #tpu.memory_space<hbm>> -> memref<2048xi32, #tpu.memory_space<hbm>>
    %dma_start3A_1264 = tpu.memref_slice %arg2[%select_n3A_1258, %sub3A_1261] : memref<100x16384xi32, #tpu.memory_space<hbm>> -> memref<1x2048xi32, #tpu.memory_space<hbm>>
    %dma_start3A_1265 = tpu.memref_squeeze %dma_start3A_1264 : memref<1x2048xi32, #tpu.memory_space<hbm>> -> memref<2048xi32, #tpu.memory_space<hbm>>
    tpu.enqueue_dma source(%dma_start3A_1265 : memref<2048xi32, #tpu.memory_space<hbm>>) target(%arg10 : memref<2048xi32, #tpu.memory_space<vmem>>) target_semaphore(%arg29 : memref<!tpu.dma_semaphore, #tpu.memory_space<semaphore_mem>>)
    %scan3A_1266 = arith.constant 0 : i32
    %scan3A_1267 = arith.constant 128 : i32
    %scan3A_1268 = arith.addi %scan3A_1266, %scan3A_1267 : i32
    %scan3A_1269 = arith.constant 1 : i32
    %scan3A_1270 = scf.for %scan3A_1521 = %scan3A_1266 to %scan3A_1268 step %scan3A_1269 iter_args(%scan3A_1522 = %scan3A_1209) -> (vector<16xf32>)  : i32 {
      %mul3A_1523 = arith.constant 16 : i32
      %mul3A_1524 = arith.muli %scan3A_1521, %mul3A_1523 : i32
      %get3A = arith.index_cast %mul3A_1524 : i32 to index
      %get3A_1525 = tpu.vector_load %arg16[%get3A] {strides = array<i32>} : memref<2048xf32, #tpu.memory_space<vmem>>, vector<16xf32>,
      %get3A_1526 = vector.shape_cast %get3A_1525 : vector<16xf32> to vector<16xf32>
      %max3A = arith.constant 0.000000e+00 : f32
      %max3A_1527 = vector.broadcast %max3A : f32 to vector<16xf32>
      %max3A_1528 = arith.maximumf %get3A_1526, %max3A_1527 : vector<16xf32>
      %add3A_1529 = arith.addf %scan3A_1522, %max3A_1528 : vector<16xf32>
      scf.yield %add3A_1529 : vector<16xf32>
    }
    %scan3A_1271 = arith.constant 128 : i32
    %add3A_1272 = arith.constant 32768 : i32
    %add3A_1273 = arith.addi %mul3A_2, %add3A_1272 : i32
    %dma_start3A_1274 = tpu.memref_slice %arg4[%add3A_1273] : memref<1638400xf32, #tpu.memory_space<hbm>> -> memref<2048xf32, #tpu.memory_space<hbm>>
    %dma_start3A_1275 = tpu.memref_slice %arg4[%add3A_1273] : memref<1638400xf32, #tpu.memory_space<hbm>> -> memref<2048xf32, #tpu.memory_space<hbm>>
    tpu.enqueue_dma source(%arg16 : memref<2048xf32, #tpu.memory_space<vmem>>) target(%dma_start3A_1275 : memref<2048xf32, #tpu.memory_space<hbm>>) target_semaphore(%arg35 : memref<!tpu.dma_semaphore, #tpu.memory_space<semaphore_mem>>)
    %dma_wait3A_1276 = arith.constant 0 : i32
    %dma_wait3A_1277 = arith.constant 0 : i32
    %dma_wait3A_1278 = tpu.memref_slice %arg3[%dma_wait3A_1276, %dma_wait3A_1277] : memref<1x1000000xf32, #tpu.memory_space<hbm>> -> memref<1x1000000xf32, #tpu.memory_space<hbm>>
    %dma_wait3A_1279 = tpu.memref_squeeze %dma_wait3A_1278 : memref<1x1000000xf32, #tpu.memory_space<hbm>> -> memref<1000000xf32, #tpu.memory_space<hbm>>
    %dma_wait3A_1280 = arith.constant 0 : i32
    %dma_wait3A_1281 = tpu.memref_slice %dma_wait3A_1279[%dma_wait3A_1280] : memref<1000000xf32, #tpu.memory_space<hbm>> -> memref<1000000xf32, #tpu.memory_space<hbm>>
    tpu.wait_indirect_dma semaphore(%arg24 : memref<!tpu.dma_semaphore, #tpu.memory_space<semaphore_mem>>) src(%dma_wait3A_1281 : memref<1000000xf32, #tpu.memory_space<hbm>>) dst(%arg17 : memref<2048xf32, #tpu.memory_space<vmem>>)
    %dma_wait3A_1282 = tpu.memref_slice %arg2[%select_n3A_1258, %sub3A_1261] : memref<100x16384xi32, #tpu.memory_space<hbm>> -> memref<1x2048xi32, #tpu.memory_space<hbm>>
    %dma_wait3A_1283 = tpu.memref_squeeze %dma_wait3A_1282 : memref<1x2048xi32, #tpu.memory_space<hbm>> -> memref<2048xi32, #tpu.memory_space<hbm>>
    %dma_wait3A_1284 = tpu.memref_slice %arg2[%select_n3A_1258, %sub3A_1261] : memref<100x16384xi32, #tpu.memory_space<hbm>> -> memref<1x2048xi32, #tpu.memory_space<hbm>>
    %dma_wait3A_1285 = tpu.memref_squeeze %dma_wait3A_1284 : memref<1x2048xi32, #tpu.memory_space<hbm>> -> memref<2048xi32, #tpu.memory_space<hbm>>
    tpu.wait_dma2 semaphore(%arg29 : memref<!tpu.dma_semaphore, #tpu.memory_space<semaphore_mem>>) src(%dma_wait3A_1285 : memref<2048xi32, #tpu.memory_space<hbm>>) dst(%arg10 : memref<2048xi32, #tpu.memory_space<vmem>>)
    %dma_wait3A_1286 = tpu.memref_slice %arg4[%add3A_1273] : memref<1638400xf32, #tpu.memory_space<hbm>> -> memref<2048xf32, #tpu.memory_space<hbm>>
    %dma_wait3A_1287 = tpu.memref_slice %arg4[%add3A_1273] : memref<1638400xf32, #tpu.memory_space<hbm>> -> memref<2048xf32, #tpu.memory_space<hbm>>
    tpu.wait_dma2 semaphore(%arg35 : memref<!tpu.dma_semaphore, #tpu.memory_space<semaphore_mem>>) src(%arg16 : memref<2048xf32, #tpu.memory_space<vmem>>) dst(%dma_wait3A_1287 : memref<2048xf32, #tpu.memory_space<hbm>>)
    %dma_start3A_1288 = arith.constant 0 : i32
    %dma_start3A_1289 = arith.constant 0 : i32
    %dma_start3A_1290 = tpu.memref_slice %arg3[%dma_start3A_1288, %dma_start3A_1289] : memref<1x1000000xf32, #tpu.memory_space<hbm>> -> memref<1x1000000xf32, #tpu.memory_space<hbm>>
    %dma_start3A_1291 = tpu.memref_squeeze %dma_start3A_1290 : memref<1x1000000xf32, #tpu.memory_space<hbm>> -> memref<1000000xf32, #tpu.memory_space<hbm>>
    %dma_start3A_1292 = arith.constant 0 : i32
    %dma_start3A_1293 = tpu.memref_slice %dma_start3A_1291[%dma_start3A_1292] : memref<1000000xf32, #tpu.memory_space<hbm>> -> memref<1000000xf32, #tpu.memory_space<hbm>>
    tpu.enqueue_indirect_dma source(%dma_start3A_1293 : memref<1000000xf32, #tpu.memory_space<hbm>>) target(%arg16 : memref<2048xf32, #tpu.memory_space<vmem>>) offsets(%arg10 : memref<2048xi32, #tpu.memory_space<vmem>>) semaphore(%arg23 : memref<!tpu.dma_semaphore, #tpu.memory_space<semaphore_mem>>)
    %add3A_1294 = arith.constant 47104 : i32
    %add3A_1295 = arith.addi %mul3A_2, %add3A_1294 : i32
    %jit3A_1296 = arith.constant 16384 : i32
    %div3A_1297 = arith.divsi %add3A_1295, %jit3A_1296 : i32
    %sign3A_1298 = arith.constant 0 : i32
    %sign3A_1299 = arith.cmpi sgt, %add3A_1295, %sign3A_1298 : i32
    %sign3A_1300 = arith.extui %sign3A_1299 : i1 to i32
    %sign3A_1301 = arith.constant 0 : i32
    %sign3A_1302 = arith.cmpi slt, %add3A_1295, %sign3A_1301 : i32
    %sign3A_1303 = arith.extui %sign3A_1302 : i1 to i32
    %sign3A_1304 = arith.subi %sign3A_1300, %sign3A_1303 : i32
    %sign3A_1305 = arith.constant 0 : i32
    %sign3A_1306 = arith.cmpi sgt, %jit3A_1296, %sign3A_1305 : i32
    %sign3A_1307 = arith.extui %sign3A_1306 : i1 to i32
    %sign3A_1308 = arith.constant 0 : i32
    %sign3A_1309 = arith.cmpi slt, %jit3A_1296, %sign3A_1308 : i32
    %sign3A_1310 = arith.extui %sign3A_1309 : i1 to i32
    %sign3A_1311 = arith.subi %sign3A_1307, %sign3A_1310 : i32
    %ne3A_1312 = arith.cmpi ne, %sign3A_1304, %sign3A_1311 : i32
    %rem3A_1313 = arith.remsi %add3A_1295, %jit3A_1296 : i32
    %ne3A_1314 = arith.constant 0 : i32
    %ne3A_1315 = arith.cmpi ne, %rem3A_1313, %ne3A_1314 : i32
    %and3A_1316 = arith.andi %ne3A_1312, %ne3A_1315 : i1
    %sub3A_1317 = arith.constant 1 : i32
    %sub3A_1318 = arith.subi %div3A_1297, %sub3A_1317 : i32
    %select_n3A_1319 = arith.select %and3A_1316, %sub3A_1318, %div3A_1297 : i32
    %mul3A_1320 = arith.constant 16384 : i32
    %mul3A_1321 = arith.muli %select_n3A_1319, %mul3A_1320 : i32
    %sub3A_1322 = arith.subi %add3A_1295, %mul3A_1321 : i32
    %dma_start3A_1323 = tpu.memref_slice %arg2[%select_n3A_1319, %sub3A_1322] : memref<100x16384xi32, #tpu.memory_space<hbm>> -> memref<1x2048xi32, #tpu.memory_space<hbm>>
    %dma_start3A_1324 = tpu.memref_squeeze %dma_start3A_1323 : memref<1x2048xi32, #tpu.memory_space<hbm>> -> memref<2048xi32, #tpu.memory_space<hbm>>
    %dma_start3A_1325 = tpu.memref_slice %arg2[%select_n3A_1319, %sub3A_1322] : memref<100x16384xi32, #tpu.memory_space<hbm>> -> memref<1x2048xi32, #tpu.memory_space<hbm>>
    %dma_start3A_1326 = tpu.memref_squeeze %dma_start3A_1325 : memref<1x2048xi32, #tpu.memory_space<hbm>> -> memref<2048xi32, #tpu.memory_space<hbm>>
    tpu.enqueue_dma source(%dma_start3A_1326 : memref<2048xi32, #tpu.memory_space<hbm>>) target(%arg11 : memref<2048xi32, #tpu.memory_space<vmem>>) target_semaphore(%arg30 : memref<!tpu.dma_semaphore, #tpu.memory_space<semaphore_mem>>)
    %scan3A_1327 = arith.constant 0 : i32
    %scan3A_1328 = arith.constant 128 : i32
    %scan3A_1329 = arith.addi %scan3A_1327, %scan3A_1328 : i32
    %scan3A_1330 = arith.constant 1 : i32
    %scan3A_1331 = scf.for %scan3A_1521 = %scan3A_1327 to %scan3A_1329 step %scan3A_1330 iter_args(%scan3A_1522 = %scan3A_1270) -> (vector<16xf32>)  : i32 {
      %mul3A_1523 = arith.constant 16 : i32
      %mul3A_1524 = arith.muli %scan3A_1521, %mul3A_1523 : i32
      %get3A = arith.index_cast %mul3A_1524 : i32 to index
      %get3A_1525 = tpu.vector_load %arg17[%get3A] {strides = array<i32>} : memref<2048xf32, #tpu.memory_space<vmem>>, vector<16xf32>,
      %get3A_1526 = vector.shape_cast %get3A_1525 : vector<16xf32> to vector<16xf32>
      %max3A = arith.constant 0.000000e+00 : f32
      %max3A_1527 = vector.broadcast %max3A : f32 to vector<16xf32>
      %max3A_1528 = arith.maximumf %get3A_1526, %max3A_1527 : vector<16xf32>
      %add3A_1529 = arith.addf %scan3A_1522, %max3A_1528 : vector<16xf32>
      scf.yield %add3A_1529 : vector<16xf32>
    }
    %scan3A_1332 = arith.constant 128 : i32
    %add3A_1333 = arith.constant 34816 : i32
    %add3A_1334 = arith.addi %mul3A_2, %add3A_1333 : i32
    %dma_start3A_1335 = tpu.memref_slice %arg4[%add3A_1334] : memref<1638400xf32, #tpu.memory_space<hbm>> -> memref<2048xf32, #tpu.memory_space<hbm>>
    %dma_start3A_1336 = tpu.memref_slice %arg4[%add3A_1334] : memref<1638400xf32, #tpu.memory_space<hbm>> -> memref<2048xf32, #tpu.memory_space<hbm>>
    tpu.enqueue_dma source(%arg17 : memref<2048xf32, #tpu.memory_space<vmem>>) target(%dma_start3A_1336 : memref<2048xf32, #tpu.memory_space<hbm>>) target_semaphore(%arg36 : memref<!tpu.dma_semaphore, #tpu.memory_space<semaphore_mem>>)
    %dma_wait3A_1337 = arith.constant 0 : i32
    %dma_wait3A_1338 = arith.constant 0 : i32
    %dma_wait3A_1339 = tpu.memref_slice %arg3[%dma_wait3A_1337, %dma_wait3A_1338] : memref<1x1000000xf32, #tpu.memory_space<hbm>> -> memref<1x1000000xf32, #tpu.memory_space<hbm>>
    %dma_wait3A_1340 = tpu.memref_squeeze %dma_wait3A_1339 : memref<1x1000000xf32, #tpu.memory_space<hbm>> -> memref<1000000xf32, #tpu.memory_space<hbm>>
    %dma_wait3A_1341 = arith.constant 0 : i32
    %dma_wait3A_1342 = tpu.memref_slice %dma_wait3A_1340[%dma_wait3A_1341] : memref<1000000xf32, #tpu.memory_space<hbm>> -> memref<1000000xf32, #tpu.memory_space<hbm>>
    tpu.wait_indirect_dma semaphore(%arg19 : memref<!tpu.dma_semaphore, #tpu.memory_space<semaphore_mem>>) src(%dma_wait3A_1342 : memref<1000000xf32, #tpu.memory_space<hbm>>) dst(%arg12 : memref<2048xf32, #tpu.memory_space<vmem>>)
    %dma_wait3A_1343 = tpu.memref_slice %arg2[%select_n3A_1319, %sub3A_1322] : memref<100x16384xi32, #tpu.memory_space<hbm>> -> memref<1x2048xi32, #tpu.memory_space<hbm>>
    %dma_wait3A_1344 = tpu.memref_squeeze %dma_wait3A_1343 : memref<1x2048xi32, #tpu.memory_space<hbm>> -> memref<2048xi32, #tpu.memory_space<hbm>>
    %dma_wait3A_1345 = tpu.memref_slice %arg2[%select_n3A_1319, %sub3A_1322] : memref<100x16384xi32, #tpu.memory_space<hbm>> -> memref<1x2048xi32, #tpu.memory_space<hbm>>
    %dma_wait3A_1346 = tpu.memref_squeeze %dma_wait3A_1345 : memref<1x2048xi32, #tpu.memory_space<hbm>> -> memref<2048xi32, #tpu.memory_space<hbm>>
    tpu.wait_dma2 semaphore(%arg30 : memref<!tpu.dma_semaphore, #tpu.memory_space<semaphore_mem>>) src(%dma_wait3A_1346 : memref<2048xi32, #tpu.memory_space<hbm>>) dst(%arg11 : memref<2048xi32, #tpu.memory_space<vmem>>)
    %dma_wait3A_1347 = tpu.memref_slice %arg4[%add3A_1334] : memref<1638400xf32, #tpu.memory_space<hbm>> -> memref<2048xf32, #tpu.memory_space<hbm>>
    %dma_wait3A_1348 = tpu.memref_slice %arg4[%add3A_1334] : memref<1638400xf32, #tpu.memory_space<hbm>> -> memref<2048xf32, #tpu.memory_space<hbm>>
    tpu.wait_dma2 semaphore(%arg36 : memref<!tpu.dma_semaphore, #tpu.memory_space<semaphore_mem>>) src(%arg17 : memref<2048xf32, #tpu.memory_space<vmem>>) dst(%dma_wait3A_1348 : memref<2048xf32, #tpu.memory_space<hbm>>)
    %dma_start3A_1349 = arith.constant 0 : i32
    %dma_start3A_1350 = arith.constant 0 : i32
    %dma_start3A_1351 = tpu.memref_slice %arg3[%dma_start3A_1349, %dma_start3A_1350] : memref<1x1000000xf32, #tpu.memory_space<hbm>> -> memref<1x1000000xf32, #tpu.memory_space<hbm>>
    %dma_start3A_1352 = tpu.memref_squeeze %dma_start3A_1351 : memref<1x1000000xf32, #tpu.memory_space<hbm>> -> memref<1000000xf32, #tpu.memory_space<hbm>>
    %dma_start3A_1353 = arith.constant 0 : i32
    %dma_start3A_1354 = tpu.memref_slice %dma_start3A_1352[%dma_start3A_1353] : memref<1000000xf32, #tpu.memory_space<hbm>> -> memref<1000000xf32, #tpu.memory_space<hbm>>
    tpu.enqueue_indirect_dma source(%dma_start3A_1354 : memref<1000000xf32, #tpu.memory_space<hbm>>) target(%arg17 : memref<2048xf32, #tpu.memory_space<vmem>>) offsets(%arg11 : memref<2048xi32, #tpu.memory_space<vmem>>) semaphore(%arg24 : memref<!tpu.dma_semaphore, #tpu.memory_space<semaphore_mem>>)
    %add3A_1355 = arith.constant 49152 : i32
    %add3A_1356 = arith.addi %mul3A_2, %add3A_1355 : i32
    %jit3A_1357 = arith.constant 16384 : i32
    %div3A_1358 = arith.divsi %add3A_1356, %jit3A_1357 : i32
    %sign3A_1359 = arith.constant 0 : i32
    %sign3A_1360 = arith.cmpi sgt, %add3A_1356, %sign3A_1359 : i32
    %sign3A_1361 = arith.extui %sign3A_1360 : i1 to i32
    %sign3A_1362 = arith.constant 0 : i32
    %sign3A_1363 = arith.cmpi slt, %add3A_1356, %sign3A_1362 : i32
    %sign3A_1364 = arith.extui %sign3A_1363 : i1 to i32
    %sign3A_1365 = arith.subi %sign3A_1361, %sign3A_1364 : i32
    %sign3A_1366 = arith.constant 0 : i32
    %sign3A_1367 = arith.cmpi sgt, %jit3A_1357, %sign3A_1366 : i32
    %sign3A_1368 = arith.extui %sign3A_1367 : i1 to i32
    %sign3A_1369 = arith.constant 0 : i32
    %sign3A_1370 = arith.cmpi slt, %jit3A_1357, %sign3A_1369 : i32
    %sign3A_1371 = arith.extui %sign3A_1370 : i1 to i32
    %sign3A_1372 = arith.subi %sign3A_1368, %sign3A_1371 : i32
    %ne3A_1373 = arith.cmpi ne, %sign3A_1365, %sign3A_1372 : i32
    %rem3A_1374 = arith.remsi %add3A_1356, %jit3A_1357 : i32
    %ne3A_1375 = arith.constant 0 : i32
    %ne3A_1376 = arith.cmpi ne, %rem3A_1374, %ne3A_1375 : i32
    %and3A_1377 = arith.andi %ne3A_1373, %ne3A_1376 : i1
    %sub3A_1378 = arith.constant 1 : i32
    %sub3A_1379 = arith.subi %div3A_1358, %sub3A_1378 : i32
    %select_n3A_1380 = arith.select %and3A_1377, %sub3A_1379, %div3A_1358 : i32
    %mul3A_1381 = arith.constant 16384 : i32
    %mul3A_1382 = arith.muli %select_n3A_1380, %mul3A_1381 : i32
    %sub3A_1383 = arith.subi %add3A_1356, %mul3A_1382 : i32
    %dma_start3A_1384 = tpu.memref_slice %arg2[%select_n3A_1380, %sub3A_1383] : memref<100x16384xi32, #tpu.memory_space<hbm>> -> memref<1x2048xi32, #tpu.memory_space<hbm>>
    %dma_start3A_1385 = tpu.memref_squeeze %dma_start3A_1384 : memref<1x2048xi32, #tpu.memory_space<hbm>> -> memref<2048xi32, #tpu.memory_space<hbm>>
    %dma_start3A_1386 = tpu.memref_slice %arg2[%select_n3A_1380, %sub3A_1383] : memref<100x16384xi32, #tpu.memory_space<hbm>> -> memref<1x2048xi32, #tpu.memory_space<hbm>>
    %dma_start3A_1387 = tpu.memref_squeeze %dma_start3A_1386 : memref<1x2048xi32, #tpu.memory_space<hbm>> -> memref<2048xi32, #tpu.memory_space<hbm>>
    tpu.enqueue_dma source(%dma_start3A_1387 : memref<2048xi32, #tpu.memory_space<hbm>>) target(%arg6 : memref<2048xi32, #tpu.memory_space<vmem>>) target_semaphore(%arg25 : memref<!tpu.dma_semaphore, #tpu.memory_space<semaphore_mem>>)
    %scan3A_1388 = arith.constant 0 : i32
    %scan3A_1389 = arith.constant 128 : i32
    %scan3A_1390 = arith.addi %scan3A_1388, %scan3A_1389 : i32
    %scan3A_1391 = arith.constant 1 : i32
    %scan3A_1392 = scf.for %scan3A_1521 = %scan3A_1388 to %scan3A_1390 step %scan3A_1391 iter_args(%scan3A_1522 = %scan3A_1331) -> (vector<16xf32>)  : i32 {
      %mul3A_1523 = arith.constant 16 : i32
      %mul3A_1524 = arith.muli %scan3A_1521, %mul3A_1523 : i32
      %get3A = arith.index_cast %mul3A_1524 : i32 to index
      %get3A_1525 = tpu.vector_load %arg12[%get3A] {strides = array<i32>} : memref<2048xf32, #tpu.memory_space<vmem>>, vector<16xf32>,
      %get3A_1526 = vector.shape_cast %get3A_1525 : vector<16xf32> to vector<16xf32>
      %max3A = arith.constant 0.000000e+00 : f32
      %max3A_1527 = vector.broadcast %max3A : f32 to vector<16xf32>
      %max3A_1528 = arith.maximumf %get3A_1526, %max3A_1527 : vector<16xf32>
      %add3A_1529 = arith.addf %scan3A_1522, %max3A_1528 : vector<16xf32>
      scf.yield %add3A_1529 : vector<16xf32>
    }
    %scan3A_1393 = arith.constant 128 : i32
    %add3A_1394 = arith.constant 36864 : i32
    %add3A_1395 = arith.addi %mul3A_2, %add3A_1394 : i32
    %dma_start3A_1396 = tpu.memref_slice %arg4[%add3A_1395] : memref<1638400xf32, #tpu.memory_space<hbm>> -> memref<2048xf32, #tpu.memory_space<hbm>>
    %dma_start3A_1397 = tpu.memref_slice %arg4[%add3A_1395] : memref<1638400xf32, #tpu.memory_space<hbm>> -> memref<2048xf32, #tpu.memory_space<hbm>>
    tpu.enqueue_dma source(%arg12 : memref<2048xf32, #tpu.memory_space<vmem>>) target(%dma_start3A_1397 : memref<2048xf32, #tpu.memory_space<hbm>>) target_semaphore(%arg31 : memref<!tpu.dma_semaphore, #tpu.memory_space<semaphore_mem>>)
    %dma_wait3A_1398 = arith.constant 0 : i32
    %dma_wait3A_1399 = arith.constant 0 : i32
    %dma_wait3A_1400 = tpu.memref_slice %arg3[%dma_wait3A_1398, %dma_wait3A_1399] : memref<1x1000000xf32, #tpu.memory_space<hbm>> -> memref<1x1000000xf32, #tpu.memory_space<hbm>>
    %dma_wait3A_1401 = tpu.memref_squeeze %dma_wait3A_1400 : memref<1x1000000xf32, #tpu.memory_space<hbm>> -> memref<1000000xf32, #tpu.memory_space<hbm>>
    %dma_wait3A_1402 = arith.constant 0 : i32
    %dma_wait3A_1403 = tpu.memref_slice %dma_wait3A_1401[%dma_wait3A_1402] : memref<1000000xf32, #tpu.memory_space<hbm>> -> memref<1000000xf32, #tpu.memory_space<hbm>>
    tpu.wait_indirect_dma semaphore(%arg20 : memref<!tpu.dma_semaphore, #tpu.memory_space<semaphore_mem>>) src(%dma_wait3A_1403 : memref<1000000xf32, #tpu.memory_space<hbm>>) dst(%arg13 : memref<2048xf32, #tpu.memory_space<vmem>>)
    %dma_wait3A_1404 = tpu.memref_slice %arg2[%select_n3A_1380, %sub3A_1383] : memref<100x16384xi32, #tpu.memory_space<hbm>> -> memref<1x2048xi32, #tpu.memory_space<hbm>>
    %dma_wait3A_1405 = tpu.memref_squeeze %dma_wait3A_1404 : memref<1x2048xi32, #tpu.memory_space<hbm>> -> memref<2048xi32, #tpu.memory_space<hbm>>
    %dma_wait3A_1406 = tpu.memref_slice %arg2[%select_n3A_1380, %sub3A_1383] : memref<100x16384xi32, #tpu.memory_space<hbm>> -> memref<1x2048xi32, #tpu.memory_space<hbm>>
    %dma_wait3A_1407 = tpu.memref_squeeze %dma_wait3A_1406 : memref<1x2048xi32, #tpu.memory_space<hbm>> -> memref<2048xi32, #tpu.memory_space<hbm>>
    tpu.wait_dma2 semaphore(%arg25 : memref<!tpu.dma_semaphore, #tpu.memory_space<semaphore_mem>>) src(%dma_wait3A_1407 : memref<2048xi32, #tpu.memory_space<hbm>>) dst(%arg6 : memref<2048xi32, #tpu.memory_space<vmem>>)
    %dma_wait3A_1408 = tpu.memref_slice %arg4[%add3A_1395] : memref<1638400xf32, #tpu.memory_space<hbm>> -> memref<2048xf32, #tpu.memory_space<hbm>>
    %dma_wait3A_1409 = tpu.memref_slice %arg4[%add3A_1395] : memref<1638400xf32, #tpu.memory_space<hbm>> -> memref<2048xf32, #tpu.memory_space<hbm>>
    tpu.wait_dma2 semaphore(%arg31 : memref<!tpu.dma_semaphore, #tpu.memory_space<semaphore_mem>>) src(%arg12 : memref<2048xf32, #tpu.memory_space<vmem>>) dst(%dma_wait3A_1409 : memref<2048xf32, #tpu.memory_space<hbm>>)
    %dma_start3A_1410 = arith.constant 0 : i32
    %dma_start3A_1411 = arith.constant 0 : i32
    %dma_start3A_1412 = tpu.memref_slice %arg3[%dma_start3A_1410, %dma_start3A_1411] : memref<1x1000000xf32, #tpu.memory_space<hbm>> -> memref<1x1000000xf32, #tpu.memory_space<hbm>>
    %dma_start3A_1413 = tpu.memref_squeeze %dma_start3A_1412 : memref<1x1000000xf32, #tpu.memory_space<hbm>> -> memref<1000000xf32, #tpu.memory_space<hbm>>
    %dma_start3A_1414 = arith.constant 0 : i32
    %dma_start3A_1415 = tpu.memref_slice %dma_start3A_1413[%dma_start3A_1414] : memref<1000000xf32, #tpu.memory_space<hbm>> -> memref<1000000xf32, #tpu.memory_space<hbm>>
    tpu.enqueue_indirect_dma source(%dma_start3A_1415 : memref<1000000xf32, #tpu.memory_space<hbm>>) target(%arg12 : memref<2048xf32, #tpu.memory_space<vmem>>) offsets(%arg6 : memref<2048xi32, #tpu.memory_space<vmem>>) semaphore(%arg19 : memref<!tpu.dma_semaphore, #tpu.memory_space<semaphore_mem>>)
    %scan3A_1416 = arith.constant 0 : i32
    %scan3A_1417 = arith.constant 128 : i32
    %scan3A_1418 = arith.addi %scan3A_1416, %scan3A_1417 : i32
    %scan3A_1419 = arith.constant 1 : i32
    %scan3A_1420 = scf.for %scan3A_1521 = %scan3A_1416 to %scan3A_1418 step %scan3A_1419 iter_args(%scan3A_1522 = %scan3A_1392) -> (vector<16xf32>)  : i32 {
      %mul3A_1523 = arith.constant 16 : i32
      %mul3A_1524 = arith.muli %scan3A_1521, %mul3A_1523 : i32
      %get3A = arith.index_cast %mul3A_1524 : i32 to index
      %get3A_1525 = tpu.vector_load %arg13[%get3A] {strides = array<i32>} : memref<2048xf32, #tpu.memory_space<vmem>>, vector<16xf32>,
      %get3A_1526 = vector.shape_cast %get3A_1525 : vector<16xf32> to vector<16xf32>
      %max3A = arith.constant 0.000000e+00 : f32
      %max3A_1527 = vector.broadcast %max3A : f32 to vector<16xf32>
      %max3A_1528 = arith.maximumf %get3A_1526, %max3A_1527 : vector<16xf32>
      %add3A_1529 = arith.addf %scan3A_1522, %max3A_1528 : vector<16xf32>
      scf.yield %add3A_1529 : vector<16xf32>
    }
    %scan3A_1421 = arith.constant 128 : i32
    %add3A_1422 = arith.constant 38912 : i32
    %add3A_1423 = arith.addi %mul3A_2, %add3A_1422 : i32
    %dma_start3A_1424 = tpu.memref_slice %arg4[%add3A_1423] : memref<1638400xf32, #tpu.memory_space<hbm>> -> memref<2048xf32, #tpu.memory_space<hbm>>
    %dma_start3A_1425 = tpu.memref_slice %arg4[%add3A_1423] : memref<1638400xf32, #tpu.memory_space<hbm>> -> memref<2048xf32, #tpu.memory_space<hbm>>
    tpu.enqueue_dma source(%arg13 : memref<2048xf32, #tpu.memory_space<vmem>>) target(%dma_start3A_1425 : memref<2048xf32, #tpu.memory_space<hbm>>) target_semaphore(%arg32 : memref<!tpu.dma_semaphore, #tpu.memory_space<semaphore_mem>>)
    %dma_wait3A_1426 = arith.constant 0 : i32
    %dma_wait3A_1427 = arith.constant 0 : i32
    %dma_wait3A_1428 = tpu.memref_slice %arg3[%dma_wait3A_1426, %dma_wait3A_1427] : memref<1x1000000xf32, #tpu.memory_space<hbm>> -> memref<1x1000000xf32, #tpu.memory_space<hbm>>
    %dma_wait3A_1429 = tpu.memref_squeeze %dma_wait3A_1428 : memref<1x1000000xf32, #tpu.memory_space<hbm>> -> memref<1000000xf32, #tpu.memory_space<hbm>>
    %dma_wait3A_1430 = arith.constant 0 : i32
    %dma_wait3A_1431 = tpu.memref_slice %dma_wait3A_1429[%dma_wait3A_1430] : memref<1000000xf32, #tpu.memory_space<hbm>> -> memref<1000000xf32, #tpu.memory_space<hbm>>
    tpu.wait_indirect_dma semaphore(%arg21 : memref<!tpu.dma_semaphore, #tpu.memory_space<semaphore_mem>>) src(%dma_wait3A_1431 : memref<1000000xf32, #tpu.memory_space<hbm>>) dst(%arg14 : memref<2048xf32, #tpu.memory_space<vmem>>)
    %scan3A_1432 = arith.constant 0 : i32
    %scan3A_1433 = arith.constant 128 : i32
    %scan3A_1434 = arith.addi %scan3A_1432, %scan3A_1433 : i32
    %scan3A_1435 = arith.constant 1 : i32
    %scan3A_1436 = scf.for %scan3A_1521 = %scan3A_1432 to %scan3A_1434 step %scan3A_1435 iter_args(%scan3A_1522 = %scan3A_1420) -> (vector<16xf32>)  : i32 {
      %mul3A_1523 = arith.constant 16 : i32
      %mul3A_1524 = arith.muli %scan3A_1521, %mul3A_1523 : i32
      %get3A = arith.index_cast %mul3A_1524 : i32 to index
      %get3A_1525 = tpu.vector_load %arg14[%get3A] {strides = array<i32>} : memref<2048xf32, #tpu.memory_space<vmem>>, vector<16xf32>,
      %get3A_1526 = vector.shape_cast %get3A_1525 : vector<16xf32> to vector<16xf32>
      %max3A = arith.constant 0.000000e+00 : f32
      %max3A_1527 = vector.broadcast %max3A : f32 to vector<16xf32>
      %max3A_1528 = arith.maximumf %get3A_1526, %max3A_1527 : vector<16xf32>
      %add3A_1529 = arith.addf %scan3A_1522, %max3A_1528 : vector<16xf32>
      scf.yield %add3A_1529 : vector<16xf32>
    }
    %scan3A_1437 = arith.constant 128 : i32
    %add3A_1438 = arith.constant 40960 : i32
    %add3A_1439 = arith.addi %mul3A_2, %add3A_1438 : i32
    %dma_start3A_1440 = tpu.memref_slice %arg4[%add3A_1439] : memref<1638400xf32, #tpu.memory_space<hbm>> -> memref<2048xf32, #tpu.memory_space<hbm>>
    %dma_start3A_1441 = tpu.memref_slice %arg4[%add3A_1439] : memref<1638400xf32, #tpu.memory_space<hbm>> -> memref<2048xf32, #tpu.memory_space<hbm>>
    tpu.enqueue_dma source(%arg14 : memref<2048xf32, #tpu.memory_space<vmem>>) target(%dma_start3A_1441 : memref<2048xf32, #tpu.memory_space<hbm>>) target_semaphore(%arg33 : memref<!tpu.dma_semaphore, #tpu.memory_space<semaphore_mem>>)
    %dma_wait3A_1442 = arith.constant 0 : i32
    %dma_wait3A_1443 = arith.constant 0 : i32
    %dma_wait3A_1444 = tpu.memref_slice %arg3[%dma_wait3A_1442, %dma_wait3A_1443] : memref<1x1000000xf32, #tpu.memory_space<hbm>> -> memref<1x1000000xf32, #tpu.memory_space<hbm>>
    %dma_wait3A_1445 = tpu.memref_squeeze %dma_wait3A_1444 : memref<1x1000000xf32, #tpu.memory_space<hbm>> -> memref<1000000xf32, #tpu.memory_space<hbm>>
    %dma_wait3A_1446 = arith.constant 0 : i32
    %dma_wait3A_1447 = tpu.memref_slice %dma_wait3A_1445[%dma_wait3A_1446] : memref<1000000xf32, #tpu.memory_space<hbm>> -> memref<1000000xf32, #tpu.memory_space<hbm>>
    tpu.wait_indirect_dma semaphore(%arg22 : memref<!tpu.dma_semaphore, #tpu.memory_space<semaphore_mem>>) src(%dma_wait3A_1447 : memref<1000000xf32, #tpu.memory_space<hbm>>) dst(%arg15 : memref<2048xf32, #tpu.memory_space<vmem>>)
    %scan3A_1448 = arith.constant 0 : i32
    %scan3A_1449 = arith.constant 128 : i32
    %scan3A_1450 = arith.addi %scan3A_1448, %scan3A_1449 : i32
    %scan3A_1451 = arith.constant 1 : i32
    %scan3A_1452 = scf.for %scan3A_1521 = %scan3A_1448 to %scan3A_1450 step %scan3A_1451 iter_args(%scan3A_1522 = %scan3A_1436) -> (vector<16xf32>)  : i32 {
      %mul3A_1523 = arith.constant 16 : i32
      %mul3A_1524 = arith.muli %scan3A_1521, %mul3A_1523 : i32
      %get3A = arith.index_cast %mul3A_1524 : i32 to index
      %get3A_1525 = tpu.vector_load %arg15[%get3A] {strides = array<i32>} : memref<2048xf32, #tpu.memory_space<vmem>>, vector<16xf32>,
      %get3A_1526 = vector.shape_cast %get3A_1525 : vector<16xf32> to vector<16xf32>
      %max3A = arith.constant 0.000000e+00 : f32
      %max3A_1527 = vector.broadcast %max3A : f32 to vector<16xf32>
      %max3A_1528 = arith.maximumf %get3A_1526, %max3A_1527 : vector<16xf32>
      %add3A_1529 = arith.addf %scan3A_1522, %max3A_1528 : vector<16xf32>
      scf.yield %add3A_1529 : vector<16xf32>
    }
    %scan3A_1453 = arith.constant 128 : i32
    %add3A_1454 = arith.constant 43008 : i32
    %add3A_1455 = arith.addi %mul3A_2, %add3A_1454 : i32
    %dma_start3A_1456 = tpu.memref_slice %arg4[%add3A_1455] : memref<1638400xf32, #tpu.memory_space<hbm>> -> memref<2048xf32, #tpu.memory_space<hbm>>
    %dma_start3A_1457 = tpu.memref_slice %arg4[%add3A_1455] : memref<1638400xf32, #tpu.memory_space<hbm>> -> memref<2048xf32, #tpu.memory_space<hbm>>
    tpu.enqueue_dma source(%arg15 : memref<2048xf32, #tpu.memory_space<vmem>>) target(%dma_start3A_1457 : memref<2048xf32, #tpu.memory_space<hbm>>) target_semaphore(%arg34 : memref<!tpu.dma_semaphore, #tpu.memory_space<semaphore_mem>>)
    %dma_wait3A_1458 = arith.constant 0 : i32
    %dma_wait3A_1459 = arith.constant 0 : i32
    %dma_wait3A_1460 = tpu.memref_slice %arg3[%dma_wait3A_1458, %dma_wait3A_1459] : memref<1x1000000xf32, #tpu.memory_space<hbm>> -> memref<1x1000000xf32, #tpu.memory_space<hbm>>
    %dma_wait3A_1461 = tpu.memref_squeeze %dma_wait3A_1460 : memref<1x1000000xf32, #tpu.memory_space<hbm>> -> memref<1000000xf32, #tpu.memory_space<hbm>>
    %dma_wait3A_1462 = arith.constant 0 : i32
    %dma_wait3A_1463 = tpu.memref_slice %dma_wait3A_1461[%dma_wait3A_1462] : memref<1000000xf32, #tpu.memory_space<hbm>> -> memref<1000000xf32, #tpu.memory_space<hbm>>
    tpu.wait_indirect_dma semaphore(%arg23 : memref<!tpu.dma_semaphore, #tpu.memory_space<semaphore_mem>>) src(%dma_wait3A_1463 : memref<1000000xf32, #tpu.memory_space<hbm>>) dst(%arg16 : memref<2048xf32, #tpu.memory_space<vmem>>)
    %scan3A_1464 = arith.constant 0 : i32
    %scan3A_1465 = arith.constant 128 : i32
    %scan3A_1466 = arith.addi %scan3A_1464, %scan3A_1465 : i32
    %scan3A_1467 = arith.constant 1 : i32
    %scan3A_1468 = scf.for %scan3A_1521 = %scan3A_1464 to %scan3A_1466 step %scan3A_1467 iter_args(%scan3A_1522 = %scan3A_1452) -> (vector<16xf32>)  : i32 {
      %mul3A_1523 = arith.constant 16 : i32
      %mul3A_1524 = arith.muli %scan3A_1521, %mul3A_1523 : i32
      %get3A = arith.index_cast %mul3A_1524 : i32 to index
      %get3A_1525 = tpu.vector_load %arg16[%get3A] {strides = array<i32>} : memref<2048xf32, #tpu.memory_space<vmem>>, vector<16xf32>,
      %get3A_1526 = vector.shape_cast %get3A_1525 : vector<16xf32> to vector<16xf32>
      %max3A = arith.constant 0.000000e+00 : f32
      %max3A_1527 = vector.broadcast %max3A : f32 to vector<16xf32>
      %max3A_1528 = arith.maximumf %get3A_1526, %max3A_1527 : vector<16xf32>
      %add3A_1529 = arith.addf %scan3A_1522, %max3A_1528 : vector<16xf32>
      scf.yield %add3A_1529 : vector<16xf32>
    }
    %scan3A_1469 = arith.constant 128 : i32
    %add3A_1470 = arith.constant 45056 : i32
    %add3A_1471 = arith.addi %mul3A_2, %add3A_1470 : i32
    %dma_start3A_1472 = tpu.memref_slice %arg4[%add3A_1471] : memref<1638400xf32, #tpu.memory_space<hbm>> -> memref<2048xf32, #tpu.memory_space<hbm>>
    %dma_start3A_1473 = tpu.memref_slice %arg4[%add3A_1471] : memref<1638400xf32, #tpu.memory_space<hbm>> -> memref<2048xf32, #tpu.memory_space<hbm>>
    tpu.enqueue_dma source(%arg16 : memref<2048xf32, #tpu.memory_space<vmem>>) target(%dma_start3A_1473 : memref<2048xf32, #tpu.memory_space<hbm>>) target_semaphore(%arg35 : memref<!tpu.dma_semaphore, #tpu.memory_space<semaphore_mem>>)
    %dma_wait3A_1474 = arith.constant 0 : i32
    %dma_wait3A_1475 = arith.constant 0 : i32
    %dma_wait3A_1476 = tpu.memref_slice %arg3[%dma_wait3A_1474, %dma_wait3A_1475] : memref<1x1000000xf32, #tpu.memory_space<hbm>> -> memref<1x1000000xf32, #tpu.memory_space<hbm>>
    %dma_wait3A_1477 = tpu.memref_squeeze %dma_wait3A_1476 : memref<1x1000000xf32, #tpu.memory_space<hbm>> -> memref<1000000xf32, #tpu.memory_space<hbm>>
    %dma_wait3A_1478 = arith.constant 0 : i32
    %dma_wait3A_1479 = tpu.memref_slice %dma_wait3A_1477[%dma_wait3A_1478] : memref<1000000xf32, #tpu.memory_space<hbm>> -> memref<1000000xf32, #tpu.memory_space<hbm>>
    tpu.wait_indirect_dma semaphore(%arg24 : memref<!tpu.dma_semaphore, #tpu.memory_space<semaphore_mem>>) src(%dma_wait3A_1479 : memref<1000000xf32, #tpu.memory_space<hbm>>) dst(%arg17 : memref<2048xf32, #tpu.memory_space<vmem>>)
    %scan3A_1480 = arith.constant 0 : i32
    %scan3A_1481 = arith.constant 128 : i32
    %scan3A_1482 = arith.addi %scan3A_1480, %scan3A_1481 : i32
    %scan3A_1483 = arith.constant 1 : i32
    %scan3A_1484 = scf.for %scan3A_1521 = %scan3A_1480 to %scan3A_1482 step %scan3A_1483 iter_args(%scan3A_1522 = %scan3A_1468) -> (vector<16xf32>)  : i32 {
      %mul3A_1523 = arith.constant 16 : i32
      %mul3A_1524 = arith.muli %scan3A_1521, %mul3A_1523 : i32
      %get3A = arith.index_cast %mul3A_1524 : i32 to index
      %get3A_1525 = tpu.vector_load %arg17[%get3A] {strides = array<i32>} : memref<2048xf32, #tpu.memory_space<vmem>>, vector<16xf32>,
      %get3A_1526 = vector.shape_cast %get3A_1525 : vector<16xf32> to vector<16xf32>
      %max3A = arith.constant 0.000000e+00 : f32
      %max3A_1527 = vector.broadcast %max3A : f32 to vector<16xf32>
      %max3A_1528 = arith.maximumf %get3A_1526, %max3A_1527 : vector<16xf32>
      %add3A_1529 = arith.addf %scan3A_1522, %max3A_1528 : vector<16xf32>
      scf.yield %add3A_1529 : vector<16xf32>
    }
    %scan3A_1485 = arith.constant 128 : i32
    %add3A_1486 = arith.constant 47104 : i32
    %add3A_1487 = arith.addi %mul3A_2, %add3A_1486 : i32
    %dma_start3A_1488 = tpu.memref_slice %arg4[%add3A_1487] : memref<1638400xf32, #tpu.memory_space<hbm>> -> memref<2048xf32, #tpu.memory_space<hbm>>
    %dma_start3A_1489 = tpu.memref_slice %arg4[%add3A_1487] : memref<1638400xf32, #tpu.memory_space<hbm>> -> memref<2048xf32, #tpu.memory_space<hbm>>
    tpu.enqueue_dma source(%arg17 : memref<2048xf32, #tpu.memory_space<vmem>>) target(%dma_start3A_1489 : memref<2048xf32, #tpu.memory_space<hbm>>) target_semaphore(%arg36 : memref<!tpu.dma_semaphore, #tpu.memory_space<semaphore_mem>>)
    %dma_wait3A_1490 = arith.constant 0 : i32
    %dma_wait3A_1491 = arith.constant 0 : i32
    %dma_wait3A_1492 = tpu.memref_slice %arg3[%dma_wait3A_1490, %dma_wait3A_1491] : memref<1x1000000xf32, #tpu.memory_space<hbm>> -> memref<1x1000000xf32, #tpu.memory_space<hbm>>
    %dma_wait3A_1493 = tpu.memref_squeeze %dma_wait3A_1492 : memref<1x1000000xf32, #tpu.memory_space<hbm>> -> memref<1000000xf32, #tpu.memory_space<hbm>>
    %dma_wait3A_1494 = arith.constant 0 : i32
    %dma_wait3A_1495 = tpu.memref_slice %dma_wait3A_1493[%dma_wait3A_1494] : memref<1000000xf32, #tpu.memory_space<hbm>> -> memref<1000000xf32, #tpu.memory_space<hbm>>
    tpu.wait_indirect_dma semaphore(%arg19 : memref<!tpu.dma_semaphore, #tpu.memory_space<semaphore_mem>>) src(%dma_wait3A_1495 : memref<1000000xf32, #tpu.memory_space<hbm>>) dst(%arg12 : memref<2048xf32, #tpu.memory_space<vmem>>)
    %scan3A_1496 = arith.constant 0 : i32
    %scan3A_1497 = arith.constant 128 : i32
    %scan3A_1498 = arith.addi %scan3A_1496, %scan3A_1497 : i32
    %scan3A_1499 = arith.constant 1 : i32
    %scan3A_1500 = scf.for %scan3A_1521 = %scan3A_1496 to %scan3A_1498 step %scan3A_1499 iter_args(%scan3A_1522 = %scan3A_1484) -> (vector<16xf32>)  : i32 {
      %mul3A_1523 = arith.constant 16 : i32
      %mul3A_1524 = arith.muli %scan3A_1521, %mul3A_1523 : i32
      %get3A = arith.index_cast %mul3A_1524 : i32 to index
      %get3A_1525 = tpu.vector_load %arg12[%get3A] {strides = array<i32>} : memref<2048xf32, #tpu.memory_space<vmem>>, vector<16xf32>,
      %get3A_1526 = vector.shape_cast %get3A_1525 : vector<16xf32> to vector<16xf32>
      %max3A = arith.constant 0.000000e+00 : f32
      %max3A_1527 = vector.broadcast %max3A : f32 to vector<16xf32>
      %max3A_1528 = arith.maximumf %get3A_1526, %max3A_1527 : vector<16xf32>
      %add3A_1529 = arith.addf %scan3A_1522, %max3A_1528 : vector<16xf32>
      scf.yield %add3A_1529 : vector<16xf32>
    }
    %scan3A_1501 = arith.constant 128 : i32
    %add3A_1502 = arith.constant 49152 : i32
    %add3A_1503 = arith.addi %mul3A_2, %add3A_1502 : i32
    %dma_start3A_1504 = tpu.memref_slice %arg4[%add3A_1503] : memref<1638400xf32, #tpu.memory_space<hbm>> -> memref<2048xf32, #tpu.memory_space<hbm>>
    %dma_start3A_1505 = tpu.memref_slice %arg4[%add3A_1503] : memref<1638400xf32, #tpu.memory_space<hbm>> -> memref<2048xf32, #tpu.memory_space<hbm>>
    tpu.enqueue_dma source(%arg12 : memref<2048xf32, #tpu.memory_space<vmem>>) target(%dma_start3A_1505 : memref<2048xf32, #tpu.memory_space<hbm>>) target_semaphore(%arg31 : memref<!tpu.dma_semaphore, #tpu.memory_space<semaphore_mem>>)
    %dma_wait3A_1506 = tpu.memref_slice %arg4[%add3A_1423] : memref<1638400xf32, #tpu.memory_space<hbm>> -> memref<2048xf32, #tpu.memory_space<hbm>>
    %dma_wait3A_1507 = tpu.memref_slice %arg4[%add3A_1423] : memref<1638400xf32, #tpu.memory_space<hbm>> -> memref<2048xf32, #tpu.memory_space<hbm>>
    tpu.wait_dma2 semaphore(%arg32 : memref<!tpu.dma_semaphore, #tpu.memory_space<semaphore_mem>>) src(%arg13 : memref<2048xf32, #tpu.memory_space<vmem>>) dst(%dma_wait3A_1507 : memref<2048xf32, #tpu.memory_space<hbm>>)
    %dma_wait3A_1508 = tpu.memref_slice %arg4[%add3A_1439] : memref<1638400xf32, #tpu.memory_space<hbm>> -> memref<2048xf32, #tpu.memory_space<hbm>>
    %dma_wait3A_1509 = tpu.memref_slice %arg4[%add3A_1439] : memref<1638400xf32, #tpu.memory_space<hbm>> -> memref<2048xf32, #tpu.memory_space<hbm>>
    tpu.wait_dma2 semaphore(%arg33 : memref<!tpu.dma_semaphore, #tpu.memory_space<semaphore_mem>>) src(%arg14 : memref<2048xf32, #tpu.memory_space<vmem>>) dst(%dma_wait3A_1509 : memref<2048xf32, #tpu.memory_space<hbm>>)
    %dma_wait3A_1510 = tpu.memref_slice %arg4[%add3A_1455] : memref<1638400xf32, #tpu.memory_space<hbm>> -> memref<2048xf32, #tpu.memory_space<hbm>>
    %dma_wait3A_1511 = tpu.memref_slice %arg4[%add3A_1455] : memref<1638400xf32, #tpu.memory_space<hbm>> -> memref<2048xf32, #tpu.memory_space<hbm>>
    tpu.wait_dma2 semaphore(%arg34 : memref<!tpu.dma_semaphore, #tpu.memory_space<semaphore_mem>>) src(%arg15 : memref<2048xf32, #tpu.memory_space<vmem>>) dst(%dma_wait3A_1511 : memref<2048xf32, #tpu.memory_space<hbm>>)
    %dma_wait3A_1512 = tpu.memref_slice %arg4[%add3A_1471] : memref<1638400xf32, #tpu.memory_space<hbm>> -> memref<2048xf32, #tpu.memory_space<hbm>>
    %dma_wait3A_1513 = tpu.memref_slice %arg4[%add3A_1471] : memref<1638400xf32, #tpu.memory_space<hbm>> -> memref<2048xf32, #tpu.memory_space<hbm>>
    tpu.wait_dma2 semaphore(%arg35 : memref<!tpu.dma_semaphore, #tpu.memory_space<semaphore_mem>>) src(%arg16 : memref<2048xf32, #tpu.memory_space<vmem>>) dst(%dma_wait3A_1513 : memref<2048xf32, #tpu.memory_space<hbm>>)
    %dma_wait3A_1514 = tpu.memref_slice %arg4[%add3A_1487] : memref<1638400xf32, #tpu.memory_space<hbm>> -> memref<2048xf32, #tpu.memory_space<hbm>>
    %dma_wait3A_1515 = tpu.memref_slice %arg4[%add3A_1487] : memref<1638400xf32, #tpu.memory_space<hbm>> -> memref<2048xf32, #tpu.memory_space<hbm>>
    tpu.wait_dma2 semaphore(%arg36 : memref<!tpu.dma_semaphore, #tpu.memory_space<semaphore_mem>>) src(%arg17 : memref<2048xf32, #tpu.memory_space<vmem>>) dst(%dma_wait3A_1515 : memref<2048xf32, #tpu.memory_space<hbm>>)
    %dma_wait3A_1516 = tpu.memref_slice %arg4[%add3A_1503] : memref<1638400xf32, #tpu.memory_space<hbm>> -> memref<2048xf32, #tpu.memory_space<hbm>>
    %dma_wait3A_1517 = tpu.memref_slice %arg4[%add3A_1503] : memref<1638400xf32, #tpu.memory_space<hbm>> -> memref<2048xf32, #tpu.memory_space<hbm>>
    tpu.wait_dma2 semaphore(%arg31 : memref<!tpu.dma_semaphore, #tpu.memory_space<semaphore_mem>>) src(%arg12 : memref<2048xf32, #tpu.memory_space<vmem>>) dst(%dma_wait3A_1517 : memref<2048xf32, #tpu.memory_space<hbm>>)
    %swap3A = arith.constant 0 : index
    %swap3A_1518 = tpu.vector_load %arg18[%swap3A] {strides = array<i32>} : memref<16xf32, #tpu.memory_space<vmem>>, vector<16xf32>,
    %swap3A_1519 = vector.shape_cast %swap3A_1518 : vector<16xf32> to vector<16xf32>
    %swap3A_1520 = vector.shape_cast %scan3A_1500 : vector<16xf32> to vector<16xf32>
    tpu.vector_store %arg18[%swap3A], %swap3A_1520 {strides = array<i32>} : memref<16xf32, #tpu.memory_space<vmem>>, vector<16xf32>,
    "tpu.region"() ({
      %run_scoped3A = tpu.sem_alloc : memref<!tpu.dma_semaphore, #tpu.memory_space<semaphore_mem>>
      %dma_start3A_1521 = arith.constant 0 : i32
      %dma_start3A_1522 = tpu.memref_slice %arg5[%add3A, %dma_start3A_1521] : memref<32x16xf32, #tpu.memory_space<hbm>> -> memref<1x16xf32, #tpu.memory_space<hbm>>
      %dma_start3A_1523 = tpu.memref_squeeze %dma_start3A_1522 : memref<1x16xf32, #tpu.memory_space<hbm>> -> memref<16xf32, #tpu.memory_space<hbm>>
      %dma_start3A_1524 = arith.constant 0 : i32
      %dma_start3A_1525 = tpu.memref_slice %arg5[%add3A, %dma_start3A_1524] : memref<32x16xf32, #tpu.memory_space<hbm>> -> memref<1x16xf32, #tpu.memory_space<hbm>>
      %dma_start3A_1526 = tpu.memref_squeeze %dma_start3A_1525 : memref<1x16xf32, #tpu.memory_space<hbm>> -> memref<16xf32, #tpu.memory_space<hbm>>
      tpu.enqueue_dma source(%arg18 : memref<16xf32, #tpu.memory_space<vmem>>) target(%dma_start3A_1526 : memref<16xf32, #tpu.memory_space<hbm>>) target_semaphore(%run_scoped3A : memref<!tpu.dma_semaphore, #tpu.memory_space<semaphore_mem>>)
      %dma_wait3A_1527 = arith.constant 0 : i32
      %dma_wait3A_1528 = tpu.memref_slice %arg5[%add3A, %dma_wait3A_1527] : memref<32x16xf32, #tpu.memory_space<hbm>> -> memref<1x16xf32, #tpu.memory_space<hbm>>
      %dma_wait3A_1529 = tpu.memref_squeeze %dma_wait3A_1528 : memref<1x16xf32, #tpu.memory_space<hbm>> -> memref<16xf32, #tpu.memory_space<hbm>>
      %dma_wait3A_1530 = arith.constant 0 : i32
      %dma_wait3A_1531 = tpu.memref_slice %arg5[%add3A, %dma_wait3A_1530] : memref<32x16xf32, #tpu.memory_space<hbm>> -> memref<1x16xf32, #tpu.memory_space<hbm>>
      %dma_wait3A_1532 = tpu.memref_squeeze %dma_wait3A_1531 : memref<1x16xf32, #tpu.memory_space<hbm>> -> memref<16xf32, #tpu.memory_space<hbm>>
      tpu.wait_dma2 semaphore(%run_scoped3A : memref<!tpu.dma_semaphore, #tpu.memory_space<semaphore_mem>>) src(%arg18 : memref<16xf32, #tpu.memory_space<vmem>>) dst(%dma_wait3A_1532 : memref<16xf32, #tpu.memory_space<hbm>>)
      tpu.yield
    }) : () -> ()
    return
  }
}

module attributes {stable_mosaic.version = 14 : i64} {
  func.func @_tc_body(%arg0: i32, %arg1: memref<32x16xf32, #tpu.memory_space<vmem>>, %arg2: memref<3200x128xf32, #tpu.memory_space<vmem>>, %arg3: memref<3200x128xf32, #tpu.memory_space<vmem>>) attributes {dimension_semantics = [#tpu.dimension_semantics<arbitrary>], iteration_bounds = array<i64: 4>, scalar_prefetch = 0 : i64, scratch_operands = 0 : i64, tpu.core_type = #tpu.core_type<tc>, window_params = [{pipeline_mode = #tpu.pipeline_mode<synchronous>, transform_indices = @transform_0, window_bounds = array<i64: 32, 16>}, {transform_indices = @transform_1, window_bounds = array<i64: 3200, 128>}, {transform_indices = @transform_2, window_bounds = array<i64: 3200, 128>}]} {
    %get3A = arith.constant 0 : index
    %get3A_0 = arith.constant 0 : index
    %get3A_1 = vector.load %arg1[%get3A, %get3A_0] : memref<32x16xf32, #tpu.memory_space<vmem>>, vector<32x16xf32>
    %reduce_sum3A = vector.shape_cast %get3A_1 : vector<32x16xf32> to vector<1x32x16xf32>
    %reduce_sum3A_2 = arith.constant dense<0.000000e+00> : vector<1xf32>
    %reduce_sum3A_3 = vector.multi_reduction <add>, %reduce_sum3A, %reduce_sum3A_2 [1, 2] : vector<1x32x16xf32> to vector<1xf32>
    %reduce_sum3A_4 = vector.shape_cast %reduce_sum3A_3 : vector<1xf32> to vector<1x1x1xf32>
    %reduce_sum3A_5 = vector.extract %reduce_sum3A_4[0, 0, 0] : f32 from vector<1x1x1xf32>
    %div3A = arith.constant 1.000000e+00 : f32
    %div3A_6 = arith.divf %div3A, %reduce_sum3A_5 : f32
    %get3A_7 = arith.constant 0 : index
    %get3A_8 = arith.constant 0 : index
    %get3A_9 = vector.load %arg2[%get3A_7, %get3A_8] : memref<3200x128xf32, #tpu.memory_space<vmem>>, vector<3200x128xf32>
    %max3A = arith.constant 0.000000e+00 : f32
    %max3A_10 = vector.broadcast %max3A : f32 to vector<3200x128xf32>
    %max3A_11 = arith.maximumf %get3A_9, %max3A_10 : vector<3200x128xf32>
    %mul3A = vector.broadcast %div3A_6 : f32 to vector<3200x128xf32>
    %mul3A_12 = arith.mulf %max3A_11, %mul3A : vector<3200x128xf32>
    %swap3A = arith.constant 0 : index
    %swap3A_13 = arith.constant 0 : index
    %swap3A_14 = vector.load %arg3[%swap3A, %swap3A_13] : memref<3200x128xf32, #tpu.memory_space<vmem>>, vector<3200x128xf32>
    tpu.vector_store %arg3[%swap3A, %swap3A_13], %mul3A_12 {strides = array<i32>} : memref<3200x128xf32, #tpu.memory_space<vmem>>, vector<3200x128xf32>,
    return
  }
  func.func @transform_0(%arg0: i32) -> (i32, i32) {
    %c0_i32 = arith.constant 0 : i32
    %c0_i32_0 = arith.constant 0 : i32
    %c0_i32_1 = arith.constant 0 : i32
    return %c0_i32, %c0_i32_0 : i32, i32
  }
  func.func @transform_1(%arg0: i32) -> (i32, i32) {
    %c0_i32 = arith.constant 0 : i32
    %c0_i32_0 = arith.constant 0 : i32
    return %arg0, %c0_i32 : i32, i32
  }
  func.func @transform_2(%arg0: i32) -> (i32, i32) {
    %c0_i32 = arith.constant 0 : i32
    %c0_i32_0 = arith.constant 0 : i32
    return %arg0, %c0_i32 : i32, i32
  }
}

</mosaic_0001>

<sc_bundles>
// kernel: kernel.4.cloned.1.call-start
scs
__scs_entry_jumppad:
0x0: {  	(pc) =	sbr.rel $0x88, $3  }
0x1: {  	(tag) =	ssettag $0x0;
	lr =	simm.s32 $0x1  }
0x2: {  	[smem:$0x3F9F] =	sst lr;
	_ =	strace $0xD0000000  }
0x3: {  	_ = 	snop  }
0x4: {  	_ = 	snop  }
0x5: {  	_ = 	snop  }
0x6: {  	_ = 	snop  }
0x7: {  	_ = 	snop  }
__scs_overlays_trampoline_lowered:
0x8: {  	[smem:$0x3FAE] =	sst s0  }
0x9: {  	[smem:$0x3FAF] =	sst s1  }
0xa: {  	[smem:$0x3FB0] =	sst s2  }
0xb: {  	[smem:$0x3FB1] =	sst s3  }
0xc: {  	[smem:$0x3FB2] =	sst s4  }
0xd: {  	[smem:$0x3FB3] =	sst s5  }
0xe: {  	[smem:$0x3FB4] =	sst s6  }
0xf: {  	[smem:$0x3FB5] =	sst s7  }
0x10: {  	[smem:$0x3FB6] =	sst s8  }
0x11: {  	[smem:$0x3FB7] =	sst s9;
	s0 =	simm.s32 @!p0 $0x0  }
0x12: {  	s1 =	sld [smem:$0x3F9D];
	s0 =	simm.s32 @p0 $0x1  }
0x13: {  	[smem:$0x3FB8] =	sst s0;
	s0 =	simm.s32 @!p1 $0x0  }
0x14: {  	s2 =	sld [smem:$0x3F9C];
	s0 =	simm.s32 @p1 $0x1  }
0x15: {  	[smem:$0x3FB9] =	sst s0;
	s0 =	simm.s32 @!p2 $0x0  }
0x16: {  	s3 =	sld [smem:$0x3FDB];
	s0 =	simm.s32 @p2 $0x1  }
0x17: {  	s4 =	simm.s32 $0x1BF5;
	[smem:$0x3FBB] =	sst s0  }
0x18: {  	s0 =	sld [smem:$0x3F9E];
	_ =	swait.ge [sflag:s4], $0x0  }
0x19: {  	s7 =	sld [smem:$0x3F9F]  }
0x1a: {  	s8 =	sadd.s32 $0xFFFFE003, lr  }
0x1b: {  	s9 =	sadd.s32 $0xFFFFFEF7, lr;
	s5 =	simm.s32 $0xFFFFFFFF;
	p2 =	slt.u32 s8, $0xFFFFF086  }
0x1c: {  	p1 =	slt.u32 s9, $0xF7A;
	s5 =	simm.s32 @!p2 $0x0  }
0x1d: {  	s5 =	simm.s32 @p1 $0x1;
	p0 =	seq.s32 s7, s2  }
0x1e: {  	s7 =	smul.u32 @!p0 $0xF7A, s2;
	p2 =	seq.s32 @!p0 s5, $0x0  }
0x1f: {  	s9 =	smul.u32 $0xF7A, s1;
	s8 =	simm.s32 @!p0 $0x1BF5;
	p2 =	por !p2, p0  }
0x20: {  	[sflag:s8] =	ssyncset.s32 @!p0 $0xFFFFF086;
	s6 =	sadd.s32 @!p0 s3, s7;
	s7 =	simm.s32 @!p0 $0x108  }
0x21: {  	s3 =	sadd.s32 s3, s9;
	s6 =	sadd.s32 @!p0 $0x88, s6;
	s7 =	simm.s32 @p2 $0x1082  }
0x22: {  	[simem:s7], [sflag:s8] =	dma.local @!p0 [hbm:s6], $0xF7A  }
0x23: {  	s9 =	sor.u32 $0xD0000000, s2;
	s6 =	simm.s32 $0x108;
	_ =	swait.ge @!p0 [sflag:s8], $0x0  }
0x24: {  	s3 =	sadd.s32 $0x88, s3;
	s6 =	simm.s32 @!p1 $0x1082;
	[sflag:s4] =	ssyncset.s32 $0xFFFFF086  }
0x25: {  	[simem:s6], [sflag:s4] =	dma.local [hbm:s3], $0xF7A  }
0x26: {  	[smem:$0x3F9F] =	sst s1;
	(tag) =	ssettag s2;
	_ =	strace s9  }
0x27: {  	s1 =	sld [smem:$0x3FAF]  }
0x28: {  	s2 =	sld [smem:$0x3FB0]  }
0x29: {  	s4 =	sld [smem:$0x3FB2]  }
0x2a: {  	p0 =	seq.s32 s5, $0x0;
	s5 =	sld [smem:$0x3FB3]  }
0x2b: {  	s6 =	sld [smem:$0x3FB4]  }
0x2c: {  	s7 =	sld [smem:$0x3FB5]  }
0x2d: {  	s3 =	simm.s32 $0x108;
	s8 =	sld [smem:$0x3FB6]  }
0x2e: {  	s3 =	simm.s32 @!p0 $0x1082;
	s9 =	sld [smem:$0x3FB7]  }
0x2f: {  	lr =	sadd.s32 s0, s3;
	s0 =	sld [smem:$0x3FAE]  }
0x30: {  	s3 =	sld [smem:$0x3FB1]  }
0x31: {  	[smem:$0x3FBA] =	sst s10  }
0x32: {  	s10 =	sld [smem:$0x3FB8];
	_ =	sdelay $0x3  }
0x33: {  	p0 =	seq.s32 s10, $0x1;
	s10 =	sld [smem:$0x3FBA];
	_ =	sdelay $0x3  }
0x34: {  	[smem:$0x3FBA] =	sst s10  }
0x35: {  	s10 =	sld [smem:$0x3FB9];
	_ =	sdelay $0x3  }
0x36: {  	p1 =	seq.s32 s10, $0x1;
	s10 =	sld [smem:$0x3FBA];
	_ =	sdelay $0x3  }
0x37: {  	[smem:$0x3FBA] =	sst s10  }
0x38: {  	s10 =	sld [smem:$0x3FBB]  }
0x39: {  	_ = 	snop;
	(pc) =	sbr.ind lr, $3  }
0x3a: {  	_ = 	snop  }
0x3b: {  	_ = 	snop  }
0x3c: {  	p2 =	seq.s32 s10, $0x1;
	s10 =	sld [smem:$0x3FBA]  }
0x3d: {  	_ =	shalt  }
0x3e: {  	_ =	shalt  }
0x3f: {  	_ =	shalt  }
0x40: {  	_ =	shalt  }
0x41: {  	_ =	shalt  }
0x42: {  	_ =	shalt  }
0x43: {  	_ =	shalt  }
0x44: {  	_ =	shalt  }
0x45: {  	_ =	shalt  }
0x46: {  	_ =	shalt  }
0x47: {  	_ =	shalt  }
0x48: {  	_ =	shalt  }
0x49: {  	_ =	shalt  }
0x4a: {  	_ =	shalt  }
0x4b: {  	_ =	shalt  }
0x4c: {  	_ =	shalt  }
0x4d: {  	_ =	shalt  }
0x4e: {  	_ =	shalt  }
0x4f: {  	_ =	shalt  }
0x50: {  	_ =	shalt  }
0x51: {  	_ =	shalt  }
0x52: {  	_ =	shalt  }
0x53: {  	_ =	shalt  }
0x54: {  	_ =	shalt  }
0x55: {  	_ =	shalt  }
0x56: {  	_ =	shalt  }
0x57: {  	_ =	shalt  }
0x58: {  	_ =	shalt  }
0x59: {  	_ =	shalt  }
0x5a: {  	_ =	shalt  }
0x5b: {  	_ =	shalt  }
0x5c: {  	_ =	shalt  }
0x5d: {  	_ =	shalt  }
0x5e: {  	_ =	shalt  }
0x5f: {  	_ =	shalt  }
0x60: {  	_ =	shalt  }
0x61: {  	_ =	shalt  }
0x62: {  	_ =	shalt  }
0x63: {  	_ =	shalt  }
0x64: {  	_ =	shalt  }
0x65: {  	_ =	shalt  }
0x66: {  	_ =	shalt  }
0x67: {  	_ =	shalt  }
0x68: {  	_ =	shalt  }
0x69: {  	_ =	shalt  }
0x6a: {  	_ =	shalt  }
0x6b: {  	_ =	shalt  }
0x6c: {  	_ =	shalt  }
0x6d: {  	_ =	shalt  }
0x6e: {  	_ =	shalt  }
0x6f: {  	_ =	shalt  }
0x70: {  	_ =	shalt  }
0x71: {  	_ =	shalt  }
0x72: {  	_ =	shalt  }
0x73: {  	_ =	shalt  }
0x74: {  	_ =	shalt  }
0x75: {  	_ =	shalt  }
0x76: {  	_ =	shalt  }
0x77: {  	_ =	shalt  }
0x78: {  	_ =	shalt  }
0x79: {  	_ =	shalt  }
0x7a: {  	_ =	shalt  }
0x7b: {  	_ =	shalt  }
0x7c: {  	_ =	shalt  }
0x7d: {  	_ =	shalt  }
0x7e: {  	_ =	shalt  }
0x7f: {  	_ =	shalt  }
0x80: {  	_ =	shalt  }
0x81: {  	_ =	shalt  }
0x82: {  	_ =	shalt  }
0x83: {  	_ =	shalt  }
0x84: {  	_ =	shalt  }
0x85: {  	_ =	shalt  }
0x86: {  	_ =	shalt  }
0x87: {  	_ =	shalt  }
.Lfunc_end0:
.L_simem_size_0:
called_computation_lowered:
.L_overlay_start_0:
0x88: {  	s2 =	sld [smem:$0x3FD9]  }
0x89: {  	s3 =	sld [smem:$0x3FFE];
	_ =	sdelay $0x1  }
0x8a: {  	s1 =	srdreg.scid  }
0x8b: {  	s0 =	sand.u32 $0x1, s1  }
0x8c: {  	s17 =	sshll.u32 s0, $0xA;
	s2 =	sadd.s32 s3, s2  }
0x8d: {  	s2 =	sadd.s32 s2, s17  }
0x8e: {  	[smem:$0x3FC6] =	sst s2  }
0x8f: {  	_ = 	snop  }
0x90: {  	s2 =	sld [smem:$0x3FC9]  }
0x91: {  	s18 =	sld [smem:$0x3FC8]  }
0x92: {  	s4 =	sld [smem:$0x3FD0];
	(tm) =	ssettm $0x1  }
0x93: {  	s5 =	sld [smem:$0x3FFB];
	_ =	sdelay $0x3  }
0x94: {  	_ =	strace s5  }
0x95: {  	s5 =	sld [smem:$0x3FFC];
	_ =	sdelay $0x3  }
0x96: {  	_ =	strace s5  }
0x97: {  	s5 =	sld [smem:$0x3FFD];
	_ =	sdelay $0x3  }
0x98: {  	_ =	strace s5  }
0x99: {  	_ =	strace $0x8FFFFFFF  }
0x9a: {  	s19 =	sld [smem:$0x3FDB];
	_ =	sdelay $0x1  }
0x9b: {  	s6 =	simm.s32 $_scs_section_size  }
0x9c: {  	s7 =	simm.s32 $_size__tile_overlayer_lowered;
	s8 =	simm.s32 $_tile_overlayer_lowered  }
0x9d: {  	s22 =	simm.s32 $0x1BFF;
	s21 =	sshll.u32 s8, $0x1;
	s5 =	sadd.s32 s6, s19  }
0x9e: {  	s9 =	simm.s32 $0x0;
	s20 =	sshll.u32 s7, $0x1;
	s7 =	sadd.s32 s21, s5  }
0x9f: {  	[timem:s9], [sflag:s22] =	dma.local [hbm:s7], s20  }
0xa0: {  	_ =	swait.ge [sflag:s22], s20  }
0xa1: {  	s6 =	ssub.s32 $0x0, s20;
	[sflag:s22] =	ssyncset.done $0x0  }
0xa2: {  	[sflag:s22] =	ssyncadd.s32 s6;
	_ =	sdelay $0x1  }
0xa3: {  	s23 =	simm.s32 $0x1B8B  }
0xa4: {  	_ =	swait.ge [sflag:s23], $0x1  }
0xa5: {  	[sflag:s23] =	ssyncset.done $0x0  }
0xa6: {  	s25 =	simm.s32 $0x1B8E;
	s24 =	sld [smem:$0x3FFE];
	[sflag:s23] =	ssyncadd.s32 $0xFFFFFFFF  }
0xa7: {  	s26 =	simm.s32 $execute0_lowered;
	[smem:$0x3FD2] =	sst s25  }
0xa8: {  	s7 =	sshll.u32 s26, $0x1;
	_ =	strace $0x80000046;
	[dreg:$0x1] =	wrdreg $0xFFFFFFFF  }
0xa9: {  	s28 =	simm.s32 $_size_execute0_lowered;
	s5 =	sadd.s32 s5, s7;
	[dreg:$0x0] =	wrdreg $0x0  }
0xaa: {  	s7 =	sshll.u32 s28, $0x1;
	[dreg:$0x2] =	wrdreg s5  }
0xab: {  	[dreg:$0x3] =	wrdreg s7  }
0xac: {  	[dreg:$0x4] =	wrdreg $0xC0  }
0xad: {  	_ =	task [dreg:s9], $0x5FFFF  }
0xae: {  	[dreg:$0x1] =	wrdreg $0xFFFFFFFF  }
0xaf: {  	[dreg:$0x0] =	wrdreg $0x60  }
0xb0: {  	[dreg:$0x2] =	wrdreg s2  }
0xb1: {  	[dreg:$0x3] =	wrdreg s18  }
0xb2: {  	[dreg:$0x4] =	wrdreg s4  }
0xb3: {  	[dreg:$0x5] =	wrdreg s24  }
0xb4: {  	[dreg:$0x6] =	wrdreg $0x9  }
0xb5: {  	_ =	task.clear_ibuf [dreg:s9], $0x7FFFF;
	_ =	strace $0x90000046  }
0xb6: {  	s29 =	simm.s32 $0x9;
	_ =	strace $0x80000048  }
0xb7: {  	_ =	swait.ge [sflag:s29], $0x1  }
0xb8: {  	[sflag:s29] =	ssyncadd.s32 $0xFFFFFFFF  }
0xb9: {  	_ =	strace $0x90000048  }
0xba: {  	_ =	sfence  }
0xbb: {  	s30 =	sld [smem:$0x0];
	_ =	sdelay $0x2  }
0xbc: {  	s31 =	sshll.u32 s1, $0xD;
	s1 =	sshrl.u32 s1, $0x2  }
0xbd: {  	s3 =	sand.u32 $0x4000, s31;
	s1 =	sadd.s32 s1, s30  }
0xbe: {  	s0 =	sor.u32 s3, s0;
	s1 =	sshll.u32 s1, $0x11  }
0xbf: {  	s0 =	sor.u32 s1, s0  }
0xc0: {  	s0 =	sadd.s32 $0x8F2B, s0  }
0xc1: {  	[sflag:s0] =	ssyncadd.remote.s32 $0x1  }
0xc2: {  	_ =	sfence.sel $0xFFFF  }
0xc3: {  	[dreg:$0x0] =	wrdreg $0xFFFFFFFF;
	(pc) =	sbr.abs _section_cstart, $3  }
0xc4: {  	[dreg:$0x1] =	wrdreg $0xFFFFFFFF  }
0xc5: {  	_ =	task.clear_ibuf [dreg:s9], $0x2FFFF;
	_ =	strace $0x9FFFFFFF  }
0xc6: {  	(tm) =	ssettm $0x7FFFFFFF  }
0xc7: {  	_ =	shalt  }
tec
execute0_lowered:
.L_overlay_start_1:
0x0: {  	(tag) =	ssettag $0x1  }
0x1: {  	s0 =	srdreg.scid;
	s1 =	stileid.u32  }
0x2: {  	s0 =	sand.u32 $0x1, s0;
	s1 =	sshll.u32 s1, $0x1  }
0x3: {  	s3 =	rddreg [dreg:$0x3];
	s1 =	sor.u32 s0, s1;
	s0 =	ssub.s32 $0x2, s0  }
0x4: {  	s4 =	sshll.u32 s1, $0x4;
	s2 =	smul.u32 $0xC800, s1;
	s19 =	sshrl.u32 s0, $0x1  }
0x5: {  	s1 =	smul.u32 $0x64000, s1;
	s3 =	sadd.s32 s4, s3;
	s0 =	ssub.s32 s0, s19  }
0x6: {  	[smem:$0x7FA] =	sst s3;
	s20 =	sand.u32 $0x1E0000, s2;
	s5 =	sshll.u32 s2, $0x3  }
0x7: {  	[smem:$0x7FC] =	sst s0;
	s23 =	sshrl.u32 s2, $0x7;
	s24 =	sadd.s32 $0x800, s2  }
0x8: {  	s7 =	sadd.s32 $0x1000, s2;
	s13 =	sadd.s32 $0x1800, s2;
	s19 =	sadd.s32 $0x2000, s2  }
0x9: {  	s31 =	sadd.s32 $0x2800, s2;
	s29 =	sadd.s32 $0x3000, s2;
	s28 =	sadd.s32 $0x8800, s2  }
0xa: {  	s30 =	sadd.s32 $0x9000, s2;
	s21 =	sadd.s32 s1, s20;
	s22 =	sand.u32 $0xFE0000, s5  }
0xb: {  	[smem:$0x7DF] =	sst s24;
	s1 =	sand.u32 $0x380, s23;
	s25 =	sand.u32 $0x3E0000, s24  }
0xc: {  	s26 =	sshll.u32 s24, $0x3;
	s6 =	sshrl.u32 s24, $0x7;
	[smem:$0x7E0] =	sst s7  }
0xd: {  	s8 =	sand.u32 $0x3E0000, s7;
	s9 =	sshll.u32 s7, $0x3;
	s12 =	sshrl.u32 s7, $0x7  }
0xe: {  	[smem:$0x7E2] =	sst s13;
	s14 =	sand.u32 $0x3E0000, s13;
	s15 =	sshll.u32 s13, $0x3  }
0xf: {  	s18 =	sshrl.u32 s13, $0x7;
	[smem:$0x7E3] =	sst s19;
	s20 =	sand.u32 $0x3E0000, s19  }
0x10: {  	s24 =	sshrl.u32 s19, $0x7;
	s5 =	sshrl.u32 s31, $0x7;
	s7 =	sshll.u32 s29, $0x3  }
0x11: {  	s0 =	ssub.s32 s21, s22;
	s3 =	sadd.s32 s26, s25;
	s4 =	sand.u32 $0x1FE0000, s26  }
0x12: {  	s10 =	sadd.s32 s9, s8;
	s11 =	sand.u32 $0x1FE0000, s9;
	s16 =	sadd.s32 s15, s14  }
0x13: {  	s17 =	sand.u32 $0x1FE0000, s15;
	s21 =	sshll.u32 s19, $0x3;
	s25 =	sand.u32 $0x3E0000, s31  }
0x14: {  	s26 =	sshll.u32 s31, $0x3;
	s9 =	sand.u32 $0x1FE0000, s7;
	s0 =	sor.u32 s1, s0  }
0x15: {  	s1 =	sand.u32 $0x380, s6;
	s22 =	sadd.s32 s21, s20;
	s23 =	sand.u32 $0x1FE0000, s21  }
0x16: {  	s6 =	sand.u32 $0x3E0000, s29;
	[smem:$0x7CC] =	sst s0;
	s0 =	ssub.s32 s3, s4  }
0x17: {  	s3 =	sadd.s32 s26, s25;
	s4 =	sand.u32 $0x1FE0000, s26;
	s0 =	sor.u32 s1, s0  }
0x18: {  	s1 =	sand.u32 $0x380, s12;
	[smem:$0x7CD] =	sst s0;
	s0 =	ssub.s32 s10, s11  }
0x19: {  	s8 =	sadd.s32 s7, s6;
	s10 =	sshrl.u32 s29, $0x7;
	s0 =	sor.u32 s1, s0  }
0x1a: {  	s1 =	sand.u32 $0x380, s18;
	[smem:$0x7CE] =	sst s0;
	s0 =	ssub.s32 s16, s17  }
0x1b: {  	s0 =	sor.u32 s1, s0;
	s1 =	sand.u32 $0x380, s24;
	s24 =	sadd.s32 $0x3800, s2  }
0x1c: {  	[smem:$0x7CF] =	sst s0;
	s0 =	ssub.s32 s22, s23;
	s11 =	sand.u32 $0x3E0000, s24  }
0x1d: {  	s12 =	sshll.u32 s24, $0x3;
	s15 =	sshrl.u32 s24, $0x7;
	s22 =	sadd.s32 $0x4000, s2  }
0x1e: {  	s0 =	sor.u32 s1, s0;
	s1 =	sand.u32 $0x380, s5;
	s13 =	sadd.s32 s12, s11  }
0x1f: {  	s14 =	sand.u32 $0x1FE0000, s12;
	s16 =	sand.u32 $0x3E0000, s22;
	s17 =	sshll.u32 s22, $0x3  }
0x20: {  	s20 =	sshrl.u32 s22, $0x7;
	[smem:$0x7D0] =	sst s0;
	s0 =	ssub.s32 s3, s4  }
0x21: {  	s18 =	sadd.s32 s17, s16;
	s19 =	sand.u32 $0x1FE0000, s17;
	s16 =	sadd.s32 $0x5000, s2  }
0x22: {  	s17 =	sadd.s32 $0x6000, s2;
	s0 =	sor.u32 s1, s0;
	s1 =	sand.u32 $0x380, s10  }
0x23: {  	s4 =	sand.u32 $0x3E0000, s16;
	s5 =	sshll.u32 s16, $0x3;
	[smem:$0x7D1] =	sst s0  }
0x24: {  	s0 =	ssub.s32 s8, s9;
	s6 =	sadd.s32 s5, s4;
	s7 =	sand.u32 $0x1FE0000, s5  }
0x25: {  	s8 =	sshrl.u32 s16, $0x7;
	s0 =	sor.u32 s1, s0;
	s1 =	sand.u32 $0x380, s15  }
0x26: {  	s15 =	sadd.s32 $0x5800, s2;
	[smem:$0x7D2] =	sst s0;
	s0 =	ssub.s32 s13, s14  }
0x27: {  	s9 =	sand.u32 $0x3E0000, s15;
	s10 =	sshll.u32 s15, $0x3;
	s13 =	sshrl.u32 s15, $0x7  }
0x28: {  	s14 =	sand.u32 $0x3E0000, s17;
	s0 =	sor.u32 s1, s0;
	s1 =	sand.u32 $0x380, s20  }
0x29: {  	s11 =	sadd.s32 s10, s9;
	s12 =	sand.u32 $0x1FE0000, s10;
	[smem:$0x7D3] =	sst s0  }
0x2a: {  	s0 =	ssub.s32 s18, s19;
	s18 =	sadd.s32 $0x4800, s2;
	s19 =	sshll.u32 s17, $0x3  }
0x2b: {  	s21 =	sand.u32 $0x3E0000, s18;
	s23 =	sshll.u32 s18, $0x3;
	s0 =	sor.u32 s1, s0  }
0x2c: {  	s3 =	sshrl.u32 s18, $0x7;
	s20 =	sadd.s32 s19, s14;
	[smem:$0x7D4] =	sst s0  }
0x2d: {  	s25 =	sadd.s32 s23, s21;
	s26 =	sand.u32 $0x1FE0000, s23;
	s1 =	sand.u32 $0x380, s3  }
0x2e: {  	s21 =	sand.u32 $0x1FE0000, s19;
	s19 =	sadd.s32 $0x6800, s2;
	s0 =	ssub.s32 s25, s26  }
0x2f: {  	s23 =	sshrl.u32 s17, $0x7;
	s25 =	sand.u32 $0x3E0000, s19;
	s0 =	sor.u32 s1, s0  }
0x30: {  	s1 =	sand.u32 $0x380, s8;
	[smem:$0x7D5] =	sst s0;
	s0 =	ssub.s32 s6, s7  }
0x31: {  	s26 =	sshll.u32 s19, $0x3;
	s4 =	sshrl.u32 s19, $0x7;
	s0 =	sor.u32 s1, s0  }
0x32: {  	s1 =	sand.u32 $0x380, s13;
	[smem:$0x7D6] =	sst s0;
	s0 =	ssub.s32 s11, s12  }
0x33: {  	s3 =	sand.u32 $0x1FE0000, s26;
	s0 =	sor.u32 s1, s0;
	s1 =	sand.u32 $0x380, s23  }
0x34: {  	s23 =	sadd.s32 $0x7800, s2;
	[smem:$0x7D7] =	sst s0;
	s0 =	ssub.s32 s20, s21  }
0x35: {  	s21 =	sadd.s32 $0x7000, s2;
	s10 =	sand.u32 $0x3E0000, s23;
	s11 =	sshll.u32 s23, $0x3  }
0x36: {  	s14 =	sshrl.u32 s23, $0x7;
	s0 =	sor.u32 s1, s0;
	s1 =	sadd.s32 s26, s25  }
0x37: {  	s5 =	sand.u32 $0x3E0000, s21;
	s6 =	sshll.u32 s21, $0x3;
	s9 =	sshrl.u32 s21, $0x7  }
0x38: {  	s12 =	sadd.s32 s11, s10;
	s13 =	sand.u32 $0x1FE0000, s11;
	s25 =	sadd.s32 $0x8000, s2  }
0x39: {  	s10 =	sand.u32 $0x3E0000, s30;
	s11 =	sshll.u32 s30, $0x3;
	[smem:$0x7D8] =	sst s0  }
0x3a: {  	s0 =	ssub.s32 s1, s3;
	s1 =	sand.u32 $0x380, s4;
	s7 =	sadd.s32 s6, s5  }
0x3b: {  	s8 =	sand.u32 $0x1FE0000, s6;
	s20 =	sand.u32 $0x3E0000, s25;
	s26 =	sshll.u32 s25, $0x3  }
0x3c: {  	s4 =	sshrl.u32 s25, $0x7;
	s5 =	sand.u32 $0x3E0000, s28;
	s6 =	sshll.u32 s28, $0x3  }
0x3d: {  	s0 =	sor.u32 s1, s0;
	s1 =	sand.u32 $0x380, s9;
	s3 =	sand.u32 $0x1FE0000, s26  }
0x3e: {  	s9 =	sshrl.u32 s28, $0x7;
	[smem:$0x7D9] =	sst s0;
	s0 =	ssub.s32 s7, s8  }
0x3f: {  	s7 =	sadd.s32 s6, s5;
	s8 =	sand.u32 $0x1FE0000, s6;
	s0 =	sor.u32 s1, s0  }
0x40: {  	s1 =	sand.u32 $0x380, s14;
	s14 =	sshrl.u32 s30, $0x7;
	[smem:$0x7DA] =	sst s0  }
0x41: {  	s0 =	ssub.s32 s12, s13;
	s12 =	sadd.s32 s11, s10;
	s13 =	sand.u32 $0x1FE0000, s11  }
0x42: {  	s11 =	sadd.s32 $0x9800, s2;
	s10 =	sadd.s32 $0xA000, s2;
	s0 =	sor.u32 s1, s0  }
0x43: {  	s1 =	sadd.s32 s26, s20;
	s20 =	sand.u32 $0x3E0000, s11;
	s26 =	sshll.u32 s11, $0x3  }
0x44: {  	[smem:$0x7DB] =	sst s0;
	s0 =	ssub.s32 s1, s3;
	s1 =	sand.u32 $0x380, s4  }
0x45: {  	s6 =	sshrl.u32 s11, $0x7;
	s3 =	sadd.s32 s26, s20;
	s0 =	sor.u32 s1, s0  }
0x46: {  	s5 =	sand.u32 $0x1FE0000, s26;
	s1 =	sand.u32 $0x380, s9;
	[smem:$0x7DC] =	sst s0  }
0x47: {  	s0 =	ssub.s32 s7, s8;
	s7 =	sand.u32 $0x3E0000, s10;
	s8 =	sshll.u32 s10, $0x3  }
0x48: {  	s0 =	sor.u32 s1, s0;
	s1 =	sand.u32 $0x380, s14;
	s9 =	sadd.s32 s8, s7  }
0x49: {  	[smem:$0x7DD] =	sst s0;
	s0 =	ssub.s32 s12, s13;
	s12 =	sand.u32 $0x1FE0000, s8  }
0x4a: {  	s13 =	sshrl.u32 s10, $0x7;
	s8 =	sadd.s32 $0xB000, s2;
	s0 =	sor.u32 s1, s0  }
0x4b: {  	s1 =	sand.u32 $0x380, s6;
	[smem:$0x7DE] =	sst s0;
	s0 =	ssub.s32 s3, s5  }
0x4c: {  	s6 =	sand.u32 $0x3E0000, s8;
	s26 =	sor.u32 s1, s0;
	s0 =	ssub.s32 s9, s12  }
0x4d: {  	s9 =	sadd.s32 $0xA800, s2;
	s1 =	sand.u32 $0x380, s13;
	s12 =	sshll.u32 s8, $0x3  }
0x4e: {  	s14 =	sand.u32 $0x3E0000, s9;
	s7 =	sshll.u32 s9, $0x3;
	s20 =	sor.u32 s1, s0  }
0x4f: {  	s5 =	sshrl.u32 s9, $0x7;
	s13 =	sadd.s32 s12, s6;
	s3 =	sadd.s32 s7, s14  }
0x50: {  	s4 =	sand.u32 $0x1FE0000, s7;
	s1 =	sand.u32 $0x380, s5;
	s5 =	sshrl.u32 s8, $0x7  }
0x51: {  	s0 =	sand.u32 $0x1FE0000, s12;
	s7 =	ssub.s32 s3, s4;
	s3 =	sand.u32 $0x380, s5  }
0x52: {  	s14 =	sor.u32 s1, s7;
	s1 =	ssub.s32 s13, s0;
	s7 =	sadd.s32 $0xB800, s2  }
0x53: {  	s6 =	sand.u32 $0x3E0000, s7;
	s12 =	sshll.u32 s7, $0x3;
	s13 =	sor.u32 s3, s1  }
0x54: {  	s1 =	sadd.s32 s12, s6;
	s0 =	sand.u32 $0x1FE0000, s12;
	s12 =	sshrl.u32 s7, $0x7  }
0x55: {  	s6 =	sadd.s32 $0xC000, s2;
	s1 =	ssub.s32 s1, s0;
	s4 =	sand.u32 $0x380, s12  }
0x56: {  	s0 =	sand.u32 $0x3E0000, s6;
	s5 =	sshll.u32 s6, $0x3;
	s12 =	sor.u32 s4, s1  }
0x57: {  	s1 =	sadd.s32 s5, s0;
	s0 =	sand.u32 $0x1FE0000, s5;
	s5 =	sld [smem:$0x7CC]  }
0x58: {  	_ = 	snop  }
0x59: {  	s4 =	sshrl.u32 s6, $0x7;
	s3 =	ssub.s32 s1, s0;
	s1 =	sld [smem:$0x7CD]  }
0x5a: {  	s4 =	sand.u32 $0x380, s4;
	s0 =	rddreg [dreg:$0x0];
	s5 =	sshrl.u32 s5, $0x3  }
0x5b: {  	s3 =	sor.u32 s4, s3;
	s4 =	sld [smem:$0x7CE];
	s5 =	sadd.s32 s0, s5  }
0x5c: {  	[dreg:$0x5] =	wrdreg s5  }
0x5d: {  	s1 =	sshrl.u32 s1, $0x3;
	s5 =	sld [smem:$0x7CF]  }
0x5e: {  	s1 =	sadd.s32 s0, s1  }
0x5f: {  	[dreg:$0x6] =	wrdreg s1  }
0x60: {  	s1 =	sshrl.u32 s4, $0x3;
	s4 =	sshrl.u32 s5, $0x3;
	s5 =	sld [smem:$0x7D0]  }
0x61: {  	_ = 	snop  }
0x62: {  	s4 =	sadd.s32 s0, s4  }
0x63: {  	[dreg:$0x8] =	wrdreg s4;
	s5 =	sshrl.u32 s5, $0x3  }
0x64: {  	s4 =	sld [smem:$0x7D1];
	s5 =	sadd.s32 s0, s5  }
0x65: {  	[dreg:$0x9] =	wrdreg s5  }
0x66: {  	s5 =	sld [smem:$0x7D2]  }
0x67: {  	s1 =	sadd.s32 s0, s1  }
0x68: {  	[dreg:$0x7] =	wrdreg s1  }
0x69: {  	s1 =	sshrl.u32 s4, $0x3;
	s4 =	sshrl.u32 s5, $0x3;
	s5 =	sld [smem:$0x7D3]  }
0x6a: {  	_ = 	snop  }
0x6b: {  	s4 =	sadd.s32 s0, s4  }
0x6c: {  	[dreg:$0xb] =	wrdreg s4;
	s5 =	sshrl.u32 s5, $0x3  }
0x6d: {  	s4 =	sld [smem:$0x7D4];
	s5 =	sadd.s32 s0, s5  }
0x6e: {  	[dreg:$0xc] =	wrdreg s5  }
0x6f: {  	s5 =	sld [smem:$0x7D5]  }
0x70: {  	s1 =	sadd.s32 s0, s1  }
0x71: {  	[dreg:$0xa] =	wrdreg s1  }
0x72: {  	s1 =	sshrl.u32 s4, $0x3;
	s4 =	sshrl.u32 s5, $0x3;
	s5 =	sld [smem:$0x7D6]  }
0x73: {  	_ = 	snop  }
0x74: {  	s4 =	sadd.s32 s0, s4  }
0x75: {  	[dreg:$0xe] =	wrdreg s4;
	s5 =	sshrl.u32 s5, $0x3  }
0x76: {  	s4 =	sld [smem:$0x7D7];
	s5 =	sadd.s32 s0, s5  }
0x77: {  	[dreg:$0xf] =	wrdreg s5  }
0x78: {  	s5 =	sld [smem:$0x7D8]  }
0x79: {  	s1 =	sadd.s32 s0, s1  }
0x7a: {  	[dreg:$0xd] =	wrdreg s1  }
0x7b: {  	s1 =	sshrl.u32 s4, $0x3;
	s4 =	sshrl.u32 s5, $0x3;
	s5 =	sld [smem:$0x7D9]  }
0x7c: {  	_ = 	snop  }
0x7d: {  	s4 =	sadd.s32 s0, s4  }
0x7e: {  	[dreg:$0x11] =	wrdreg s4;
	s5 =	sshrl.u32 s5, $0x3  }
0x7f: {  	s4 =	sld [smem:$0x7DA];
	s5 =	sadd.s32 s0, s5  }
0x80: {  	[dreg:$0x12] =	wrdreg s5  }
0x81: {  	s5 =	sld [smem:$0x7DB]  }
0x82: {  	s1 =	sadd.s32 s0, s1  }
0x83: {  	[dreg:$0x10] =	wrdreg s1  }
0x84: {  	s1 =	sshrl.u32 s4, $0x3;
	s4 =	sshrl.u32 s5, $0x3;
	s5 =	sld [smem:$0x7DC]  }
0x85: {  	_ = 	snop  }
0x86: {  	s4 =	sadd.s32 s0, s4  }
0x87: {  	[dreg:$0x14] =	wrdreg s4;
	s5 =	sshrl.u32 s5, $0x3  }
0x88: {  	s4 =	sld [smem:$0x7DD];
	s5 =	sadd.s32 s0, s5  }
0x89: {  	[dreg:$0x15] =	wrdreg s5  }
0x8a: {  	s5 =	sld [smem:$0x7DE]  }
0x8b: {  	s1 =	sadd.s32 s0, s1  }
0x8c: {  	[dreg:$0x13] =	wrdreg s1;
	s1 =	sshrl.u32 s4, $0x3  }
0x8d: {  	s1 =	sadd.s32 s0, s1;
	s4 =	sshrl.u32 s5, $0x3  }
0x8e: {  	[dreg:$0x16] =	wrdreg s1;
	s5 =	sshrl.u32 s26, $0x3;
	s26 =	sadd.s32 s0, s4  }
0x8f: {  	s4 =	sadd.s32 s0, s5;
	s5 =	sshrl.u32 s20, $0x3;
	[dreg:$0x17] =	wrdreg s26  }
0x90: {  	s20 =	sshrl.u32 s14, $0x3;
	[dreg:$0x18] =	wrdreg s4;
	s26 =	sshrl.u32 s13, $0x3  }
0x91: {  	s13 =	sadd.s32 s0, s20;
	s20 =	sshrl.u32 s12, $0x3;
	s12 =	sld [smem:$0x7DF]  }
0x92: {  	s1 =	sadd.s32 s0, s5;
	s5 =	sshrl.u32 s2, $0x3;
	s2 =	rddreg [dreg:$0x2]  }
0x93: {  	[dreg:$0x19] =	wrdreg s1  }
0x94: {  	[dreg:$0x1a] =	wrdreg s13  }
0x95: {  	s14 =	sadd.s32 s0, s26;
	s1 =	sadd.s32 s0, s20;
	s20 =	sld [smem:$0x7E2]  }
0x96: {  	s3 =	sshrl.u32 s3, $0x3;
	[dreg:$0x1b] =	wrdreg s14  }
0x97: {  	s0 =	sadd.s32 s0, s3;
	[dreg:$0x1c] =	wrdreg s1  }
0x98: {  	s26 =	simm.s32 $0x0;
	[dreg:$0x1d] =	wrdreg s0  }
0x99: {  	s4 =	sshrl.u32 s29, $0x3;
	s29 =	simm.s32 $0x12;
	[smem:$0x7FF] =	sst s26  }
0x9a: {  	s3 =	sshrl.u32 s31, $0x3;
	s31 =	simm.s32 $0x0;
	s14 =	sld [smem:$0x7E0]  }
0x9b: {  	s0 =	sadd.s32 s2, s5;
	s26 =	sld [smem:$0x7E3];
	s5 =	sshrl.u32 s24, $0x3  }
0x9c: {  	s24 =	sshrl.u32 s17, $0x3;
	s1 =	sshrl.u32 s12, $0x3;
	[dreg:$0x1e] =	wrdreg s0  }
0x9d: {  	s12 =	sadd.s32 s2, s5;
	s5 =	sshrl.u32 s23, $0x3;
	s23 =	sshrl.u32 s6, $0x3  }
0x9e: {  	s13 =	sadd.s32 s2, s1;
	[smem:$0x7E8] =	sst s12;
	s12 =	sshrl.u32 s25, $0x3  }
0x9f: {  	[dreg:$0x1f] =	wrdreg s13;
	s0 =	sshrl.u32 s14, $0x3;
	s1 =	sshrl.u32 s26, $0x3  }
0xa0: {  	s14 =	sshrl.u32 s18, $0x3;
	s18 =	sshrl.u32 s16, $0x3;
	s0 =	sadd.s32 s2, s0  }
0xa1: {  	s16 =	sshrl.u32 s11, $0x3;
	s1 =	sadd.s32 s2, s1;
	[smem:$0x7E1] =	sst s0  }
0xa2: {  	s13 =	sshrl.u32 s22, $0x3;
	s17 =	sadd.s32 s2, s16;
	[smem:$0x7E5] =	sst s1  }
0xa3: {  	s0 =	sshrl.u32 s20, $0x3;
	s20 =	sadd.s32 s2, s18;
	[smem:$0x7F4] =	sst s17  }
0xa4: {  	s22 =	sshrl.u32 s15, $0x3;
	s0 =	sadd.s32 s2, s0;
	[smem:$0x7EB] =	sst s20  }
0xa5: {  	s26 =	sshrl.u32 s19, $0x3;
	[smem:$0x7E4] =	sst s0;
	s0 =	sadd.s32 s2, s3  }
0xa6: {  	s15 =	sshrl.u32 s30, $0x3;
	s3 =	sadd.s32 s2, s26;
	[smem:$0x7E6] =	sst s0  }
0xa7: {  	s20 =	sshrl.u32 s8, $0x3;
	s0 =	sadd.s32 s2, s4;
	[smem:$0x7EE] =	sst s3  }
0xa8: {  	s4 =	sshrl.u32 s21, $0x3;
	s21 =	sadd.s32 s2, s20;
	[smem:$0x7E7] =	sst s0  }
0xa9: {  	s19 =	sshrl.u32 s9, $0x3;
	s0 =	sadd.s32 s2, s13;
	[smem:$0x7F7] =	sst s21  }
0xaa: {  	s9 =	simm.s32 $0xB;
	s13 =	sadd.s32 s2, s12;
	[smem:$0x7E9] =	sst s0  }
0xab: {  	s11 =	simm.s32 $0x1;
	s0 =	sadd.s32 s2, s14;
	[smem:$0x7F1] =	sst s13  }
0xac: {  	s30 =	simm.s32 $0x0;
	[smem:$0x7EA] =	sst s0;
	s0 =	sadd.s32 s2, s22  }
0xad: {  	s16 =	simm.s32 $0x3;
	[smem:$0x7EC] =	sst s0;
	s0 =	sadd.s32 s2, s24  }
0xae: {  	s18 =	sshrl.u32 s10, $0x3;
	s24 =	sadd.s32 s2, s23;
	[smem:$0x7ED] =	sst s0  }
0xaf: {  	s1 =	simm.s32 $0x7;
	s0 =	sadd.s32 s2, s4;
	[smem:$0x7F9] =	sst s24  }
0xb0: {  	s14 =	sshrl.u32 s28, $0x3;
	[smem:$0x7EF] =	sst s0;
	s0 =	sadd.s32 s2, s5  }
0xb1: {  	s17 =	simm.s32 $0xE;
	[smem:$0x7F0] =	sst s0;
	s0 =	sadd.s32 s2, s14  }
0xb2: {  	s8 =	simm.s32 $0x4000;
	[smem:$0x7F2] =	sst s0;
	s0 =	sadd.s32 s2, s15  }
0xb3: {  	s3 =	simm.s32 $0x4800;
	[smem:$0x7F3] =	sst s0;
	s0 =	sadd.s32 s2, s18  }
0xb4: {  	s22 =	sshrl.u32 s7, $0x3;
	[smem:$0x7F5] =	sst s0;
	s0 =	sadd.s32 s2, s19  }
0xb5: {  	s20 =	simm.s32 $0xF;
	[smem:$0x7F6] =	sst s0;
	s0 =	sadd.s32 s2, s22  }
0xb6: {  	s12 =	simm.s32 $0xC;
	s21 =	simm.s32 $0x5;
	[smem:$0x7F8] =	sst s0  }
0xb7: {  	s28 =	simm.s32 $0x800;
	s19 =	rddreg [dreg:$0x1];
	_ =	strace $0x80000047  }
0xb8: {  	s13 =	simm.s32 $0x3800;
	s7 =	simm.s32 $0x5800;
	s25 =	sld [smem:$0x7FA]  }
0xb9: {  	s23 =	simm.s32 $0x6;
	s24 =	simm.s32 $0x11;
	s26 =	sld [smem:$0x7FC]  }
0xba: {  	s5 =	simm.s32 $0x5000;
	s14 =	simm.s32 $0x2;
	s15 =	simm.s32 $0xD  }
0xbb: {  	s18 =	simm.s32 $0x4;
	s2 =	simm.s32 $0x3000;
	s0 =	sadd.s32 $0xC00, s25  }
0xbc: {  	s22 =	simm.s32 $0x10;
	[smem:$0x7FB] =	sst s0;
	s0 =	smax.u32 s26, $0x1  }
0xbd: {  	s25 =	simm.s32 $0x80;
	s26 =	simm.s32 $0x400;
	[smem:$0x7FD] =	sst s0  }
.LBB2_1:
0xbe: {  	s0 =	rddreg [dreg:$0x5]  }
0xbf: {  	[tilespmem:s31], [sflag:$0x7] =	stream.strided.gather [hbm4b:s0+s25], $0x800, s26, s25, $0x38;
	[tilespmem:$0x6080] =	vst v63  }
0xc0: {  	s6 =	rddreg [dreg:$0x6]  }
0xc1: {  	[tilespmem:s28], [sflag:$0x8] =	stream.strided.gather [hbm4b:s6+s25], $0x800, s26, s25, $0x38;
	[tilespmem:$0x6080] =	vst v63  }
0xc2: {  	s10 =	rddreg [dreg:$0x7];
	s6 =	simm.s32 $0x1000  }
0xc3: {  	[tilespmem:s6], [sflag:$0x9] =	stream.strided.gather [hbm4b:s10+s25], $0x800, s26, s25, $0x38;
	[tilespmem:$0x6080] =	vst v63  }
0xc4: {  	s4 =	simm.s32 $0x1800;
	s10 =	rddreg [dreg:$0x8]  }
0xc5: {  	[tilespmem:s4], [sflag:$0xA] =	stream.strided.gather [hbm4b:s10+s25], $0x800, s26, s25, $0x38;
	[tilespmem:$0x6080] =	vst v63  }
0xc6: {  	s0 =	rddreg [dreg:$0x9];
	s10 =	simm.s32 $0x2000  }
0xc7: {  	[tilespmem:s10], [sflag:$0xB] =	stream.strided.gather [hbm4b:s0+s25], $0x800, s26, s25, $0x38;
	[tilespmem:$0x6080] =	vst v63  }
0xc8: {  	s4 =	simm.s32 $0x2800;
	s0 =	rddreg [dreg:$0xa]  }
0xc9: {  	[tilespmem:s4], [sflag:$0xC] =	stream.strided.gather [hbm4b:s0+s25], $0x800, s26, s25, $0x38;
	[tilespmem:$0x6080] =	vst v63  }
0xca: {  	_ =	swait.ge [sflag:s1], $0x800  }
0xcb: {  	[sflag:s1] =	ssyncset.done $0x0  }
0xcc: {  	s4 =	simm.s32 $0x8;
	[sflag:s1] =	ssyncadd.s32 $0xFFFFF800  }
0xcd: {  	[tilespmem:s2], [sflag:$0x1] =	stream.indirect.gather [hbm4b:s19+s28], $0x1, s31, s28, $0xb8;
	[tilespmem:$0x6080] =	vst v63  }
0xce: {  	_ =	swait.ge [sflag:s4], $0x800  }
0xcf: {  	[sflag:s4] =	ssyncset.done $0x0  }
0xd0: {  	[sflag:s4] =	ssyncadd.s32 $0xFFFFF800;
	s4 =	simm.s32 $0x9  }
0xd1: {  	[tilespmem:s13], [sflag:$0x2] =	stream.indirect.gather [hbm4b:s19+s28], $0x1, s28, s28, $0xb8;
	[tilespmem:$0x6080] =	vst v63  }
0xd2: {  	_ =	swait.ge [sflag:s4], $0x800  }
0xd3: {  	[sflag:s4] =	ssyncset.done $0x0  }
0xd4: {  	[sflag:s4] =	ssyncadd.s32 $0xFFFFF800  }
0xd5: {  	[tilespmem:s8], [sflag:$0x3] =	stream.indirect.gather [hbm4b:s19+s28], $0x1, s6, s28, $0xb8;
	[tilespmem:$0x6080] =	vst v63  }
0xd6: {  	s8 =	simm.s32 $0xA  }
0xd7: {  	_ =	swait.ge [sflag:s8], $0x800  }
0xd8: {  	[sflag:s8] =	ssyncset.done $0x0  }
0xd9: {  	s6 =	simm.s32 $0x1800;
	[sflag:s8] =	ssyncadd.s32 $0xFFFFF800  }
0xda: {  	[tilespmem:s3], [sflag:$0x4] =	stream.indirect.gather [hbm4b:s19+s28], $0x1, s6, s28, $0xb8;
	[tilespmem:$0x6080] =	vst v63  }
0xdb: {  	_ =	swait.ge [sflag:s9], $0x800  }
0xdc: {  	[sflag:s9] =	ssyncset.done $0x0  }
0xdd: {  	[sflag:s9] =	ssyncadd.s32 $0xFFFFF800  }
0xde: {  	[tilespmem:s5], [sflag:$0x5] =	stream.indirect.gather [hbm4b:s19+s28], $0x1, s10, s28, $0xb8;
	[tilespmem:$0x6080] =	vst v63  }
0xdf: {  	_ =	swait.ge [sflag:s11], $0x800  }
0xe0: {  	[sflag:s11] =	ssyncset.done $0x0  }
0xe1: {  	[sflag:s11] =	ssyncadd.s32 $0xFFFFF800  }
0xe2: {  	_ =	swait.ge [sflag:s12], $0x800  }
0xe3: {  	[sflag:s12] =	ssyncset.done $0x0  }
0xe4: {  	s10 =	simm.s32 $0x2800;
	[sflag:s12] =	ssyncadd.s32 $0xFFFFF800  }
0xe5: {  	[tilespmem:s7], [sflag:$0x6] =	stream.indirect.gather [hbm4b:s19+s28], $0x1, s10, s28, $0xb8;
	[tilespmem:$0x6080] =	vst v63  }
0xe6: {  	s13 =	rddreg [dreg:$0xb]  }
0xe7: {  	[tilespmem:s31], [sflag:$0x7] =	stream.strided.gather [hbm4b:s13+s25], $0x800, s26, s25, $0x38;
	[tilespmem:$0x6080] =	vst v63  }
0xe8: {  	s31 =	simm.s32 $0x0  }
0xe9: {  	v0 =	vimm.f32 $0.0e+00;
	s4 =	simm.s32 $0x1000;
	v1 =	vld [tilespmem:s31+$0x3000];
	s31 =	simm.s32 $0x40  }
.LBB2_2:
0xea: {  	p0 =	sne.s32 s31, $0x1FC0  }
.Ltmp0:
0xeb: {  	_ = 	snop;
	(pc) =	sbr.rel @p0 .LBB2_2-.Ltmp0, $3  }
0xec: {  	_ =	sdelay $0x1  }
0xed: {  	s0 =	sshra.s32 s31, $0x2;
	s31 =	sadd.s32 $0x40, s31;
	v2 =	vmax.f32 v1, $0.0e+00  }
0xee: {  	v1 =	vld [tilespmem:s0+$0x3000];
	v0 =	vadd.f32 v2, v0  }
0xef: {  	s0 =	simm.s32 $0x0;
	s31 =	rddreg [dreg:$0x1e]  }
0xf0: {  	[hbm4b:s31+s0] =	stream.linear.scatter [tilespmem:s2], [sflag:$0xD], $0x800, $0x38;
	[tilespmem:$0x6080] =	vst v63  }
0xf1: {  	_ =	swait.ge [sflag:s14], $0x800  }
0xf2: {  	[sflag:s14] =	ssyncset.done $0x0  }
0xf3: {  	[sflag:s14] =	ssyncadd.s32 $0xFFFFF800  }
0xf4: {  	_ =	swait.ge [sflag:s1], $0x800  }
0xf5: {  	[sflag:s1] =	ssyncset.done $0x0  }
0xf6: {  	[sflag:s1] =	ssyncadd.s32 $0xFFFFF800  }
0xf7: {  	_ =	swait.ge [sflag:s15], $0x800  }
0xf8: {  	[sflag:s15] =	ssyncset.done $0x0  }
0xf9: {  	[sflag:s15] =	ssyncadd.s32 $0xFFFFF800  }
0xfa: {  	[tilespmem:s2], [sflag:$0x1] =	stream.indirect.gather [hbm4b:s19+s28], $0x1, s0, s28, $0xb8;
	[tilespmem:$0x6080] =	vst v63  }
0xfb: {  	s13 =	simm.s32 $0x0;
	s8 =	rddreg [dreg:$0xc]  }
0xfc: {  	v1 =	vmax.f32 v1, $0.0e+00;
	[tilespmem:s28], [sflag:$0x8] =	stream.strided.gather [hbm4b:s8+s25], $0x800, s26, s25, $0x38;
	[tilespmem:$0x6080] =	vst v63  }
0xfd: {  	s31 =	simm.s32 $0x40;
	v0 =	vadd.f32 v1, v0;
	v1 =	vld [tilespmem:s13+$0x3800]  }
.LBB2_4:
0xfe: {  	p0 =	sne.s32 s31, $0x1FC0  }
.Ltmp1:
0xff: {  	_ = 	snop;
	(pc) =	sbr.rel @p0 .LBB2_4-.Ltmp1, $3  }
0x100: {  	_ =	sdelay $0x1  }
0x101: {  	s0 =	sshra.s32 s31, $0x2;
	s31 =	sadd.s32 $0x40, s31;
	v2 =	vmax.f32 v1, $0.0e+00  }
0x102: {  	v1 =	vld [tilespmem:s0+$0x3800];
	v0 =	vadd.f32 v2, v0  }
0x103: {  	s0 =	simm.s32 $0x0;
	s31 =	rddreg [dreg:$0x1f];
	s13 =	simm.s32 $0x3800  }
0x104: {  	[hbm4b:s31+s0] =	stream.linear.scatter [tilespmem:s13], [sflag:$0xE], $0x800, $0x38;
	[tilespmem:$0x6080] =	vst v63  }
0x105: {  	_ =	swait.ge [sflag:s16], $0x800  }
0x106: {  	[sflag:s16] =	ssyncset.done $0x0  }
0x107: {  	s7 =	simm.s32 $0x8;
	[sflag:s16] =	ssyncadd.s32 $0xFFFFF800  }
0x108: {  	_ =	swait.ge [sflag:s7], $0x800  }
0x109: {  	[sflag:s7] =	ssyncset.done $0x0  }
0x10a: {  	[sflag:s7] =	ssyncadd.s32 $0xFFFFF800  }
0x10b: {  	_ =	swait.ge [sflag:s17], $0x800  }
0x10c: {  	[sflag:s17] =	ssyncset.done $0x0  }
0x10d: {  	[sflag:s17] =	ssyncadd.s32 $0xFFFFF800  }
0x10e: {  	[tilespmem:s13], [sflag:$0x2] =	stream.indirect.gather [hbm4b:s19+s28], $0x1, s28, s28, $0xb8;
	[tilespmem:$0x6080] =	vst v63  }
0x10f: {  	s8 =	rddreg [dreg:$0xd];
	s13 =	simm.s32 $0x0  }
0x110: {  	v1 =	vmax.f32 v1, $0.0e+00;
	[tilespmem:s4], [sflag:$0x9] =	stream.strided.gather [hbm4b:s8+s25], $0x800, s26, s25, $0x38;
	[tilespmem:$0x6080] =	vst v63  }
0x111: {  	s31 =	simm.s32 $0x40;
	v0 =	vadd.f32 v1, v0;
	v1 =	vld [tilespmem:s13+$0x4000]  }
.LBB2_6:
0x112: {  	p0 =	sne.s32 s31, $0x1FC0  }
.Ltmp2:
0x113: {  	_ = 	snop;
	(pc) =	sbr.rel @p0 .LBB2_6-.Ltmp2, $3  }
0x114: {  	_ =	sdelay $0x1  }
0x115: {  	s0 =	sshra.s32 s31, $0x2;
	s31 =	sadd.s32 $0x40, s31;
	v2 =	vmax.f32 v1, $0.0e+00  }
0x116: {  	v1 =	vld [tilespmem:s0+$0x4000];
	v0 =	vadd.f32 v2, v0  }
0x117: {  	s31 =	sld [smem:$0x7E1];
	_ =	sdelay $0x1  }
0x118: {  	s0 =	simm.s32 $0x0;
	s8 =	simm.s32 $0x4000  }
0x119: {  	[hbm4b:s31+s0] =	stream.linear.scatter [tilespmem:s8], [sflag:$0xF], $0x800, $0x38;
	[tilespmem:$0x6080] =	vst v63  }
0x11a: {  	_ =	swait.ge [sflag:s18], $0x800  }
0x11b: {  	[sflag:s18] =	ssyncset.done $0x0  }
0x11c: {  	s7 =	simm.s32 $0x9;
	[sflag:s18] =	ssyncadd.s32 $0xFFFFF800  }
0x11d: {  	_ =	swait.ge [sflag:s7], $0x800  }
0x11e: {  	[sflag:s7] =	ssyncset.done $0x0  }
0x11f: {  	[sflag:s7] =	ssyncadd.s32 $0xFFFFF800  }
0x120: {  	_ =	swait.ge [sflag:s20], $0x800  }
0x121: {  	[sflag:s20] =	ssyncset.done $0x0  }
0x122: {  	[sflag:s20] =	ssyncadd.s32 $0xFFFFF800  }
0x123: {  	[tilespmem:s8], [sflag:$0x3] =	stream.indirect.gather [hbm4b:s19+s28], $0x1, s4, s28, $0xb8;
	[tilespmem:$0x6080] =	vst v63  }
0x124: {  	s13 =	simm.s32 $0x0;
	s8 =	rddreg [dreg:$0xe]  }
0x125: {  	v1 =	vmax.f32 v1, $0.0e+00;
	[tilespmem:s6], [sflag:$0xA] =	stream.strided.gather [hbm4b:s8+s25], $0x800, s26, s25, $0x38;
	[tilespmem:$0x6080] =	vst v63  }
0x126: {  	s31 =	simm.s32 $0x40;
	v0 =	vadd.f32 v1, v0;
	v1 =	vld [tilespmem:s13+$0x4800]  }
.LBB2_8:
0x127: {  	p0 =	sne.s32 s31, $0x1FC0  }
.Ltmp3:
0x128: {  	_ = 	snop;
	(pc) =	sbr.rel @p0 .LBB2_8-.Ltmp3, $3  }
0x129: {  	_ =	sdelay $0x1  }
0x12a: {  	s0 =	sshra.s32 s31, $0x2;
	s31 =	sadd.s32 $0x40, s31;
	v2 =	vmax.f32 v1, $0.0e+00  }
0x12b: {  	v1 =	vld [tilespmem:s0+$0x4800];
	v0 =	vadd.f32 v2, v0  }
0x12c: {  	s31 =	sld [smem:$0x7E4];
	_ =	sdelay $0x1  }
0x12d: {  	s0 =	simm.s32 $0x0;
	s3 =	simm.s32 $0x4800  }
0x12e: {  	[hbm4b:s31+s0] =	stream.linear.scatter [tilespmem:s3], [sflag:$0x10], $0x800, $0x38;
	[tilespmem:$0x6080] =	vst v63  }
0x12f: {  	_ =	swait.ge [sflag:s21], $0x800  }
0x130: {  	[sflag:s21] =	ssyncset.done $0x0  }
0x131: {  	s5 =	simm.s32 $0xA;
	[sflag:s21] =	ssyncadd.s32 $0xFFFFF800  }
0x132: {  	_ =	swait.ge [sflag:s5], $0x800  }
0x133: {  	[sflag:s5] =	ssyncset.done $0x0  }
0x134: {  	[sflag:s5] =	ssyncadd.s32 $0xFFFFF800  }
0x135: {  	_ =	swait.ge [sflag:s22], $0x800  }
0x136: {  	[sflag:s22] =	ssyncset.done $0x0  }
0x137: {  	[sflag:s22] =	ssyncadd.s32 $0xFFFFF800  }
0x138: {  	[tilespmem:s3], [sflag:$0x4] =	stream.indirect.gather [hbm4b:s19+s28], $0x1, s6, s28, $0xb8;
	[tilespmem:$0x6080] =	vst v63  }
0x139: {  	s8 =	simm.s32 $0x2000;
	s13 =	simm.s32 $0x0;
	s7 =	rddreg [dreg:$0xf]  }
0x13a: {  	v1 =	vmax.f32 v1, $0.0e+00;
	[tilespmem:s8], [sflag:$0xB] =	stream.strided.gather [hbm4b:s7+s25], $0x800, s26, s25, $0x38;
	[tilespmem:$0x6080] =	vst v63  }
0x13b: {  	s31 =	simm.s32 $0x40;
	v0 =	vadd.f32 v1, v0;
	v1 =	vld [tilespmem:s13+$0x5000]  }
.LBB2_10:
0x13c: {  	p0 =	sne.s32 s31, $0x1FC0  }
.Ltmp4:
0x13d: {  	_ = 	snop;
	(pc) =	sbr.rel @p0 .LBB2_10-.Ltmp4, $3  }
0x13e: {  	_ =	sdelay $0x1  }
0x13f: {  	s0 =	sshra.s32 s31, $0x2;
	s31 =	sadd.s32 $0x40, s31;
	v2 =	vmax.f32 v1, $0.0e+00  }
0x140: {  	v1 =	vld [tilespmem:s0+$0x5000];
	v0 =	vadd.f32 v2, v0  }
0x141: {  	s31 =	sld [smem:$0x7E5];
	_ =	sdelay $0x1  }
0x142: {  	s0 =	simm.s32 $0x0;
	s3 =	simm.s32 $0x5000  }
0x143: {  	[hbm4b:s31+s0] =	stream.linear.scatter [tilespmem:s3], [sflag:$0x11], $0x800, $0x38;
	[tilespmem:$0x6080] =	vst v63  }
0x144: {  	_ =	swait.ge [sflag:s23], $0x800  }
0x145: {  	[sflag:s23] =	ssyncset.done $0x0  }
0x146: {  	[sflag:s23] =	ssyncadd.s32 $0xFFFFF800  }
0x147: {  	_ =	swait.ge [sflag:s9], $0x800  }
0x148: {  	[sflag:s9] =	ssyncset.done $0x0  }
0x149: {  	[sflag:s9] =	ssyncadd.s32 $0xFFFFF800  }
0x14a: {  	_ =	swait.ge [sflag:s24], $0x800  }
0x14b: {  	[sflag:s24] =	ssyncset.done $0x0  }
0x14c: {  	s7 =	simm.s32 $0x2000;
	[sflag:s24] =	ssyncadd.s32 $0xFFFFF800  }
0x14d: {  	[tilespmem:s3], [sflag:$0x5] =	stream.indirect.gather [hbm4b:s19+s28], $0x1, s7, s28, $0xb8;
	[tilespmem:$0x6080] =	vst v63  }
0x14e: {  	s13 =	simm.s32 $0x0;
	s8 =	rddreg [dreg:$0x10]  }
0x14f: {  	v1 =	vmax.f32 v1, $0.0e+00;
	[tilespmem:s10], [sflag:$0xC] =	stream.strided.gather [hbm4b:s8+s25], $0x800, s26, s25, $0x38;
	[tilespmem:$0x6080] =	vst v63  }
0x150: {  	s31 =	simm.s32 $0x40;
	v0 =	vadd.f32 v1, v0;
	v1 =	vld [tilespmem:s13+$0x5800]  }
.LBB2_12:
0x151: {  	p0 =	sne.s32 s31, $0x1FC0  }
.Ltmp5:
0x152: {  	_ = 	snop;
	(pc) =	sbr.rel @p0 .LBB2_12-.Ltmp5, $3  }
0x153: {  	_ =	sdelay $0x1  }
0x154: {  	s0 =	sshra.s32 s31, $0x2;
	s31 =	sadd.s32 $0x40, s31;
	v2 =	vmax.f32 v1, $0.0e+00  }
0x155: {  	v1 =	vld [tilespmem:s0+$0x5800];
	v0 =	vadd.f32 v2, v0  }
0x156: {  	s31 =	sld [smem:$0x7E6];
	_ =	sdelay $0x1  }
0x157: {  	s0 =	simm.s32 $0x0;
	s3 =	simm.s32 $0x5800  }
0x158: {  	[hbm4b:s31+s0] =	stream.linear.scatter [tilespmem:s3], [sflag:$0x12], $0x800, $0x38;
	[tilespmem:$0x6080] =	vst v63  }
0x159: {  	_ =	swait.ge [sflag:s11], $0x800  }
0x15a: {  	[sflag:s11] =	ssyncset.done $0x0  }
0x15b: {  	[sflag:s11] =	ssyncadd.s32 $0xFFFFF800  }
0x15c: {  	_ =	swait.ge [sflag:s12], $0x800  }
0x15d: {  	[sflag:s12] =	ssyncset.done $0x0  }
0x15e: {  	[sflag:s12] =	ssyncadd.s32 $0xFFFFF800  }
0x15f: {  	_ =	swait.ge [sflag:s29], $0x800  }
0x160: {  	[sflag:s29] =	ssyncset.done $0x0  }
0x161: {  	[sflag:s29] =	ssyncadd.s32 $0xFFFFF800  }
0x162: {  	[tilespmem:s3], [sflag:$0x6] =	stream.indirect.gather [hbm4b:s19+s28], $0x1, s10, s28, $0xb8;
	[tilespmem:$0x6080] =	vst v63  }
0x163: {  	s13 =	simm.s32 $0x0;
	s31 =	rddreg [dreg:$0x11]  }
0x164: {  	v1 =	vmax.f32 v1, $0.0e+00;
	[tilespmem:s0], [sflag:$0x7] =	stream.strided.gather [hbm4b:s31+s25], $0x800, s26, s25, $0x38;
	[tilespmem:$0x6080] =	vst v63  }
0x165: {  	v0 =	vadd.f32 v1, v0;
	s31 =	simm.s32 $0x40;
	v1 =	vld [tilespmem:s13+$0x3000]  }
.LBB2_14:
0x166: {  	p0 =	sne.s32 s31, $0x1FC0  }
.Ltmp6:
0x167: {  	_ = 	snop;
	(pc) =	sbr.rel @p0 .LBB2_14-.Ltmp6, $3  }
0x168: {  	_ =	sdelay $0x1  }
0x169: {  	s0 =	sshra.s32 s31, $0x2;
	s31 =	sadd.s32 $0x40, s31;
	v2 =	vmax.f32 v1, $0.0e+00  }
0x16a: {  	v1 =	vld [tilespmem:s0+$0x3000];
	v0 =	vadd.f32 v2, v0  }
0x16b: {  	s31 =	sld [smem:$0x7E7];
	_ =	sdelay $0x1  }
0x16c: {  	s0 =	simm.s32 $0x0  }
0x16d: {  	[hbm4b:s31+s0] =	stream.linear.scatter [tilespmem:s2], [sflag:$0xD], $0x800, $0x38;
	[tilespmem:$0x6080] =	vst v63  }
0x16e: {  	_ =	swait.ge [sflag:s14], $0x800  }
0x16f: {  	[sflag:s14] =	ssyncset.done $0x0  }
0x170: {  	[sflag:s14] =	ssyncadd.s32 $0xFFFFF800  }
0x171: {  	_ =	swait.ge [sflag:s1], $0x800  }
0x172: {  	[sflag:s1] =	ssyncset.done $0x0  }
0x173: {  	[sflag:s1] =	ssyncadd.s32 $0xFFFFF800  }
0x174: {  	_ =	swait.ge [sflag:s15], $0x800  }
0x175: {  	[sflag:s15] =	ssyncset.done $0x0  }
0x176: {  	[sflag:s15] =	ssyncadd.s32 $0xFFFFF800  }
0x177: {  	[tilespmem:s2], [sflag:$0x1] =	stream.indirect.gather [hbm4b:s19+s28], $0x1, s0, s28, $0xb8;
	[tilespmem:$0x6080] =	vst v63  }
0x178: {  	s13 =	simm.s32 $0x0;
	s8 =	rddreg [dreg:$0x12]  }
0x179: {  	v1 =	vmax.f32 v1, $0.0e+00;
	[tilespmem:s28], [sflag:$0x8] =	stream.strided.gather [hbm4b:s8+s25], $0x800, s26, s25, $0x38;
	[tilespmem:$0x6080] =	vst v63  }
0x17a: {  	s31 =	simm.s32 $0x40;
	v0 =	vadd.f32 v1, v0;
	v1 =	vld [tilespmem:s13+$0x3800]  }
.LBB2_16:
0x17b: {  	p0 =	sne.s32 s31, $0x1FC0  }
.Ltmp7:
0x17c: {  	_ = 	snop;
	(pc) =	sbr.rel @p0 .LBB2_16-.Ltmp7, $3  }
0x17d: {  	_ =	sdelay $0x1  }
0x17e: {  	s0 =	sshra.s32 s31, $0x2;
	s31 =	sadd.s32 $0x40, s31;
	v2 =	vmax.f32 v1, $0.0e+00  }
0x17f: {  	v1 =	vld [tilespmem:s0+$0x3800];
	v0 =	vadd.f32 v2, v0  }
0x180: {  	s31 =	sld [smem:$0x7E8];
	_ =	sdelay $0x1  }
0x181: {  	s0 =	simm.s32 $0x0;
	s13 =	simm.s32 $0x3800  }
0x182: {  	[hbm4b:s31+s0] =	stream.linear.scatter [tilespmem:s13], [sflag:$0xE], $0x800, $0x38;
	[tilespmem:$0x6080] =	vst v63  }
0x183: {  	_ =	swait.ge [sflag:s16], $0x800  }
0x184: {  	[sflag:s16] =	ssyncset.done $0x0  }
0x185: {  	s7 =	simm.s32 $0x8;
	[sflag:s16] =	ssyncadd.s32 $0xFFFFF800  }
0x186: {  	_ =	swait.ge [sflag:s7], $0x800  }
0x187: {  	[sflag:s7] =	ssyncset.done $0x0  }
0x188: {  	[sflag:s7] =	ssyncadd.s32 $0xFFFFF800  }
0x189: {  	_ =	swait.ge [sflag:s17], $0x800  }
0x18a: {  	[sflag:s17] =	ssyncset.done $0x0  }
0x18b: {  	[sflag:s17] =	ssyncadd.s32 $0xFFFFF800  }
0x18c: {  	[tilespmem:s13], [sflag:$0x2] =	stream.indirect.gather [hbm4b:s19+s28], $0x1, s28, s28, $0xb8;
	[tilespmem:$0x6080] =	vst v63  }
0x18d: {  	s8 =	rddreg [dreg:$0x13];
	s13 =	simm.s32 $0x0  }
0x18e: {  	v1 =	vmax.f32 v1, $0.0e+00;
	[tilespmem:s4], [sflag:$0x9] =	stream.strided.gather [hbm4b:s8+s25], $0x800, s26, s25, $0x38;
	[tilespmem:$0x6080] =	vst v63  }
0x18f: {  	s31 =	simm.s32 $0x40;
	v0 =	vadd.f32 v1, v0;
	v1 =	vld [tilespmem:s13+$0x4000]  }
.LBB2_18:
0x190: {  	p0 =	sne.s32 s31, $0x1FC0  }
.Ltmp8:
0x191: {  	_ = 	snop;
	(pc) =	sbr.rel @p0 .LBB2_18-.Ltmp8, $3  }
0x192: {  	_ =	sdelay $0x1  }
0x193: {  	s0 =	sshra.s32 s31, $0x2;
	s31 =	sadd.s32 $0x40, s31;
	v2 =	vmax.f32 v1, $0.0e+00  }
0x194: {  	v1 =	vld [tilespmem:s0+$0x4000];
	v0 =	vadd.f32 v2, v0  }
0x195: {  	s31 =	sld [smem:$0x7E9];
	_ =	sdelay $0x1  }
0x196: {  	s0 =	simm.s32 $0x0;
	s8 =	simm.s32 $0x4000  }
0x197: {  	[hbm4b:s31+s0] =	stream.linear.scatter [tilespmem:s8], [sflag:$0xF], $0x800, $0x38;
	[tilespmem:$0x6080] =	vst v63  }
0x198: {  	_ =	swait.ge [sflag:s18], $0x800  }
0x199: {  	[sflag:s18] =	ssyncset.done $0x0  }
0x19a: {  	s7 =	simm.s32 $0x9;
	[sflag:s18] =	ssyncadd.s32 $0xFFFFF800  }
0x19b: {  	_ =	swait.ge [sflag:s7], $0x800  }
0x19c: {  	[sflag:s7] =	ssyncset.done $0x0  }
0x19d: {  	[sflag:s7] =	ssyncadd.s32 $0xFFFFF800  }
0x19e: {  	_ =	swait.ge [sflag:s20], $0x800  }
0x19f: {  	[sflag:s20] =	ssyncset.done $0x0  }
0x1a0: {  	[sflag:s20] =	ssyncadd.s32 $0xFFFFF800  }
0x1a1: {  	[tilespmem:s8], [sflag:$0x3] =	stream.indirect.gather [hbm4b:s19+s28], $0x1, s4, s28, $0xb8;
	[tilespmem:$0x6080] =	vst v63  }
0x1a2: {  	s13 =	simm.s32 $0x0;
	s8 =	rddreg [dreg:$0x14]  }
0x1a3: {  	v1 =	vmax.f32 v1, $0.0e+00;
	[tilespmem:s6], [sflag:$0xA] =	stream.strided.gather [hbm4b:s8+s25], $0x800, s26, s25, $0x38;
	[tilespmem:$0x6080] =	vst v63  }
0x1a4: {  	s31 =	simm.s32 $0x40;
	v0 =	vadd.f32 v1, v0;
	v1 =	vld [tilespmem:s13+$0x4800]  }
.LBB2_20:
0x1a5: {  	p0 =	sne.s32 s31, $0x1FC0  }
.Ltmp9:
0x1a6: {  	_ = 	snop;
	(pc) =	sbr.rel @p0 .LBB2_20-.Ltmp9, $3  }
0x1a7: {  	_ =	sdelay $0x1  }
0x1a8: {  	s0 =	sshra.s32 s31, $0x2;
	s31 =	sadd.s32 $0x40, s31;
	v2 =	vmax.f32 v1, $0.0e+00  }
0x1a9: {  	v1 =	vld [tilespmem:s0+$0x4800];
	v0 =	vadd.f32 v2, v0  }
0x1aa: {  	s31 =	sld [smem:$0x7EA];
	_ =	sdelay $0x1  }
0x1ab: {  	s0 =	simm.s32 $0x0;
	s3 =	simm.s32 $0x4800  }
0x1ac: {  	[hbm4b:s31+s0] =	stream.linear.scatter [tilespmem:s3], [sflag:$0x10], $0x800, $0x38;
	[tilespmem:$0x6080] =	vst v63  }
0x1ad: {  	_ =	swait.ge [sflag:s21], $0x800  }
0x1ae: {  	[sflag:s21] =	ssyncset.done $0x0  }
0x1af: {  	s5 =	simm.s32 $0xA;
	[sflag:s21] =	ssyncadd.s32 $0xFFFFF800  }
0x1b0: {  	_ =	swait.ge [sflag:s5], $0x800  }
0x1b1: {  	[sflag:s5] =	ssyncset.done $0x0  }
0x1b2: {  	[sflag:s5] =	ssyncadd.s32 $0xFFFFF800  }
0x1b3: {  	_ =	swait.ge [sflag:s22], $0x800  }
0x1b4: {  	[sflag:s22] =	ssyncset.done $0x0  }
0x1b5: {  	[sflag:s22] =	ssyncadd.s32 $0xFFFFF800  }
0x1b6: {  	[tilespmem:s3], [sflag:$0x4] =	stream.indirect.gather [hbm4b:s19+s28], $0x1, s6, s28, $0xb8;
	[tilespmem:$0x6080] =	vst v63  }
0x1b7: {  	s8 =	simm.s32 $0x2000;
	s13 =	simm.s32 $0x0;
	s7 =	rddreg [dreg:$0x15]  }
0x1b8: {  	v1 =	vmax.f32 v1, $0.0e+00;
	[tilespmem:s8], [sflag:$0xB] =	stream.strided.gather [hbm4b:s7+s25], $0x800, s26, s25, $0x38;
	[tilespmem:$0x6080] =	vst v63  }
0x1b9: {  	s31 =	simm.s32 $0x40;
	v0 =	vadd.f32 v1, v0;
	v1 =	vld [tilespmem:s13+$0x5000]  }
.LBB2_22:
0x1ba: {  	p0 =	sne.s32 s31, $0x1FC0  }
.Ltmp10:
0x1bb: {  	_ = 	snop;
	(pc) =	sbr.rel @p0 .LBB2_22-.Ltmp10, $3  }
0x1bc: {  	_ =	sdelay $0x1  }
0x1bd: {  	s0 =	sshra.s32 s31, $0x2;
	s31 =	sadd.s32 $0x40, s31;
	v2 =	vmax.f32 v1, $0.0e+00  }
0x1be: {  	v1 =	vld [tilespmem:s0+$0x5000];
	v0 =	vadd.f32 v2, v0  }
0x1bf: {  	s31 =	sld [smem:$0x7EB];
	_ =	sdelay $0x1  }
0x1c0: {  	s0 =	simm.s32 $0x0;
	s3 =	simm.s32 $0x5000  }
0x1c1: {  	[hbm4b:s31+s0] =	stream.linear.scatter [tilespmem:s3], [sflag:$0x11], $0x800, $0x38;
	[tilespmem:$0x6080] =	vst v63  }
0x1c2: {  	_ =	swait.ge [sflag:s23], $0x800  }
0x1c3: {  	[sflag:s23] =	ssyncset.done $0x0  }
0x1c4: {  	[sflag:s23] =	ssyncadd.s32 $0xFFFFF800  }
0x1c5: {  	_ =	swait.ge [sflag:s9], $0x800  }
0x1c6: {  	[sflag:s9] =	ssyncset.done $0x0  }
0x1c7: {  	[sflag:s9] =	ssyncadd.s32 $0xFFFFF800  }
0x1c8: {  	_ =	swait.ge [sflag:s24], $0x800  }
0x1c9: {  	[sflag:s24] =	ssyncset.done $0x0  }
0x1ca: {  	s7 =	simm.s32 $0x2000;
	[sflag:s24] =	ssyncadd.s32 $0xFFFFF800  }
0x1cb: {  	[tilespmem:s3], [sflag:$0x5] =	stream.indirect.gather [hbm4b:s19+s28], $0x1, s7, s28, $0xb8;
	[tilespmem:$0x6080] =	vst v63  }
0x1cc: {  	s13 =	simm.s32 $0x0;
	s8 =	rddreg [dreg:$0x16]  }
0x1cd: {  	v1 =	vmax.f32 v1, $0.0e+00;
	[tilespmem:s10], [sflag:$0xC] =	stream.strided.gather [hbm4b:s8+s25], $0x800, s26, s25, $0x38;
	[tilespmem:$0x6080] =	vst v63  }
0x1ce: {  	s31 =	simm.s32 $0x40;
	v0 =	vadd.f32 v1, v0;
	v1 =	vld [tilespmem:s13+$0x5800]  }
.LBB2_24:
0x1cf: {  	p0 =	sne.s32 s31, $0x1FC0  }
.Ltmp11:
0x1d0: {  	_ = 	snop;
	(pc) =	sbr.rel @p0 .LBB2_24-.Ltmp11, $3  }
0x1d1: {  	_ =	sdelay $0x1  }
0x1d2: {  	s0 =	sshra.s32 s31, $0x2;
	s31 =	sadd.s32 $0x40, s31;
	v2 =	vmax.f32 v1, $0.0e+00  }
0x1d3: {  	v1 =	vld [tilespmem:s0+$0x5800];
	v0 =	vadd.f32 v2, v0  }
0x1d4: {  	s31 =	sld [smem:$0x7EC];
	_ =	sdelay $0x1  }
0x1d5: {  	s0 =	simm.s32 $0x0;
	s3 =	simm.s32 $0x5800  }
0x1d6: {  	[hbm4b:s31+s0] =	stream.linear.scatter [tilespmem:s3], [sflag:$0x12], $0x800, $0x38;
	[tilespmem:$0x6080] =	vst v63  }
0x1d7: {  	_ =	swait.ge [sflag:s11], $0x800  }
0x1d8: {  	[sflag:s11] =	ssyncset.done $0x0  }
0x1d9: {  	[sflag:s11] =	ssyncadd.s32 $0xFFFFF800  }
0x1da: {  	_ =	swait.ge [sflag:s12], $0x800  }
0x1db: {  	[sflag:s12] =	ssyncset.done $0x0  }
0x1dc: {  	[sflag:s12] =	ssyncadd.s32 $0xFFFFF800  }
0x1dd: {  	_ =	swait.ge [sflag:s29], $0x800  }
0x1de: {  	[sflag:s29] =	ssyncset.done $0x0  }
0x1df: {  	[sflag:s29] =	ssyncadd.s32 $0xFFFFF800  }
0x1e0: {  	[tilespmem:s3], [sflag:$0x6] =	stream.indirect.gather [hbm4b:s19+s28], $0x1, s10, s28, $0xb8;
	[tilespmem:$0x6080] =	vst v63  }
0x1e1: {  	s13 =	simm.s32 $0x0;
	s31 =	rddreg [dreg:$0x17]  }
0x1e2: {  	v1 =	vmax.f32 v1, $0.0e+00;
	[tilespmem:s0], [sflag:$0x7] =	stream.strided.gather [hbm4b:s31+s25], $0x800, s26, s25, $0x38;
	[tilespmem:$0x6080] =	vst v63  }
0x1e3: {  	v0 =	vadd.f32 v1, v0;
	s31 =	simm.s32 $0x40;
	v1 =	vld [tilespmem:s13+$0x3000]  }
.LBB2_26:
0x1e4: {  	p0 =	sne.s32 s31, $0x1FC0  }
.Ltmp12:
0x1e5: {  	_ = 	snop;
	(pc) =	sbr.rel @p0 .LBB2_26-.Ltmp12, $3  }
0x1e6: {  	_ =	sdelay $0x1  }
0x1e7: {  	s0 =	sshra.s32 s31, $0x2;
	s31 =	sadd.s32 $0x40, s31;
	v2 =	vmax.f32 v1, $0.0e+00  }
0x1e8: {  	v1 =	vld [tilespmem:s0+$0x3000];
	v0 =	vadd.f32 v2, v0  }
0x1e9: {  	s31 =	sld [smem:$0x7ED];
	_ =	sdelay $0x1  }
0x1ea: {  	s0 =	simm.s32 $0x0  }
0x1eb: {  	[hbm4b:s31+s0] =	stream.linear.scatter [tilespmem:s2], [sflag:$0xD], $0x800, $0x38;
	[tilespmem:$0x6080] =	vst v63  }
0x1ec: {  	_ =	swait.ge [sflag:s14], $0x800  }
0x1ed: {  	[sflag:s14] =	ssyncset.done $0x0  }
0x1ee: {  	[sflag:s14] =	ssyncadd.s32 $0xFFFFF800  }
0x1ef: {  	_ =	swait.ge [sflag:s1], $0x800  }
0x1f0: {  	[sflag:s1] =	ssyncset.done $0x0  }
0x1f1: {  	[sflag:s1] =	ssyncadd.s32 $0xFFFFF800  }
0x1f2: {  	_ =	swait.ge [sflag:s15], $0x800  }
0x1f3: {  	[sflag:s15] =	ssyncset.done $0x0  }
0x1f4: {  	[sflag:s15] =	ssyncadd.s32 $0xFFFFF800  }
0x1f5: {  	[tilespmem:s2], [sflag:$0x1] =	stream.indirect.gather [hbm4b:s19+s28], $0x1, s0, s28, $0xb8;
	[tilespmem:$0x6080] =	vst v63  }
0x1f6: {  	s13 =	simm.s32 $0x0;
	s8 =	rddreg [dreg:$0x18]  }
0x1f7: {  	v1 =	vmax.f32 v1, $0.0e+00;
	[tilespmem:s28], [sflag:$0x8] =	stream.strided.gather [hbm4b:s8+s25], $0x800, s26, s25, $0x38;
	[tilespmem:$0x6080] =	vst v63  }
0x1f8: {  	s31 =	simm.s32 $0x40;
	v0 =	vadd.f32 v1, v0;
	v1 =	vld [tilespmem:s13+$0x3800]  }
.LBB2_28:
0x1f9: {  	p0 =	sne.s32 s31, $0x1FC0  }
.Ltmp13:
0x1fa: {  	_ = 	snop;
	(pc) =	sbr.rel @p0 .LBB2_28-.Ltmp13, $3  }
0x1fb: {  	_ =	sdelay $0x1  }
0x1fc: {  	s0 =	sshra.s32 s31, $0x2;
	s31 =	sadd.s32 $0x40, s31;
	v2 =	vmax.f32 v1, $0.0e+00  }
0x1fd: {  	v1 =	vld [tilespmem:s0+$0x3800];
	v0 =	vadd.f32 v2, v0  }
0x1fe: {  	s31 =	sld [smem:$0x7EE];
	_ =	sdelay $0x1  }
0x1ff: {  	s0 =	simm.s32 $0x0;
	s2 =	simm.s32 $0x3800  }
0x200: {  	[hbm4b:s31+s0] =	stream.linear.scatter [tilespmem:s2], [sflag:$0xE], $0x800, $0x38;
	[tilespmem:$0x6080] =	vst v63  }
0x201: {  	_ =	swait.ge [sflag:s16], $0x800  }
0x202: {  	[sflag:s16] =	ssyncset.done $0x0  }
0x203: {  	s5 =	simm.s32 $0x8;
	[sflag:s16] =	ssyncadd.s32 $0xFFFFF800  }
0x204: {  	_ =	swait.ge [sflag:s5], $0x800  }
0x205: {  	[sflag:s5] =	ssyncset.done $0x0  }
0x206: {  	[sflag:s5] =	ssyncadd.s32 $0xFFFFF800  }
0x207: {  	_ =	swait.ge [sflag:s17], $0x800  }
0x208: {  	[sflag:s17] =	ssyncset.done $0x0  }
0x209: {  	[sflag:s17] =	ssyncadd.s32 $0xFFFFF800  }
0x20a: {  	[tilespmem:s2], [sflag:$0x2] =	stream.indirect.gather [hbm4b:s19+s28], $0x1, s28, s28, $0xb8;
	[tilespmem:$0x6080] =	vst v63  }
0x20b: {  	s8 =	simm.s32 $0x0;
	s7 =	rddreg [dreg:$0x19]  }
0x20c: {  	v1 =	vmax.f32 v1, $0.0e+00;
	[tilespmem:s4], [sflag:$0x9] =	stream.strided.gather [hbm4b:s7+s25], $0x800, s26, s25, $0x38;
	[tilespmem:$0x6080] =	vst v63  }
0x20d: {  	s13 =	simm.s32 $0x3800;
	s31 =	simm.s32 $0x40;
	v0 =	vadd.f32 v1, v0;
	v1 =	vld [tilespmem:s8+$0x4000]  }
.LBB2_30:
0x20e: {  	p0 =	sne.s32 s31, $0x1FC0  }
.Ltmp14:
0x20f: {  	_ = 	snop;
	(pc) =	sbr.rel @p0 .LBB2_30-.Ltmp14, $3  }
0x210: {  	_ =	sdelay $0x1  }
0x211: {  	s0 =	sshra.s32 s31, $0x2;
	s31 =	sadd.s32 $0x40, s31;
	v2 =	vmax.f32 v1, $0.0e+00  }
0x212: {  	v1 =	vld [tilespmem:s0+$0x4000];
	v0 =	vadd.f32 v2, v0  }
0x213: {  	s31 =	sld [smem:$0x7EF];
	_ =	sdelay $0x1  }
0x214: {  	s0 =	simm.s32 $0x0;
	s2 =	simm.s32 $0x4000  }
0x215: {  	[hbm4b:s31+s0] =	stream.linear.scatter [tilespmem:s2], [sflag:$0xF], $0x800, $0x38;
	[tilespmem:$0x6080] =	vst v63  }
0x216: {  	_ =	swait.ge [sflag:s18], $0x800  }
0x217: {  	[sflag:s18] =	ssyncset.done $0x0  }
0x218: {  	s3 =	simm.s32 $0x9;
	[sflag:s18] =	ssyncadd.s32 $0xFFFFF800  }
0x219: {  	_ =	swait.ge [sflag:s3], $0x800  }
0x21a: {  	[sflag:s3] =	ssyncset.done $0x0  }
0x21b: {  	[sflag:s3] =	ssyncadd.s32 $0xFFFFF800  }
0x21c: {  	_ =	swait.ge [sflag:s20], $0x800  }
0x21d: {  	[sflag:s20] =	ssyncset.done $0x0  }
0x21e: {  	[sflag:s20] =	ssyncadd.s32 $0xFFFFF800  }
0x21f: {  	[tilespmem:s2], [sflag:$0x3] =	stream.indirect.gather [hbm4b:s19+s28], $0x1, s4, s28, $0xb8;
	[tilespmem:$0x6080] =	vst v63  }
0x220: {  	s7 =	simm.s32 $0x0;
	s5 =	rddreg [dreg:$0x1a]  }
0x221: {  	v1 =	vmax.f32 v1, $0.0e+00;
	[tilespmem:s6], [sflag:$0xA] =	stream.strided.gather [hbm4b:s5+s25], $0x800, s26, s25, $0x38;
	[tilespmem:$0x6080] =	vst v63  }
0x222: {  	s8 =	simm.s32 $0x4000;
	s31 =	simm.s32 $0x40;
	v0 =	vadd.f32 v1, v0;
	v1 =	vld [tilespmem:s7+$0x4800]  }
.LBB2_32:
0x223: {  	p0 =	sne.s32 s31, $0x1FC0  }
.Ltmp15:
0x224: {  	_ = 	snop;
	(pc) =	sbr.rel @p0 .LBB2_32-.Ltmp15, $3  }
0x225: {  	_ =	sdelay $0x1  }
0x226: {  	s0 =	sshra.s32 s31, $0x2;
	s31 =	sadd.s32 $0x40, s31;
	v2 =	vmax.f32 v1, $0.0e+00  }
0x227: {  	v1 =	vld [tilespmem:s0+$0x4800];
	v0 =	vadd.f32 v2, v0  }
0x228: {  	s31 =	sld [smem:$0x7F0];
	_ =	sdelay $0x1  }
0x229: {  	s0 =	simm.s32 $0x0;
	s2 =	simm.s32 $0x4800  }
0x22a: {  	[hbm4b:s31+s0] =	stream.linear.scatter [tilespmem:s2], [sflag:$0x10], $0x800, $0x38;
	[tilespmem:$0x6080] =	vst v63  }
0x22b: {  	_ =	swait.ge [sflag:s21], $0x800  }
0x22c: {  	[sflag:s21] =	ssyncset.done $0x0  }
0x22d: {  	s4 =	simm.s32 $0xA;
	[sflag:s21] =	ssyncadd.s32 $0xFFFFF800  }
0x22e: {  	_ =	swait.ge [sflag:s4], $0x800  }
0x22f: {  	[sflag:s4] =	ssyncset.done $0x0  }
0x230: {  	[sflag:s4] =	ssyncadd.s32 $0xFFFFF800  }
0x231: {  	_ =	swait.ge [sflag:s22], $0x800  }
0x232: {  	[sflag:s22] =	ssyncset.done $0x0  }
0x233: {  	[sflag:s22] =	ssyncadd.s32 $0xFFFFF800  }
0x234: {  	[tilespmem:s2], [sflag:$0x4] =	stream.indirect.gather [hbm4b:s19+s28], $0x1, s6, s28, $0xb8;
	[tilespmem:$0x6080] =	vst v63  }
0x235: {  	s7 =	simm.s32 $0x0;
	s5 =	rddreg [dreg:$0x1b];
	s6 =	simm.s32 $0x2000  }
0x236: {  	v1 =	vmax.f32 v1, $0.0e+00;
	[tilespmem:s6], [sflag:$0xB] =	stream.strided.gather [hbm4b:s5+s25], $0x800, s26, s25, $0x38;
	[tilespmem:$0x6080] =	vst v63  }
0x237: {  	s3 =	simm.s32 $0x4800;
	s31 =	simm.s32 $0x40;
	v0 =	vadd.f32 v1, v0;
	s2 =	simm.s32 $0x3000;
	v1 =	vld [tilespmem:s7+$0x5000]  }
.LBB2_34:
0x238: {  	p0 =	sne.s32 s31, $0x1FC0  }
.Ltmp16:
0x239: {  	_ = 	snop;
	(pc) =	sbr.rel @p0 .LBB2_34-.Ltmp16, $3  }
0x23a: {  	_ =	sdelay $0x1  }
0x23b: {  	s0 =	sshra.s32 s31, $0x2;
	s31 =	sadd.s32 $0x40, s31;
	v2 =	vmax.f32 v1, $0.0e+00  }
0x23c: {  	v1 =	vld [tilespmem:s0+$0x5000];
	v0 =	vadd.f32 v2, v0  }
0x23d: {  	s31 =	sld [smem:$0x7F1];
	_ =	sdelay $0x1  }
0x23e: {  	s0 =	simm.s32 $0x0;
	s4 =	simm.s32 $0x5000  }
0x23f: {  	[hbm4b:s31+s0] =	stream.linear.scatter [tilespmem:s4], [sflag:$0x11], $0x800, $0x38;
	[tilespmem:$0x6080] =	vst v63  }
0x240: {  	_ =	swait.ge [sflag:s23], $0x800  }
0x241: {  	[sflag:s23] =	ssyncset.done $0x0  }
0x242: {  	[sflag:s23] =	ssyncadd.s32 $0xFFFFF800  }
0x243: {  	_ =	swait.ge [sflag:s9], $0x800  }
0x244: {  	[sflag:s9] =	ssyncset.done $0x0  }
0x245: {  	[sflag:s9] =	ssyncadd.s32 $0xFFFFF800  }
0x246: {  	_ =	swait.ge [sflag:s24], $0x800  }
0x247: {  	[sflag:s24] =	ssyncset.done $0x0  }
0x248: {  	s7 =	simm.s32 $0x2000;
	[sflag:s24] =	ssyncadd.s32 $0xFFFFF800  }
0x249: {  	[tilespmem:s4], [sflag:$0x5] =	stream.indirect.gather [hbm4b:s19+s28], $0x1, s7, s28, $0xb8;
	[tilespmem:$0x6080] =	vst v63  }
0x24a: {  	s6 =	rddreg [dreg:$0x1c];
	s7 =	simm.s32 $0x0  }
0x24b: {  	v1 =	vmax.f32 v1, $0.0e+00;
	[tilespmem:s10], [sflag:$0xC] =	stream.strided.gather [hbm4b:s6+s25], $0x800, s26, s25, $0x38;
	[tilespmem:$0x6080] =	vst v63  }
0x24c: {  	s5 =	simm.s32 $0x5000;
	s31 =	simm.s32 $0x40;
	v0 =	vadd.f32 v1, v0;
	v1 =	vld [tilespmem:s7+$0x5800]  }
.LBB2_36:
0x24d: {  	p0 =	sne.s32 s31, $0x1FC0  }
.Ltmp17:
0x24e: {  	_ = 	snop;
	(pc) =	sbr.rel @p0 .LBB2_36-.Ltmp17, $3  }
0x24f: {  	_ =	sdelay $0x1  }
0x250: {  	s0 =	sshra.s32 s31, $0x2;
	s31 =	sadd.s32 $0x40, s31;
	v2 =	vmax.f32 v1, $0.0e+00  }
0x251: {  	v1 =	vld [tilespmem:s0+$0x5800];
	v0 =	vadd.f32 v2, v0  }
0x252: {  	s31 =	sld [smem:$0x7F2];
	_ =	sdelay $0x1  }
0x253: {  	s0 =	simm.s32 $0x0;
	s4 =	simm.s32 $0x5800  }
0x254: {  	[hbm4b:s31+s0] =	stream.linear.scatter [tilespmem:s4], [sflag:$0x12], $0x800, $0x38;
	[tilespmem:$0x6080] =	vst v63  }
0x255: {  	_ =	swait.ge [sflag:s11], $0x800  }
0x256: {  	[sflag:s11] =	ssyncset.done $0x0  }
0x257: {  	[sflag:s11] =	ssyncadd.s32 $0xFFFFF800  }
0x258: {  	_ =	swait.ge [sflag:s12], $0x800  }
0x259: {  	[sflag:s12] =	ssyncset.done $0x0  }
0x25a: {  	[sflag:s12] =	ssyncadd.s32 $0xFFFFF800  }
0x25b: {  	_ =	swait.ge [sflag:s29], $0x800  }
0x25c: {  	[sflag:s29] =	ssyncset.done $0x0  }
0x25d: {  	[sflag:s29] =	ssyncadd.s32 $0xFFFFF800  }
0x25e: {  	[tilespmem:s4], [sflag:$0x6] =	stream.indirect.gather [hbm4b:s19+s28], $0x1, s10, s28, $0xb8;
	[tilespmem:$0x6080] =	vst v63  }
0x25f: {  	s31 =	rddreg [dreg:$0x1d];
	s10 =	simm.s32 $0x0  }
0x260: {  	v1 =	vmax.f32 v1, $0.0e+00;
	[tilespmem:s0], [sflag:$0x7] =	stream.strided.gather [hbm4b:s31+s25], $0x800, s26, s25, $0x38;
	[tilespmem:$0x6080] =	vst v63  }
0x261: {  	s7 =	simm.s32 $0x5800;
	v0 =	vadd.f32 v1, v0;
	s31 =	simm.s32 $0x40;
	v1 =	vld [tilespmem:s10+$0x3000]  }
.LBB2_38:
0x262: {  	p0 =	sne.s32 s31, $0x1FC0  }
.Ltmp18:
0x263: {  	_ = 	snop;
	(pc) =	sbr.rel @p0 .LBB2_38-.Ltmp18, $3  }
0x264: {  	_ =	sdelay $0x1  }
0x265: {  	s0 =	sshra.s32 s31, $0x2;
	s31 =	sadd.s32 $0x40, s31;
	v2 =	vmax.f32 v1, $0.0e+00  }
0x266: {  	v1 =	vld [tilespmem:s0+$0x3000];
	v0 =	vadd.f32 v2, v0  }
0x267: {  	s31 =	sld [smem:$0x7F3];
	_ =	sdelay $0x1  }
0x268: {  	s0 =	simm.s32 $0x0  }
0x269: {  	[hbm4b:s31+s0] =	stream.linear.scatter [tilespmem:s2], [sflag:$0xD], $0x800, $0x38;
	[tilespmem:$0x6080] =	vst v63  }
0x26a: {  	_ =	swait.ge [sflag:s14], $0x800  }
0x26b: {  	[sflag:s14] =	ssyncset.done $0x0  }
0x26c: {  	[sflag:s14] =	ssyncadd.s32 $0xFFFFF800  }
0x26d: {  	_ =	swait.ge [sflag:s1], $0x800  }
0x26e: {  	[sflag:s1] =	ssyncset.done $0x0  }
0x26f: {  	[sflag:s1] =	ssyncadd.s32 $0xFFFFF800  }
0x270: {  	_ =	swait.ge [sflag:s15], $0x800  }
0x271: {  	[sflag:s15] =	ssyncset.done $0x0  }
0x272: {  	s10 =	simm.s32 $0x0;
	[sflag:s15] =	ssyncadd.s32 $0xFFFFF800  }
0x273: {  	v1 =	vmax.f32 v1, $0.0e+00;
	[tilespmem:s2], [sflag:$0x1] =	stream.indirect.gather [hbm4b:s19+s28], $0x1, s0, s28, $0xb8;
	[tilespmem:$0x6080] =	vst v63  }
0x274: {  	s31 =	simm.s32 $0x40;
	v0 =	vadd.f32 v1, v0;
	v1 =	vld [tilespmem:s10+$0x3800]  }
.LBB2_40:
0x275: {  	p0 =	sne.s32 s31, $0x1FC0  }
.Ltmp19:
0x276: {  	_ = 	snop;
	(pc) =	sbr.rel @p0 .LBB2_40-.Ltmp19, $3  }
0x277: {  	_ =	sdelay $0x1  }
0x278: {  	s0 =	sshra.s32 s31, $0x2;
	s31 =	sadd.s32 $0x40, s31;
	v2 =	vmax.f32 v1, $0.0e+00  }
0x279: {  	v1 =	vld [tilespmem:s0+$0x3800];
	v0 =	vadd.f32 v2, v0  }
0x27a: {  	s31 =	sld [smem:$0x7F4];
	_ =	sdelay $0x1  }
0x27b: {  	s0 =	simm.s32 $0x0  }
0x27c: {  	[hbm4b:s31+s0] =	stream.linear.scatter [tilespmem:s13], [sflag:$0xE], $0x800, $0x38;
	[tilespmem:$0x6080] =	vst v63  }
0x27d: {  	_ =	swait.ge [sflag:s16], $0x800  }
0x27e: {  	[sflag:s16] =	ssyncset.done $0x0  }
0x27f: {  	s10 =	simm.s32 $0x0;
	v1 =	vmax.f32 v1, $0.0e+00;
	[sflag:s16] =	ssyncadd.s32 $0xFFFFF800  }
0x280: {  	s31 =	simm.s32 $0x40;
	v0 =	vadd.f32 v1, v0;
	v1 =	vld [tilespmem:s10+$0x4000]  }
.LBB2_42:
0x281: {  	p0 =	sne.s32 s31, $0x1FC0  }
.Ltmp20:
0x282: {  	_ = 	snop;
	(pc) =	sbr.rel @p0 .LBB2_42-.Ltmp20, $3  }
0x283: {  	_ =	sdelay $0x1  }
0x284: {  	s0 =	sshra.s32 s31, $0x2;
	s31 =	sadd.s32 $0x40, s31;
	v2 =	vmax.f32 v1, $0.0e+00  }
0x285: {  	v1 =	vld [tilespmem:s0+$0x4000];
	v0 =	vadd.f32 v2, v0  }
0x286: {  	s31 =	sld [smem:$0x7F5];
	_ =	sdelay $0x1  }
0x287: {  	s0 =	simm.s32 $0x0  }
0x288: {  	[hbm4b:s31+s0] =	stream.linear.scatter [tilespmem:s8], [sflag:$0xF], $0x800, $0x38;
	[tilespmem:$0x6080] =	vst v63  }
0x289: {  	_ =	swait.ge [sflag:s18], $0x800  }
0x28a: {  	[sflag:s18] =	ssyncset.done $0x0  }
0x28b: {  	s10 =	simm.s32 $0x0;
	v1 =	vmax.f32 v1, $0.0e+00;
	[sflag:s18] =	ssyncadd.s32 $0xFFFFF800  }
0x28c: {  	s31 =	simm.s32 $0x40;
	v0 =	vadd.f32 v1, v0;
	v1 =	vld [tilespmem:s10+$0x4800]  }
.LBB2_44:
0x28d: {  	p0 =	sne.s32 s31, $0x1FC0  }
.Ltmp21:
0x28e: {  	_ = 	snop;
	(pc) =	sbr.rel @p0 .LBB2_44-.Ltmp21, $3  }
0x28f: {  	_ =	sdelay $0x1  }
0x290: {  	s0 =	sshra.s32 s31, $0x2;
	s31 =	sadd.s32 $0x40, s31;
	v2 =	vmax.f32 v1, $0.0e+00  }
0x291: {  	v1 =	vld [tilespmem:s0+$0x4800];
	v0 =	vadd.f32 v2, v0  }
0x292: {  	s31 =	sld [smem:$0x7F6];
	_ =	sdelay $0x1  }
0x293: {  	s0 =	simm.s32 $0x0  }
0x294: {  	[hbm4b:s31+s0] =	stream.linear.scatter [tilespmem:s3], [sflag:$0x10], $0x800, $0x38;
	[tilespmem:$0x6080] =	vst v63  }
0x295: {  	_ =	swait.ge [sflag:s21], $0x800  }
0x296: {  	[sflag:s21] =	ssyncset.done $0x0  }
0x297: {  	s10 =	simm.s32 $0x0;
	v1 =	vmax.f32 v1, $0.0e+00;
	[sflag:s21] =	ssyncadd.s32 $0xFFFFF800  }
0x298: {  	s31 =	simm.s32 $0x40;
	v0 =	vadd.f32 v1, v0;
	v1 =	vld [tilespmem:s10+$0x5000]  }
.LBB2_46:
0x299: {  	p0 =	sne.s32 s31, $0x1FC0  }
.Ltmp22:
0x29a: {  	_ = 	snop;
	(pc) =	sbr.rel @p0 .LBB2_46-.Ltmp22, $3  }
0x29b: {  	_ =	sdelay $0x1  }
0x29c: {  	s0 =	sshra.s32 s31, $0x2;
	s31 =	sadd.s32 $0x40, s31;
	v2 =	vmax.f32 v1, $0.0e+00  }
0x29d: {  	v1 =	vld [tilespmem:s0+$0x5000];
	v0 =	vadd.f32 v2, v0  }
0x29e: {  	s31 =	sld [smem:$0x7F7];
	_ =	sdelay $0x1  }
0x29f: {  	s0 =	simm.s32 $0x0  }
0x2a0: {  	[hbm4b:s31+s0] =	stream.linear.scatter [tilespmem:s5], [sflag:$0x11], $0x800, $0x38;
	[tilespmem:$0x6080] =	vst v63  }
0x2a1: {  	_ =	swait.ge [sflag:s23], $0x800  }
0x2a2: {  	[sflag:s23] =	ssyncset.done $0x0  }
0x2a3: {  	s10 =	simm.s32 $0x0;
	v1 =	vmax.f32 v1, $0.0e+00;
	[sflag:s23] =	ssyncadd.s32 $0xFFFFF800  }
0x2a4: {  	s31 =	simm.s32 $0x40;
	v0 =	vadd.f32 v1, v0;
	v1 =	vld [tilespmem:s10+$0x5800]  }
.LBB2_48:
0x2a5: {  	p0 =	sne.s32 s31, $0x1FC0  }
.Ltmp23:
0x2a6: {  	_ = 	snop;
	(pc) =	sbr.rel @p0 .LBB2_48-.Ltmp23, $3  }
0x2a7: {  	_ =	sdelay $0x1  }
0x2a8: {  	s0 =	sshra.s32 s31, $0x2;
	s31 =	sadd.s32 $0x40, s31;
	v2 =	vmax.f32 v1, $0.0e+00  }
0x2a9: {  	v1 =	vld [tilespmem:s0+$0x5800];
	v0 =	vadd.f32 v2, v0  }
0x2aa: {  	s31 =	sld [smem:$0x7F8];
	_ =	sdelay $0x1  }
0x2ab: {  	s0 =	simm.s32 $0x0  }
0x2ac: {  	[hbm4b:s31+s0] =	stream.linear.scatter [tilespmem:s7], [sflag:$0x12], $0x800, $0x38;
	[tilespmem:$0x6080] =	vst v63  }
0x2ad: {  	_ =	swait.ge [sflag:s11], $0x800  }
0x2ae: {  	[sflag:s11] =	ssyncset.done $0x0  }
0x2af: {  	s10 =	simm.s32 $0x0;
	v1 =	vmax.f32 v1, $0.0e+00;
	[sflag:s11] =	ssyncadd.s32 $0xFFFFF800  }
0x2b0: {  	s31 =	simm.s32 $0x40;
	v0 =	vadd.f32 v1, v0;
	v1 =	vld [tilespmem:s10+$0x3000]  }
.LBB2_50:
0x2b1: {  	p0 =	sne.s32 s31, $0x1FC0  }
.Ltmp24:
0x2b2: {  	_ = 	snop;
	(pc) =	sbr.rel @p0 .LBB2_50-.Ltmp24, $3  }
0x2b3: {  	_ =	sdelay $0x1  }
0x2b4: {  	s0 =	sshra.s32 s31, $0x2;
	s31 =	sadd.s32 $0x40, s31;
	v2 =	vmax.f32 v1, $0.0e+00  }
0x2b5: {  	v1 =	vld [tilespmem:s0+$0x3000];
	v0 =	vadd.f32 v2, v0  }
0x2b6: {  	s0 =	sld [smem:$0x7F9];
	_ =	sdelay $0x1  }
0x2b7: {  	s31 =	simm.s32 $0x0  }
0x2b8: {  	[hbm4b:s0+s31] =	stream.linear.scatter [tilespmem:s2], [sflag:$0xD], $0x800, $0x38;
	[tilespmem:$0x6080] =	vst v63  }
0x2b9: {  	_ =	swait.ge [sflag:s17], $0x800  }
0x2ba: {  	[sflag:s17] =	ssyncset.done $0x0  }
0x2bb: {  	[sflag:s17] =	ssyncadd.s32 $0xFFFFF800  }
0x2bc: {  	_ =	swait.ge [sflag:s20], $0x800  }
0x2bd: {  	[sflag:s20] =	ssyncset.done $0x0  }
0x2be: {  	[sflag:s20] =	ssyncadd.s32 $0xFFFFF800  }
0x2bf: {  	_ =	swait.ge [sflag:s22], $0x800  }
0x2c0: {  	[sflag:s22] =	ssyncset.done $0x0  }
0x2c1: {  	[sflag:s22] =	ssyncadd.s32 $0xFFFFF800  }
0x2c2: {  	_ =	swait.ge [sflag:s24], $0x800  }
0x2c3: {  	[sflag:s24] =	ssyncset.done $0x0  }
0x2c4: {  	[sflag:s24] =	ssyncadd.s32 $0xFFFFF800  }
0x2c5: {  	_ =	swait.ge [sflag:s29], $0x800  }
0x2c6: {  	[sflag:s29] =	ssyncset.done $0x0  }
0x2c7: {  	[sflag:s29] =	ssyncadd.s32 $0xFFFFF800  }
0x2c8: {  	v1 =	vmax.f32 v1, $0.0e+00;
	_ =	swait.ge [sflag:s15], $0x800  }
0x2c9: {  	v0 =	vadd.f32 v1, v0;
	[sflag:s15] =	ssyncset.done $0x0;
	s10 =	sld [smem:$0x7FB]  }
0x2ca: {  	[sflag:s15] =	ssyncadd.s32 $0xFFFFF800  }
0x2cb: {  	s4 =	simm.s32 $0x6000;
	s6 =	simm.s32 $0x13;
	[tilespmem:$0x6000] =	vst v0  }
0x2cc: {  	[hbm4b:s10+s31] =	stream.linear.scatter [tilespmem:s4], [sflag:$0x13], $0x80, $0x38;
	[tilespmem:$0x6080] =	vst v63  }
0x2cd: {  	_ =	swait.ge [sflag:s6], $0x80  }
0x2ce: {  	s10 =	sld [smem:$0x7FD];
	_ =	sdelay $0x1  }
0x2cf: {  	s30 =	sadd.s32 $0x1, s30  }
0x2d0: {  	p0 =	sne.s32 s30, s10  }
.Ltmp25:
0x2d1: {  	_ = 	snop;
	(pc) =	sbr.rel @p0 .LBB2_1-.Ltmp25, $3  }
0x2d2: {  	_ =	sdelay $0x1  }
0x2d3: {  	[sflag:s6] =	ssyncset.done $0x0  }
0x2d4: {  	[sflag:s6] =	ssyncadd.s32 $0xFFFFFF80  }
0x2d5: {  	_ =	sfence.sel $0x180000  }
0x2d6: {  	[bflag:$0x0] =	sbarrier.arrive $0xFFFF  }
0x2d7: {  	_ =	strace $0x90000047  }
0x2d8: {  	s0 =	stileid.u32;
	[bflag:$0x2] =	sbarrier.arrive $0xFFFF  }
0x2d9: {  	p0 =	sne.s32 s0, $0x0;
	s0 =	rddreg [dreg:$0x4]  }
0x2da: {  	s0 =	sadd.s32 @!p0 $0x100000, s0  }
0x2db: {  	[sflag:s0] =	ssyncadd.tile.s32 @!p0 $0x1;
	_ =	shalt  }
.Lfunc_end2:
_tile_overlayer_lowered:
.L_overlay_start_2:
0x2dc: {  	(tag) =	ssettag $0x2  }
0x2dd: {  	s0 =	rddreg [dreg:$0x0];
	s2 =	stileid.u32  }
0x2de: {  	s1 =	rddreg [dreg:$0x1];
	p0 =	sne.s32 s2, $0x0  }
0x2df: {  	s3 =	rddreg [dreg:$0x2];
	[bflag:$0x3] =	sbarrier.arrive $0xFFFF;
	s2 =	simm.s32 @!p0 $0x1C13  }
0x2e0: {  	[timem:s3], [sflag:s2] =	dma.local @!p0 [hbm:s0], s1  }
0x2e1: {  	s0 =	simm.s32 @!p0 $0x13  }
0x2e2: {  	_ =	swait.ge @!p0 [sflag:s0], s1  }
0x2e3: {  	s1 =	ssub.s32 @!p0 $0x0, s1;
	[sflag:s0] =	ssyncset.done @!p0 $0x0  }
0x2e4: {  	[sflag:s0] =	ssyncadd.s32 @!p0 s1  }
0x2e5: {  	[bflag:$0x3] =	sbarrier.arrive $0xFFFF  }
0x2e6: {  	_ =	shalt  }

</sc_bundles>
